<compile_context>
chip_gen: v7x
topology: tpu7x:2x2x1
jax: 0.10.2.dev20260603
libtpu: 0.0.44.dev20260713+nightly
codegen_flags: <defaults>
</compile_context>

<pallas_src>
import functools

import jax
import jax.numpy as jnp
from jax import lax
from jax.experimental import pallas as pl
from jax.experimental.pallas import tpu as pltpu
from jax.experimental.pallas import tpu_sc as plsc

N_CORES = 2
N_SUBCORES = 16
LANES = 16
NW = N_CORES * N_SUBCORES

_SC_MESH = plsc.VectorSubcoreMesh(
    core_axis_name="c", subcore_axis_name="s",
    num_cores=N_CORES, num_subcores=N_SUBCORES)


def _dense1_body(x_ref, cw0_ref, cw1_ref, cw2_ref, cb_ref, g_ref, b_ref,
                 w1_ref, out_ref):
    x = x_ref[...]
    s = jnp.dot(x, cw0_ref[...], preferred_element_type=jnp.float32)
    t = jnp.dot(x, cw1_ref[...], preferred_element_type=jnp.float32)
    u = jnp.dot(x, cw2_ref[...], preferred_element_type=jnp.float32)
    zrow = jnp.zeros((1, s.shape[1]), jnp.float32)
    h1 = (t
          + jnp.concatenate([zrow, s[:-1]], axis=0)
          + jnp.concatenate([u[1:], zrow], axis=0)
          + cb_ref[...])
    mean = jnp.mean(h1, axis=0, keepdims=True)
    var = jnp.mean((h1 - mean) ** 2, axis=0, keepdims=True)
    hn = (h1 - mean) * lax.rsqrt(var + 1e-5) * g_ref[...] + b_ref[...]
    hn = jnp.maximum(hn, 0.0)
    out_ref[...] = jnp.dot(hn, w1_ref[...], preferred_element_type=jnp.float32)


def _dense1(x, cw0, cw1, cw2, cb, g, b, w1):
    n = x.shape[0]
    f = w1.shape[1]
    return pl.pallas_call(
        _dense1_body,
        out_shape=jax.ShapeDtypeStruct((n, f), jnp.float32),
    )(x, cw0, cw1, cw2, cb, g, b, w1)


def _dense2_body(acc_ref, b1_ref, w2_ref, feat2_ref, s2_ref):
    h2 = jnp.maximum(acc_ref[0] + acc_ref[1] + b1_ref[...], 0.0)
    feat2_ref[...] = jnp.dot(h2, w2_ref[...], preferred_element_type=jnp.float32)
    s2_ref[...] = jnp.sum(h2, axis=0, keepdims=True)


def _dense2(acc, b1, w2p):
    n = acc.shape[1]
    f1 = acc.shape[2]
    f2 = w2p.shape[1]
    return pl.pallas_call(
        _dense2_body,
        out_shape=(jax.ShapeDtypeStruct((n, f2), jnp.float32),
                   jax.ShapeDtypeStruct((1, f1), jnp.float32)),
    )(acc, b1, w2p)


def _dense3_body(acc_ref, b2_ref, s2_ref, wc1_ref, wc2_ref, bc_ref, out_ref):
    h3 = jnp.maximum(acc_ref[0] + acc_ref[1] + b2_ref[...], 0.0)
    s3 = jnp.sum(h3, axis=0, keepdims=True)
    out_ref[...] = (
        jnp.dot(s2_ref[...], wc1_ref[...], preferred_element_type=jnp.float32)
        + jnp.dot(s3[:, :wc2_ref.shape[0]], wc2_ref[...],
                  preferred_element_type=jnp.float32)
        + bc_ref[...])


def _dense3(acc, b2p, s2, wc1, wc2, bc):
    return pl.pallas_call(
        _dense3_body,
        out_shape=jax.ShapeDtypeStruct((1, wc1.shape[1]), jnp.float32),
    )(acc, b2p, s2, wc1, wc2, bc)


@functools.lru_cache(maxsize=None)
def _make_edge_pass(n, e, f, chunk):
    epw = e // NW
    chunks = epw // chunk

    def body(feat_hbm, src_hbm, dst_hbm, ew_hbm, zeros_hbm, out_hbm,
             src_v, dst_v, ew_v, rows_v, acc_sh):
        cid = lax.axis_index("c")
        sid = lax.axis_index("s")
        wid = sid * N_CORES + cid

        pltpu.sync_copy(src_hbm.at[wid], src_v)
        pltpu.sync_copy(dst_hbm.at[wid], dst_v)
        pltpu.sync_copy(ew_hbm.at[pl.ds(wid * epw, epw)], ew_v)

        @pl.when(sid == 0)
        def _():
            pltpu.sync_copy(zeros_hbm, acc_sh)

        plsc.subcore_barrier()

        def chunk_body(i, carry):
            pltpu.sync_copy(feat_hbm.at[src_v.at[i]], rows_v)

            def group_body(gi, c2):
                wv = ew_v[pl.ds(i * chunk + gi * LANES, LANES)]
                for l in range(LANES):
                    ei = gi * LANES + l
                    w = wv[l]
                    for j in range(f // LANES):
                        blk = rows_v[ei, pl.ds(j * LANES, LANES)]
                        rows_v[ei, pl.ds(j * LANES, LANES)] = blk * w
                return c2

            lax.fori_loop(0, chunk // LANES, group_body, 0)
            pltpu.sync_copy(rows_v, acc_sh.at[dst_v.at[i]], add=True)
            return carry

        lax.fori_loop(0, chunks, chunk_body, 0)
        plsc.subcore_barrier()

        @pl.when(sid == 0)
        def _():
            pltpu.sync_copy(acc_sh, out_hbm.at[cid])

    return pl.kernel(
        body,
        out_type=jax.ShapeDtypeStruct((N_CORES, n, f), jnp.float32),
        mesh=_SC_MESH,
        scratch_types=[
            pltpu.VMEM((chunks, chunk), jnp.int32),
            pltpu.VMEM((chunks, chunk), jnp.int32),
            pltpu.VMEM((epw,), jnp.float32),
            pltpu.VMEM((chunk, f), jnp.float32),
            pltpu.VMEM_SHARED((n, f), jnp.float32),
        ],
        compiler_params=pltpu.CompilerParams(use_tc_tiling_on_sc=False),
    )


def _edge_pass(feat, src2d, dst2d, ew, zeros, chunk):
    n, f = feat.shape
    e = ew.shape[0]
    return _make_edge_pass(n, e, f, chunk)(feat, src2d, dst2d, ew, zeros)


def kernel(x, edge_index, edge_weight, conv_w, conv_b, bn_gamma, bn_beta,
           W1, b1, W2, b2, Wc, bc):
    n = x.shape[0]
    e = edge_index.shape[1]
    f1 = W1.shape[1]
    f2p = 64

    chunk = 80
    cw0 = conv_w[:, :, 0].T
    cw1 = conv_w[:, :, 1].T
    cw2 = conv_w[:, :, 2].T
    feat1 = _dense1(x, cw0, cw1, cw2, conv_b[None], bn_gamma[None],
                    bn_beta[None], W1)

    src2d = edge_index[0].reshape(NW, e // (NW * chunk), chunk)
    dst2d = edge_index[1].reshape(NW, e // (NW * chunk), chunk)

    zeros1 = jnp.zeros((n, f1), jnp.float32)
    acc1 = _edge_pass(feat1, src2d, dst2d, edge_weight, zeros1, chunk)

    w2p = jnp.zeros((f1, f2p), jnp.float32).at[:, :W2.shape[1]].set(W2)
    feat2, s2 = _dense2(acc1, b1[None], w2p)

    zeros2 = jnp.zeros((n, f2p), jnp.float32)
    acc2 = _edge_pass(feat2, src2d, dst2d, edge_weight, zeros2, chunk)

    b2p = jnp.zeros((1, f2p), jnp.float32).at[0, :b2.shape[0]].set(b2)
    wc1 = Wc[:f1]
    wc2 = Wc[f1:]
    return _dense3(acc2, b2p, s2, wc1, wc2, bc)

# --- scband reference (transcript-rebuilt; emitter-appended) ---
"""Pipeline reference for scband-classifier6-54022098649413 (READ-ONLY COPY).

The authoritative reference and input builder live on the scoring server;
editing this copy changes nothing except your own understanding.
"""

import jax, jax.numpy as jnp
import numpy as np

N = 10000
E = 320000

def setup_inputs(seed: int = 0) -> dict:
    key = jax.random.key(seed)
    ks = jax.random.split(key, 13)
    inp = {}
    inp['x'] = jax.random.normal(ks[0], (N, 128), dtype=jnp.float32)
    inp['edge_index'] = jax.random.randint(ks[1], (2, E), 0, N, dtype=jnp.int32)
    inp['edge_weight'] = jax.random.uniform(ks[2], (E,), dtype=jnp.float32)
    inp['conv_w'] = jax.random.normal(ks[3], (128, 128, 3), dtype=jnp.float32) * 0.05
    inp['conv_b'] = jax.random.normal(ks[4], (128,), dtype=jnp.float32) * 0.05
    inp['bn_gamma'] = 1.0 + 0.1 * jax.random.normal(ks[5], (128,), dtype=jnp.float32)
    inp['bn_beta'] = 0.1 * jax.random.normal(ks[6], (128,), dtype=jnp.float32)
    inp['W1'] = jax.random.normal(ks[7], (128, 96), dtype=jnp.float32) * 0.05
    inp['b1'] = jax.random.normal(ks[8], (96,), dtype=jnp.float32) * 0.05
    inp['W2'] = jax.random.normal(ks[9], (96, 54), dtype=jnp.float32) * 0.05
    inp['b2'] = jax.random.normal(ks[10], (54,), dtype=jnp.float32) * 0.05
    inp['Wc'] = jax.random.normal(ks[11], (150, 5), dtype=jnp.float32) * 0.05
    inp['bc'] = jax.random.normal(ks[12], (5,), dtype=jnp.float32) * 0.05
    return inp

def reference(x, edge_index, edge_weight, conv_w, conv_b, bn_gamma, bn_beta, W1, b1, W2, b2, Wc, bc):
    n = x.shape[0]
    # h0 = x.unsqueeze(0).permute(0,2,1) -> [1,128,N]
    h0 = x[None].transpose(0, 2, 1)
    # Conv1d(128,128,k=3,pad=1)
    h = jax.lax.conv_general_dilated(h0, conv_w, window_strides=(1,), padding=[(1, 1)], dimension_numbers=('NCH', 'OIH', 'NCH'))
    h = h + conv_b[None, :, None]
    h1 = h[0].T  # [N,128]
    # BatchNorm1d (training-mode batch statistics, biased variance)
    mean = h1.mean(axis=0)
    var = h1.var(axis=0)
    h1 = (h1 - mean) / jnp.sqrt(var + 1e-5) * bn_gamma + bn_beta
    h1 = jax.nn.relu(h1)
    src = edge_index[0]
    dst = edge_index[1]
    # DGL GraphConv(128->96, norm='none'): in>out so mult W first, then weighted scatter-add
    feat1 = h1 @ W1
    msg1 = feat1[src] * edge_weight[:, None]
    h2 = jnp.zeros((n, W1.shape[1]), x.dtype).at[dst].add(msg1) + b1
    h2 = jax.nn.relu(h2)
    # GraphConv(96->54, norm='none')
    feat2 = h2 @ W2
    msg2 = feat2[src] * edge_weight[:, None]
    h3 = jnp.zeros((n, W2.shape[1]), x.dtype).at[dst].add(msg2) + b2
    h3 = jax.nn.relu(h3)
    # dropout is identity in eval
    hcat = jnp.concatenate([h2, h3], axis=1)  # [N,150]
    hg = hcat.sum(axis=0, keepdims=True)  # sum readout over single graph -> [1,150]
    return hg @ Wc + bc  # [1,5]

if __name__ == "__main__":
    import jax
    _d = setup_inputs()
    print(jax.jit(kernel)(*tuple(_d.values())))

</pallas_src>

<mosaic_0001>
#map = affine_map<(d0, d1) -> (0, 0)>
#map1 = affine_map<(d0, d1) -> (0, 0, 0)>
#map2 = affine_map<(d0, d1) -> (0)>
module attributes {stable_mosaic.version = 14 : i64} {
  func.func @body(%arg0: i32, %arg1: i32, %arg2: memref<10000x96xf32, #tpu.memory_space<hbm>>, %arg3: memref<32x125x80xi32, #tpu.memory_space<hbm>>, %arg4: memref<32x125x80xi32, #tpu.memory_space<hbm>>, %arg5: memref<320000xf32, #tpu.memory_space<hbm>>, %arg6: memref<10000x96xf32, #tpu.memory_space<hbm>>, %arg7: memref<2x10000x96xf32, #tpu.memory_space<hbm>>, %arg8: memref<125x80xi32, #tpu.memory_space<vmem>>, %arg9: memref<125x80xi32, #tpu.memory_space<vmem>>, %arg10: memref<10000xf32, #tpu.memory_space<vmem>>, %arg11: memref<80x96xf32, #tpu.memory_space<vmem>>, %arg12: memref<10000x96xf32, #tpu.memory_space<vmem_shared>>) attributes {dimension_semantics = [#tpu.dimension_semantics<core_parallel>, #tpu.dimension_semantics<subcore_parallel>], iteration_bounds = array<i64: 2, 16>, scalar_prefetch = 0 : i64, scratch_operands = 5 : i64, tpu.core_type = #tpu.core_type<sc_vector_subcore>, window_params = [{transform_indices = #map}, {transform_indices = #map1}, {transform_indices = #map1}, {transform_indices = #map2}, {transform_indices = #map}, {transform_indices = #map1}]} {
    %mul3A = arith.constant 2 : i32
    %mul3A_0 = arith.muli %arg1, %mul3A : i32
    %add3A = arith.addi %mul3A_0, %arg0 : i32
    "tpu.region"() ({
      %run_scoped3A = tpu.sem_alloc : memref<!tpu.dma_semaphore, #tpu.memory_space<semaphore_mem>>
      %dma_start3A = arith.constant 0 : i32
      %dma_start3A_16 = arith.constant 0 : i32
      %dma_start3A_17 = tpu.memref_slice %arg3[%add3A, %dma_start3A, %dma_start3A_16] : memref<32x125x80xi32, #tpu.memory_space<hbm>> -> memref<1x125x80xi32, #tpu.memory_space<hbm>>
      %dma_start3A_18 = tpu.memref_squeeze %dma_start3A_17 : memref<1x125x80xi32, #tpu.memory_space<hbm>> -> memref<125x80xi32, #tpu.memory_space<hbm>>
      %dma_start3A_19 = arith.constant 0 : i32
      %dma_start3A_20 = arith.constant 0 : i32
      %dma_start3A_21 = tpu.memref_slice %arg3[%add3A, %dma_start3A_19, %dma_start3A_20] : memref<32x125x80xi32, #tpu.memory_space<hbm>> -> memref<1x125x80xi32, #tpu.memory_space<hbm>>
      %dma_start3A_22 = tpu.memref_squeeze %dma_start3A_21 : memref<1x125x80xi32, #tpu.memory_space<hbm>> -> memref<125x80xi32, #tpu.memory_space<hbm>>
      tpu.enqueue_dma source(%dma_start3A_22 : memref<125x80xi32, #tpu.memory_space<hbm>>) target(%arg8 : memref<125x80xi32, #tpu.memory_space<vmem>>) target_semaphore(%run_scoped3A : memref<!tpu.dma_semaphore, #tpu.memory_space<semaphore_mem>>)
      %dma_wait3A = arith.constant 0 : i32
      %dma_wait3A_23 = arith.constant 0 : i32
      %dma_wait3A_24 = tpu.memref_slice %arg3[%add3A, %dma_wait3A, %dma_wait3A_23] : memref<32x125x80xi32, #tpu.memory_space<hbm>> -> memref<1x125x80xi32, #tpu.memory_space<hbm>>
      %dma_wait3A_25 = tpu.memref_squeeze %dma_wait3A_24 : memref<1x125x80xi32, #tpu.memory_space<hbm>> -> memref<125x80xi32, #tpu.memory_space<hbm>>
      %dma_wait3A_26 = arith.constant 0 : i32
      %dma_wait3A_27 = arith.constant 0 : i32
      %dma_wait3A_28 = tpu.memref_slice %arg3[%add3A, %dma_wait3A_26, %dma_wait3A_27] : memref<32x125x80xi32, #tpu.memory_space<hbm>> -> memref<1x125x80xi32, #tpu.memory_space<hbm>>
      %dma_wait3A_29 = tpu.memref_squeeze %dma_wait3A_28 : memref<1x125x80xi32, #tpu.memory_space<hbm>> -> memref<125x80xi32, #tpu.memory_space<hbm>>
      tpu.wait_dma2 semaphore(%run_scoped3A : memref<!tpu.dma_semaphore, #tpu.memory_space<semaphore_mem>>) src(%dma_wait3A_29 : memref<125x80xi32, #tpu.memory_space<hbm>>) dst(%arg8 : memref<125x80xi32, #tpu.memory_space<vmem>>)
      tpu.yield
    }) : () -> ()
    "tpu.region"() ({
      %run_scoped3A = tpu.sem_alloc : memref<!tpu.dma_semaphore, #tpu.memory_space<semaphore_mem>>
      %dma_start3A = arith.constant 0 : i32
      %dma_start3A_16 = arith.constant 0 : i32
      %dma_start3A_17 = tpu.memref_slice %arg4[%add3A, %dma_start3A, %dma_start3A_16] : memref<32x125x80xi32, #tpu.memory_space<hbm>> -> memref<1x125x80xi32, #tpu.memory_space<hbm>>
      %dma_start3A_18 = tpu.memref_squeeze %dma_start3A_17 : memref<1x125x80xi32, #tpu.memory_space<hbm>> -> memref<125x80xi32, #tpu.memory_space<hbm>>
      %dma_start3A_19 = arith.constant 0 : i32
      %dma_start3A_20 = arith.constant 0 : i32
      %dma_start3A_21 = tpu.memref_slice %arg4[%add3A, %dma_start3A_19, %dma_start3A_20] : memref<32x125x80xi32, #tpu.memory_space<hbm>> -> memref<1x125x80xi32, #tpu.memory_space<hbm>>
      %dma_start3A_22 = tpu.memref_squeeze %dma_start3A_21 : memref<1x125x80xi32, #tpu.memory_space<hbm>> -> memref<125x80xi32, #tpu.memory_space<hbm>>
      tpu.enqueue_dma source(%dma_start3A_22 : memref<125x80xi32, #tpu.memory_space<hbm>>) target(%arg9 : memref<125x80xi32, #tpu.memory_space<vmem>>) target_semaphore(%run_scoped3A : memref<!tpu.dma_semaphore, #tpu.memory_space<semaphore_mem>>)
      %dma_wait3A = arith.constant 0 : i32
      %dma_wait3A_23 = arith.constant 0 : i32
      %dma_wait3A_24 = tpu.memref_slice %arg4[%add3A, %dma_wait3A, %dma_wait3A_23] : memref<32x125x80xi32, #tpu.memory_space<hbm>> -> memref<1x125x80xi32, #tpu.memory_space<hbm>>
      %dma_wait3A_25 = tpu.memref_squeeze %dma_wait3A_24 : memref<1x125x80xi32, #tpu.memory_space<hbm>> -> memref<125x80xi32, #tpu.memory_space<hbm>>
      %dma_wait3A_26 = arith.constant 0 : i32
      %dma_wait3A_27 = arith.constant 0 : i32
      %dma_wait3A_28 = tpu.memref_slice %arg4[%add3A, %dma_wait3A_26, %dma_wait3A_27] : memref<32x125x80xi32, #tpu.memory_space<hbm>> -> memref<1x125x80xi32, #tpu.memory_space<hbm>>
      %dma_wait3A_29 = tpu.memref_squeeze %dma_wait3A_28 : memref<1x125x80xi32, #tpu.memory_space<hbm>> -> memref<125x80xi32, #tpu.memory_space<hbm>>
      tpu.wait_dma2 semaphore(%run_scoped3A : memref<!tpu.dma_semaphore, #tpu.memory_space<semaphore_mem>>) src(%dma_wait3A_29 : memref<125x80xi32, #tpu.memory_space<hbm>>) dst(%arg9 : memref<125x80xi32, #tpu.memory_space<vmem>>)
      tpu.yield
    }) : () -> ()
    %mul3A_1 = arith.constant 10000 : i32
    %mul3A_2 = arith.muli %add3A, %mul3A_1 : i32
    "tpu.region"() ({
      %run_scoped3A = tpu.sem_alloc : memref<!tpu.dma_semaphore, #tpu.memory_space<semaphore_mem>>
      %dma_start3A = tpu.memref_slice %arg5[%mul3A_2] : memref<320000xf32, #tpu.memory_space<hbm>> -> memref<10000xf32, #tpu.memory_space<hbm>>
      %dma_start3A_16 = tpu.memref_slice %arg5[%mul3A_2] : memref<320000xf32, #tpu.memory_space<hbm>> -> memref<10000xf32, #tpu.memory_space<hbm>>
      tpu.enqueue_dma source(%dma_start3A_16 : memref<10000xf32, #tpu.memory_space<hbm>>) target(%arg10 : memref<10000xf32, #tpu.memory_space<vmem>>) target_semaphore(%run_scoped3A : memref<!tpu.dma_semaphore, #tpu.memory_space<semaphore_mem>>)
      %dma_wait3A = tpu.memref_slice %arg5[%mul3A_2] : memref<320000xf32, #tpu.memory_space<hbm>> -> memref<10000xf32, #tpu.memory_space<hbm>>
      %dma_wait3A_17 = tpu.memref_slice %arg5[%mul3A_2] : memref<320000xf32, #tpu.memory_space<hbm>> -> memref<10000xf32, #tpu.memory_space<hbm>>
      tpu.wait_dma2 semaphore(%run_scoped3A : memref<!tpu.dma_semaphore, #tpu.memory_space<semaphore_mem>>) src(%dma_wait3A_17 : memref<10000xf32, #tpu.memory_space<hbm>>) dst(%arg10 : memref<10000xf32, #tpu.memory_space<vmem>>)
      tpu.yield
    }) : () -> ()
    %eq3A = arith.constant 0 : i32
    %eq3A_3 = arith.cmpi eq, %arg1, %eq3A : i32
    %convert_element_type3A = arith.extui %eq3A_3 : i1 to i32
    %cond3A = arith.constant 0 : i32
    %cond3A_4 = arith.cmpi ne, %convert_element_type3A, %cond3A : i32
    scf.if %cond3A_4 {
      "tpu.region"() ({
        %run_scoped3A = tpu.sem_alloc : memref<!tpu.dma_semaphore, #tpu.memory_space<semaphore_mem>>
        tpu.enqueue_dma source(%arg6 : memref<10000x96xf32, #tpu.memory_space<hbm>>) target(%arg12 : memref<10000x96xf32, #tpu.memory_space<vmem_shared>>) target_semaphore(%run_scoped3A : memref<!tpu.dma_semaphore, #tpu.memory_space<semaphore_mem>>)
        tpu.wait_dma2 semaphore(%run_scoped3A : memref<!tpu.dma_semaphore, #tpu.memory_space<semaphore_mem>>) src(%arg6 : memref<10000x96xf32, #tpu.memory_space<hbm>>) dst(%arg12 : memref<10000x96xf32, #tpu.memory_space<vmem_shared>>)
        tpu.yield
      }) : () -> ()
    } else {
    }
    %barrier3A = arith.constant 0 : index
    tpu.barrier barrier_id(%barrier3A)
    %scan3A = arith.constant 0 : i32
    %scan3A_5 = arith.constant 0 : i32
    %scan3A_6 = arith.constant 125 : i32
    %scan3A_7 = arith.addi %scan3A_5, %scan3A_6 : i32
    %scan3A_8 = arith.constant 1 : i32
    scf.for %scan3A_16 = %scan3A_5 to %scan3A_7 step %scan3A_8  : i32 {
      "tpu.region"() ({
        %run_scoped3A = tpu.sem_alloc : memref<!tpu.dma_semaphore, #tpu.memory_space<semaphore_mem>>
        %dma_start3A = arith.constant 0 : i32
        %dma_start3A_23 = tpu.memref_slice %arg8[%scan3A_16, %dma_start3A] : memref<125x80xi32, #tpu.memory_space<vmem>> -> memref<1x80xi32, #tpu.memory_space<vmem>>
        %dma_start3A_24 = tpu.memref_squeeze %dma_start3A_23 : memref<1x80xi32, #tpu.memory_space<vmem>> -> memref<80xi32, #tpu.memory_space<vmem>>
        %dma_start3A_25 = arith.constant 0 : i32
        %dma_start3A_26 = arith.constant 0 : i32
        %dma_start3A_27 = tpu.memref_slice %arg2[%dma_start3A_25, %dma_start3A_26] : memref<10000x96xf32, #tpu.memory_space<hbm>> -> memref<10000x96xf32, #tpu.memory_space<hbm>>
        tpu.enqueue_indirect_dma source(%dma_start3A_27 : memref<10000x96xf32, #tpu.memory_space<hbm>>) target(%arg11 : memref<80x96xf32, #tpu.memory_space<vmem>>) offsets(%dma_start3A_24 : memref<80xi32, #tpu.memory_space<vmem>>) semaphore(%run_scoped3A : memref<!tpu.dma_semaphore, #tpu.memory_space<semaphore_mem>>)
        %dma_wait3A = arith.constant 0 : i32
        %dma_wait3A_28 = tpu.memref_slice %arg8[%scan3A_16, %dma_wait3A] : memref<125x80xi32, #tpu.memory_space<vmem>> -> memref<1x80xi32, #tpu.memory_space<vmem>>
        %dma_wait3A_29 = tpu.memref_squeeze %dma_wait3A_28 : memref<1x80xi32, #tpu.memory_space<vmem>> -> memref<80xi32, #tpu.memory_space<vmem>>
        %dma_wait3A_30 = arith.constant 0 : i32
        %dma_wait3A_31 = arith.constant 0 : i32
        %dma_wait3A_32 = tpu.memref_slice %arg2[%dma_wait3A_30, %dma_wait3A_31] : memref<10000x96xf32, #tpu.memory_space<hbm>> -> memref<10000x96xf32, #tpu.memory_space<hbm>>
        tpu.wait_indirect_dma semaphore(%run_scoped3A : memref<!tpu.dma_semaphore, #tpu.memory_space<semaphore_mem>>) src(%dma_wait3A_32 : memref<10000x96xf32, #tpu.memory_space<hbm>>) dst(%arg11 : memref<80x96xf32, #tpu.memory_space<vmem>>)
        tpu.yield
      }) : () -> ()
      %scan3A_17 = arith.constant 0 : i32
      %scan3A_18 = arith.constant 0 : i32
      %scan3A_19 = arith.constant 5 : i32
      %scan3A_20 = arith.addi %scan3A_18, %scan3A_19 : i32
      %scan3A_21 = arith.constant 1 : i32
      scf.for %scan3A_23 = %scan3A_18 to %scan3A_20 step %scan3A_21  : i32 {
        %mul3A_24 = arith.constant 80 : i32
        %mul3A_25 = arith.muli %scan3A_16, %mul3A_24 : i32
        %mul3A_26 = arith.constant 16 : i32
        %mul3A_27 = arith.muli %scan3A_23, %mul3A_26 : i32
        %add3A_28 = arith.addi %mul3A_25, %mul3A_27 : i32
        %get3A = arith.index_cast %add3A_28 : i32 to index
        %get3A_29 = tpu.vector_load %arg10[%get3A] {strides = array<i32>} : memref<10000xf32, #tpu.memory_space<vmem>>, vector<16xf32>,
        %get3A_30 = vector.shape_cast %get3A_29 : vector<16xf32> to vector<16xf32>
        %mul3A_31 = arith.constant 16 : i32
        %mul3A_32 = arith.muli %scan3A_23, %mul3A_31 : i32
        %add3A_33 = arith.constant 0 : i32
        %add3A_34 = arith.addi %mul3A_32, %add3A_33 : i32
        %slice3A = vector.extract_strided_slice %get3A_30 {offsets = [0], sizes = [1], strides = [1]} : vector<16xf32> to vector<1xf32>
        %squeeze3A = vector.extract %slice3A[0] : f32 from vector<1xf32>
        %get3A_35 = arith.index_cast %add3A_34 : i32 to index
        %get3A_36 = arith.constant 0 : index
        %get3A_37 = tpu.vector_load %arg11[%get3A_35, %get3A_36] {strides = array<i32>} : memref<80x96xf32, #tpu.memory_space<vmem>>, vector<1x16xf32>,
        %get3A_38 = vector.shape_cast %get3A_37 : vector<1x16xf32> to vector<16xf32>
        %mul3A_39 = vector.broadcast %squeeze3A : f32 to vector<16xf32>
        %mul3A_40 = arith.mulf %get3A_38, %mul3A_39 : vector<16xf32>
        %swap3A = arith.index_cast %add3A_34 : i32 to index
        %swap3A_41 = arith.constant 0 : index
        %swap3A_42 = tpu.vector_load %arg11[%swap3A, %swap3A_41] {strides = array<i32>} : memref<80x96xf32, #tpu.memory_space<vmem>>, vector<1x16xf32>,
        %swap3A_43 = vector.shape_cast %swap3A_42 : vector<1x16xf32> to vector<16xf32>
        %swap3A_44 = vector.shape_cast %mul3A_40 : vector<16xf32> to vector<1x16xf32>
        tpu.vector_store %arg11[%swap3A, %swap3A_41], %swap3A_44 {strides = array<i32>} : memref<80x96xf32, #tpu.memory_space<vmem>>, vector<1x16xf32>,
        %get3A_45 = arith.index_cast %add3A_34 : i32 to index
        %get3A_46 = arith.constant 16 : index
        %get3A_47 = tpu.vector_load %arg11[%get3A_45, %get3A_46] {strides = array<i32>} : memref<80x96xf32, #tpu.memory_space<vmem>>, vector<1x16xf32>,
        %get3A_48 = vector.shape_cast %get3A_47 : vector<1x16xf32> to vector<16xf32>
        %mul3A_49 = vector.broadcast %squeeze3A : f32 to vector<16xf32>
        %mul3A_50 = arith.mulf %get3A_48, %mul3A_49 : vector<16xf32>
        %swap3A_51 = arith.index_cast %add3A_34 : i32 to index
        %swap3A_52 = arith.constant 16 : index
        %swap3A_53 = tpu.vector_load %arg11[%swap3A_51, %swap3A_52] {strides = array<i32>} : memref<80x96xf32, #tpu.memory_space<vmem>>, vector<1x16xf32>,
        %swap3A_54 = vector.shape_cast %swap3A_53 : vector<1x16xf32> to vector<16xf32>
        %swap3A_55 = vector.shape_cast %mul3A_50 : vector<16xf32> to vector<1x16xf32>
        tpu.vector_store %arg11[%swap3A_51, %swap3A_52], %swap3A_55 {strides = array<i32>} : memref<80x96xf32, #tpu.memory_space<vmem>>, vector<1x16xf32>,
        %get3A_56 = arith.index_cast %add3A_34 : i32 to index
        %get3A_57 = arith.constant 32 : index
        %get3A_58 = tpu.vector_load %arg11[%get3A_56, %get3A_57] {strides = array<i32>} : memref<80x96xf32, #tpu.memory_space<vmem>>, vector<1x16xf32>,
        %get3A_59 = vector.shape_cast %get3A_58 : vector<1x16xf32> to vector<16xf32>
        %mul3A_60 = vector.broadcast %squeeze3A : f32 to vector<16xf32>
        %mul3A_61 = arith.mulf %get3A_59, %mul3A_60 : vector<16xf32>
        %swap3A_62 = arith.index_cast %add3A_34 : i32 to index
        %swap3A_63 = arith.constant 32 : index
        %swap3A_64 = tpu.vector_load %arg11[%swap3A_62, %swap3A_63] {strides = array<i32>} : memref<80x96xf32, #tpu.memory_space<vmem>>, vector<1x16xf32>,
        %swap3A_65 = vector.shape_cast %swap3A_64 : vector<1x16xf32> to vector<16xf32>
        %swap3A_66 = vector.shape_cast %mul3A_61 : vector<16xf32> to vector<1x16xf32>
        tpu.vector_store %arg11[%swap3A_62, %swap3A_63], %swap3A_66 {strides = array<i32>} : memref<80x96xf32, #tpu.memory_space<vmem>>, vector<1x16xf32>,
        %get3A_67 = arith.index_cast %add3A_34 : i32 to index
        %get3A_68 = arith.constant 48 : index
        %get3A_69 = tpu.vector_load %arg11[%get3A_67, %get3A_68] {strides = array<i32>} : memref<80x96xf32, #tpu.memory_space<vmem>>, vector<1x16xf32>,
        %get3A_70 = vector.shape_cast %get3A_69 : vector<1x16xf32> to vector<16xf32>
        %mul3A_71 = vector.broadcast %squeeze3A : f32 to vector<16xf32>
        %mul3A_72 = arith.mulf %get3A_70, %mul3A_71 : vector<16xf32>
        %swap3A_73 = arith.index_cast %add3A_34 : i32 to index
        %swap3A_74 = arith.constant 48 : index
        %swap3A_75 = tpu.vector_load %arg11[%swap3A_73, %swap3A_74] {strides = array<i32>} : memref<80x96xf32, #tpu.memory_space<vmem>>, vector<1x16xf32>,
        %swap3A_76 = vector.shape_cast %swap3A_75 : vector<1x16xf32> to vector<16xf32>
        %swap3A_77 = vector.shape_cast %mul3A_72 : vector<16xf32> to vector<1x16xf32>
        tpu.vector_store %arg11[%swap3A_73, %swap3A_74], %swap3A_77 {strides = array<i32>} : memref<80x96xf32, #tpu.memory_space<vmem>>, vector<1x16xf32>,
        %get3A_78 = arith.index_cast %add3A_34 : i32 to index
        %get3A_79 = arith.constant 64 : index
        %get3A_80 = tpu.vector_load %arg11[%get3A_78, %get3A_79] {strides = array<i32>} : memref<80x96xf32, #tpu.memory_space<vmem>>, vector<1x16xf32>,
        %get3A_81 = vector.shape_cast %get3A_80 : vector<1x16xf32> to vector<16xf32>
        %mul3A_82 = vector.broadcast %squeeze3A : f32 to vector<16xf32>
        %mul3A_83 = arith.mulf %get3A_81, %mul3A_82 : vector<16xf32>
        %swap3A_84 = arith.index_cast %add3A_34 : i32 to index
        %swap3A_85 = arith.constant 64 : index
        %swap3A_86 = tpu.vector_load %arg11[%swap3A_84, %swap3A_85] {strides = array<i32>} : memref<80x96xf32, #tpu.memory_space<vmem>>, vector<1x16xf32>,
        %swap3A_87 = vector.shape_cast %swap3A_86 : vector<1x16xf32> to vector<16xf32>
        %swap3A_88 = vector.shape_cast %mul3A_83 : vector<16xf32> to vector<1x16xf32>
        tpu.vector_store %arg11[%swap3A_84, %swap3A_85], %swap3A_88 {strides = array<i32>} : memref<80x96xf32, #tpu.memory_space<vmem>>, vector<1x16xf32>,
        %get3A_89 = arith.index_cast %add3A_34 : i32 to index
        %get3A_90 = arith.constant 80 : index
        %get3A_91 = tpu.vector_load %arg11[%get3A_89, %get3A_90] {strides = array<i32>} : memref<80x96xf32, #tpu.memory_space<vmem>>, vector<1x16xf32>,
        %get3A_92 = vector.shape_cast %get3A_91 : vector<1x16xf32> to vector<16xf32>
        %mul3A_93 = vector.broadcast %squeeze3A : f32 to vector<16xf32>
        %mul3A_94 = arith.mulf %get3A_92, %mul3A_93 : vector<16xf32>
        %swap3A_95 = arith.index_cast %add3A_34 : i32 to index
        %swap3A_96 = arith.constant 80 : index
        %swap3A_97 = tpu.vector_load %arg11[%swap3A_95, %swap3A_96] {strides = array<i32>} : memref<80x96xf32, #tpu.memory_space<vmem>>, vector<1x16xf32>,
        %swap3A_98 = vector.shape_cast %swap3A_97 : vector<1x16xf32> to vector<16xf32>
        %swap3A_99 = vector.shape_cast %mul3A_94 : vector<16xf32> to vector<1x16xf32>
        tpu.vector_store %arg11[%swap3A_95, %swap3A_96], %swap3A_99 {strides = array<i32>} : memref<80x96xf32, #tpu.memory_space<vmem>>, vector<1x16xf32>,
        %mul3A_100 = arith.constant 16 : i32
        %mul3A_101 = arith.muli %scan3A_23, %mul3A_100 : i32
        %add3A_102 = arith.constant 1 : i32
        %add3A_103 = arith.addi %mul3A_101, %add3A_102 : i32
        %slice3A_104 = vector.extract_strided_slice %get3A_30 {offsets = [1], sizes = [1], strides = [1]} : vector<16xf32> to vector<1xf32>
        %squeeze3A_105 = vector.extract %slice3A_104[0] : f32 from vector<1xf32>
        %get3A_106 = arith.index_cast %add3A_103 : i32 to index
        %get3A_107 = arith.constant 0 : index
        %get3A_108 = tpu.vector_load %arg11[%get3A_106, %get3A_107] {strides = array<i32>} : memref<80x96xf32, #tpu.memory_space<vmem>>, vector<1x16xf32>,
        %get3A_109 = vector.shape_cast %get3A_108 : vector<1x16xf32> to vector<16xf32>
        %mul3A_110 = vector.broadcast %squeeze3A_105 : f32 to vector<16xf32>
        %mul3A_111 = arith.mulf %get3A_109, %mul3A_110 : vector<16xf32>
        %swap3A_112 = arith.index_cast %add3A_103 : i32 to index
        %swap3A_113 = arith.constant 0 : index
        %swap3A_114 = tpu.vector_load %arg11[%swap3A_112, %swap3A_113] {strides = array<i32>} : memref<80x96xf32, #tpu.memory_space<vmem>>, vector<1x16xf32>,
        %swap3A_115 = vector.shape_cast %swap3A_114 : vector<1x16xf32> to vector<16xf32>
        %swap3A_116 = vector.shape_cast %mul3A_111 : vector<16xf32> to vector<1x16xf32>
        tpu.vector_store %arg11[%swap3A_112, %swap3A_113], %swap3A_116 {strides = array<i32>} : memref<80x96xf32, #tpu.memory_space<vmem>>, vector<1x16xf32>,
        %get3A_117 = arith.index_cast %add3A_103 : i32 to index
        %get3A_118 = arith.constant 16 : index
        %get3A_119 = tpu.vector_load %arg11[%get3A_117, %get3A_118] {strides = array<i32>} : memref<80x96xf32, #tpu.memory_space<vmem>>, vector<1x16xf32>,
        %get3A_120 = vector.shape_cast %get3A_119 : vector<1x16xf32> to vector<16xf32>
        %mul3A_121 = vector.broadcast %squeeze3A_105 : f32 to vector<16xf32>
        %mul3A_122 = arith.mulf %get3A_120, %mul3A_121 : vector<16xf32>
        %swap3A_123 = arith.index_cast %add3A_103 : i32 to index
        %swap3A_124 = arith.constant 16 : index
        %swap3A_125 = tpu.vector_load %arg11[%swap3A_123, %swap3A_124] {strides = array<i32>} : memref<80x96xf32, #tpu.memory_space<vmem>>, vector<1x16xf32>,
        %swap3A_126 = vector.shape_cast %swap3A_125 : vector<1x16xf32> to vector<16xf32>
        %swap3A_127 = vector.shape_cast %mul3A_122 : vector<16xf32> to vector<1x16xf32>
        tpu.vector_store %arg11[%swap3A_123, %swap3A_124], %swap3A_127 {strides = array<i32>} : memref<80x96xf32, #tpu.memory_space<vmem>>, vector<1x16xf32>,
        %get3A_128 = arith.index_cast %add3A_103 : i32 to index
        %get3A_129 = arith.constant 32 : index
        %get3A_130 = tpu.vector_load %arg11[%get3A_128, %get3A_129] {strides = array<i32>} : memref<80x96xf32, #tpu.memory_space<vmem>>, vector<1x16xf32>,
        %get3A_131 = vector.shape_cast %get3A_130 : vector<1x16xf32> to vector<16xf32>
        %mul3A_132 = vector.broadcast %squeeze3A_105 : f32 to vector<16xf32>
        %mul3A_133 = arith.mulf %get3A_131, %mul3A_132 : vector<16xf32>
        %swap3A_134 = arith.index_cast %add3A_103 : i32 to index
        %swap3A_135 = arith.constant 32 : index
        %swap3A_136 = tpu.vector_load %arg11[%swap3A_134, %swap3A_135] {strides = array<i32>} : memref<80x96xf32, #tpu.memory_space<vmem>>, vector<1x16xf32>,
        %swap3A_137 = vector.shape_cast %swap3A_136 : vector<1x16xf32> to vector<16xf32>
        %swap3A_138 = vector.shape_cast %mul3A_133 : vector<16xf32> to vector<1x16xf32>
        tpu.vector_store %arg11[%swap3A_134, %swap3A_135], %swap3A_138 {strides = array<i32>} : memref<80x96xf32, #tpu.memory_space<vmem>>, vector<1x16xf32>,
        %get3A_139 = arith.index_cast %add3A_103 : i32 to index
        %get3A_140 = arith.constant 48 : index
        %get3A_141 = tpu.vector_load %arg11[%get3A_139, %get3A_140] {strides = array<i32>} : memref<80x96xf32, #tpu.memory_space<vmem>>, vector<1x16xf32>,
        %get3A_142 = vector.shape_cast %get3A_141 : vector<1x16xf32> to vector<16xf32>
        %mul3A_143 = vector.broadcast %squeeze3A_105 : f32 to vector<16xf32>
        %mul3A_144 = arith.mulf %get3A_142, %mul3A_143 : vector<16xf32>
        %swap3A_145 = arith.index_cast %add3A_103 : i32 to index
        %swap3A_146 = arith.constant 48 : index
        %swap3A_147 = tpu.vector_load %arg11[%swap3A_145, %swap3A_146] {strides = array<i32>} : memref<80x96xf32, #tpu.memory_space<vmem>>, vector<1x16xf32>,
        %swap3A_148 = vector.shape_cast %swap3A_147 : vector<1x16xf32> to vector<16xf32>
        %swap3A_149 = vector.shape_cast %mul3A_144 : vector<16xf32> to vector<1x16xf32>
        tpu.vector_store %arg11[%swap3A_145, %swap3A_146], %swap3A_149 {strides = array<i32>} : memref<80x96xf32, #tpu.memory_space<vmem>>, vector<1x16xf32>,
        %get3A_150 = arith.index_cast %add3A_103 : i32 to index
        %get3A_151 = arith.constant 64 : index
        %get3A_152 = tpu.vector_load %arg11[%get3A_150, %get3A_151] {strides = array<i32>} : memref<80x96xf32, #tpu.memory_space<vmem>>, vector<1x16xf32>,
        %get3A_153 = vector.shape_cast %get3A_152 : vector<1x16xf32> to vector<16xf32>
        %mul3A_154 = vector.broadcast %squeeze3A_105 : f32 to vector<16xf32>
        %mul3A_155 = arith.mulf %get3A_153, %mul3A_154 : vector<16xf32>
        %swap3A_156 = arith.index_cast %add3A_103 : i32 to index
        %swap3A_157 = arith.constant 64 : index
        %swap3A_158 = tpu.vector_load %arg11[%swap3A_156, %swap3A_157] {strides = array<i32>} : memref<80x96xf32, #tpu.memory_space<vmem>>, vector<1x16xf32>,
        %swap3A_159 = vector.shape_cast %swap3A_158 : vector<1x16xf32> to vector<16xf32>
        %swap3A_160 = vector.shape_cast %mul3A_155 : vector<16xf32> to vector<1x16xf32>
        tpu.vector_store %arg11[%swap3A_156, %swap3A_157], %swap3A_160 {strides = array<i32>} : memref<80x96xf32, #tpu.memory_space<vmem>>, vector<1x16xf32>,
        %get3A_161 = arith.index_cast %add3A_103 : i32 to index
        %get3A_162 = arith.constant 80 : index
        %get3A_163 = tpu.vector_load %arg11[%get3A_161, %get3A_162] {strides = array<i32>} : memref<80x96xf32, #tpu.memory_space<vmem>>, vector<1x16xf32>,
        %get3A_164 = vector.shape_cast %get3A_163 : vector<1x16xf32> to vector<16xf32>
        %mul3A_165 = vector.broadcast %squeeze3A_105 : f32 to vector<16xf32>
        %mul3A_166 = arith.mulf %get3A_164, %mul3A_165 : vector<16xf32>
        %swap3A_167 = arith.index_cast %add3A_103 : i32 to index
        %swap3A_168 = arith.constant 80 : index
        %swap3A_169 = tpu.vector_load %arg11[%swap3A_167, %swap3A_168] {strides = array<i32>} : memref<80x96xf32, #tpu.memory_space<vmem>>, vector<1x16xf32>,
        %swap3A_170 = vector.shape_cast %swap3A_169 : vector<1x16xf32> to vector<16xf32>
        %swap3A_171 = vector.shape_cast %mul3A_166 : vector<16xf32> to vector<1x16xf32>
        tpu.vector_store %arg11[%swap3A_167, %swap3A_168], %swap3A_171 {strides = array<i32>} : memref<80x96xf32, #tpu.memory_space<vmem>>, vector<1x16xf32>,
        %mul3A_172 = arith.constant 16 : i32
        %mul3A_173 = arith.muli %scan3A_23, %mul3A_172 : i32
        %add3A_174 = arith.constant 2 : i32
        %add3A_175 = arith.addi %mul3A_173, %add3A_174 : i32
        %slice3A_176 = vector.extract_strided_slice %get3A_30 {offsets = [2], sizes = [1], strides = [1]} : vector<16xf32> to vector<1xf32>
        %squeeze3A_177 = vector.extract %slice3A_176[0] : f32 from vector<1xf32>
        %get3A_178 = arith.index_cast %add3A_175 : i32 to index
        %get3A_179 = arith.constant 0 : index
        %get3A_180 = tpu.vector_load %arg11[%get3A_178, %get3A_179] {strides = array<i32>} : memref<80x96xf32, #tpu.memory_space<vmem>>, vector<1x16xf32>,
        %get3A_181 = vector.shape_cast %get3A_180 : vector<1x16xf32> to vector<16xf32>
        %mul3A_182 = vector.broadcast %squeeze3A_177 : f32 to vector<16xf32>
        %mul3A_183 = arith.mulf %get3A_181, %mul3A_182 : vector<16xf32>
        %swap3A_184 = arith.index_cast %add3A_175 : i32 to index
        %swap3A_185 = arith.constant 0 : index
        %swap3A_186 = tpu.vector_load %arg11[%swap3A_184, %swap3A_185] {strides = array<i32>} : memref<80x96xf32, #tpu.memory_space<vmem>>, vector<1x16xf32>,
        %swap3A_187 = vector.shape_cast %swap3A_186 : vector<1x16xf32> to vector<16xf32>
        %swap3A_188 = vector.shape_cast %mul3A_183 : vector<16xf32> to vector<1x16xf32>
        tpu.vector_store %arg11[%swap3A_184, %swap3A_185], %swap3A_188 {strides = array<i32>} : memref<80x96xf32, #tpu.memory_space<vmem>>, vector<1x16xf32>,
        %get3A_189 = arith.index_cast %add3A_175 : i32 to index
        %get3A_190 = arith.constant 16 : index
        %get3A_191 = tpu.vector_load %arg11[%get3A_189, %get3A_190] {strides = array<i32>} : memref<80x96xf32, #tpu.memory_space<vmem>>, vector<1x16xf32>,
        %get3A_192 = vector.shape_cast %get3A_191 : vector<1x16xf32> to vector<16xf32>
        %mul3A_193 = vector.broadcast %squeeze3A_177 : f32 to vector<16xf32>
        %mul3A_194 = arith.mulf %get3A_192, %mul3A_193 : vector<16xf32>
        %swap3A_195 = arith.index_cast %add3A_175 : i32 to index
        %swap3A_196 = arith.constant 16 : index
        %swap3A_197 = tpu.vector_load %arg11[%swap3A_195, %swap3A_196] {strides = array<i32>} : memref<80x96xf32, #tpu.memory_space<vmem>>, vector<1x16xf32>,
        %swap3A_198 = vector.shape_cast %swap3A_197 : vector<1x16xf32> to vector<16xf32>
        %swap3A_199 = vector.shape_cast %mul3A_194 : vector<16xf32> to vector<1x16xf32>
        tpu.vector_store %arg11[%swap3A_195, %swap3A_196], %swap3A_199 {strides = array<i32>} : memref<80x96xf32, #tpu.memory_space<vmem>>, vector<1x16xf32>,
        %get3A_200 = arith.index_cast %add3A_175 : i32 to index
        %get3A_201 = arith.constant 32 : index
        %get3A_202 = tpu.vector_load %arg11[%get3A_200, %get3A_201] {strides = array<i32>} : memref<80x96xf32, #tpu.memory_space<vmem>>, vector<1x16xf32>,
        %get3A_203 = vector.shape_cast %get3A_202 : vector<1x16xf32> to vector<16xf32>
        %mul3A_204 = vector.broadcast %squeeze3A_177 : f32 to vector<16xf32>
        %mul3A_205 = arith.mulf %get3A_203, %mul3A_204 : vector<16xf32>
        %swap3A_206 = arith.index_cast %add3A_175 : i32 to index
        %swap3A_207 = arith.constant 32 : index
        %swap3A_208 = tpu.vector_load %arg11[%swap3A_206, %swap3A_207] {strides = array<i32>} : memref<80x96xf32, #tpu.memory_space<vmem>>, vector<1x16xf32>,
        %swap3A_209 = vector.shape_cast %swap3A_208 : vector<1x16xf32> to vector<16xf32>
        %swap3A_210 = vector.shape_cast %mul3A_205 : vector<16xf32> to vector<1x16xf32>
        tpu.vector_store %arg11[%swap3A_206, %swap3A_207], %swap3A_210 {strides = array<i32>} : memref<80x96xf32, #tpu.memory_space<vmem>>, vector<1x16xf32>,
        %get3A_211 = arith.index_cast %add3A_175 : i32 to index
        %get3A_212 = arith.constant 48 : index
        %get3A_213 = tpu.vector_load %arg11[%get3A_211, %get3A_212] {strides = array<i32>} : memref<80x96xf32, #tpu.memory_space<vmem>>, vector<1x16xf32>,
        %get3A_214 = vector.shape_cast %get3A_213 : vector<1x16xf32> to vector<16xf32>
        %mul3A_215 = vector.broadcast %squeeze3A_177 : f32 to vector<16xf32>
        %mul3A_216 = arith.mulf %get3A_214, %mul3A_215 : vector<16xf32>
        %swap3A_217 = arith.index_cast %add3A_175 : i32 to index
        %swap3A_218 = arith.constant 48 : index
        %swap3A_219 = tpu.vector_load %arg11[%swap3A_217, %swap3A_218] {strides = array<i32>} : memref<80x96xf32, #tpu.memory_space<vmem>>, vector<1x16xf32>,
        %swap3A_220 = vector.shape_cast %swap3A_219 : vector<1x16xf32> to vector<16xf32>
        %swap3A_221 = vector.shape_cast %mul3A_216 : vector<16xf32> to vector<1x16xf32>
        tpu.vector_store %arg11[%swap3A_217, %swap3A_218], %swap3A_221 {strides = array<i32>} : memref<80x96xf32, #tpu.memory_space<vmem>>, vector<1x16xf32>,
        %get3A_222 = arith.index_cast %add3A_175 : i32 to index
        %get3A_223 = arith.constant 64 : index
        %get3A_224 = tpu.vector_load %arg11[%get3A_222, %get3A_223] {strides = array<i32>} : memref<80x96xf32, #tpu.memory_space<vmem>>, vector<1x16xf32>,
        %get3A_225 = vector.shape_cast %get3A_224 : vector<1x16xf32> to vector<16xf32>
        %mul3A_226 = vector.broadcast %squeeze3A_177 : f32 to vector<16xf32>
        %mul3A_227 = arith.mulf %get3A_225, %mul3A_226 : vector<16xf32>
        %swap3A_228 = arith.index_cast %add3A_175 : i32 to index
        %swap3A_229 = arith.constant 64 : index
        %swap3A_230 = tpu.vector_load %arg11[%swap3A_228, %swap3A_229] {strides = array<i32>} : memref<80x96xf32, #tpu.memory_space<vmem>>, vector<1x16xf32>,
        %swap3A_231 = vector.shape_cast %swap3A_230 : vector<1x16xf32> to vector<16xf32>
        %swap3A_232 = vector.shape_cast %mul3A_227 : vector<16xf32> to vector<1x16xf32>
        tpu.vector_store %arg11[%swap3A_228, %swap3A_229], %swap3A_232 {strides = array<i32>} : memref<80x96xf32, #tpu.memory_space<vmem>>, vector<1x16xf32>,
        %get3A_233 = arith.index_cast %add3A_175 : i32 to index
        %get3A_234 = arith.constant 80 : index
        %get3A_235 = tpu.vector_load %arg11[%get3A_233, %get3A_234] {strides = array<i32>} : memref<80x96xf32, #tpu.memory_space<vmem>>, vector<1x16xf32>,
        %get3A_236 = vector.shape_cast %get3A_235 : vector<1x16xf32> to vector<16xf32>
        %mul3A_237 = vector.broadcast %squeeze3A_177 : f32 to vector<16xf32>
        %mul3A_238 = arith.mulf %get3A_236, %mul3A_237 : vector<16xf32>
        %swap3A_239 = arith.index_cast %add3A_175 : i32 to index
        %swap3A_240 = arith.constant 80 : index
        %swap3A_241 = tpu.vector_load %arg11[%swap3A_239, %swap3A_240] {strides = array<i32>} : memref<80x96xf32, #tpu.memory_space<vmem>>, vector<1x16xf32>,
        %swap3A_242 = vector.shape_cast %swap3A_241 : vector<1x16xf32> to vector<16xf32>
        %swap3A_243 = vector.shape_cast %mul3A_238 : vector<16xf32> to vector<1x16xf32>
        tpu.vector_store %arg11[%swap3A_239, %swap3A_240], %swap3A_243 {strides = array<i32>} : memref<80x96xf32, #tpu.memory_space<vmem>>, vector<1x16xf32>,
        %mul3A_244 = arith.constant 16 : i32
        %mul3A_245 = arith.muli %scan3A_23, %mul3A_244 : i32
        %add3A_246 = arith.constant 3 : i32
        %add3A_247 = arith.addi %mul3A_245, %add3A_246 : i32
        %slice3A_248 = vector.extract_strided_slice %get3A_30 {offsets = [3], sizes = [1], strides = [1]} : vector<16xf32> to vector<1xf32>
        %squeeze3A_249 = vector.extract %slice3A_248[0] : f32 from vector<1xf32>
        %get3A_250 = arith.index_cast %add3A_247 : i32 to index
        %get3A_251 = arith.constant 0 : index
        %get3A_252 = tpu.vector_load %arg11[%get3A_250, %get3A_251] {strides = array<i32>} : memref<80x96xf32, #tpu.memory_space<vmem>>, vector<1x16xf32>,
        %get3A_253 = vector.shape_cast %get3A_252 : vector<1x16xf32> to vector<16xf32>
        %mul3A_254 = vector.broadcast %squeeze3A_249 : f32 to vector<16xf32>
        %mul3A_255 = arith.mulf %get3A_253, %mul3A_254 : vector<16xf32>
        %swap3A_256 = arith.index_cast %add3A_247 : i32 to index
        %swap3A_257 = arith.constant 0 : index
        %swap3A_258 = tpu.vector_load %arg11[%swap3A_256, %swap3A_257] {strides = array<i32>} : memref<80x96xf32, #tpu.memory_space<vmem>>, vector<1x16xf32>,
        %swap3A_259 = vector.shape_cast %swap3A_258 : vector<1x16xf32> to vector<16xf32>
        %swap3A_260 = vector.shape_cast %mul3A_255 : vector<16xf32> to vector<1x16xf32>
        tpu.vector_store %arg11[%swap3A_256, %swap3A_257], %swap3A_260 {strides = array<i32>} : memref<80x96xf32, #tpu.memory_space<vmem>>, vector<1x16xf32>,
        %get3A_261 = arith.index_cast %add3A_247 : i32 to index
        %get3A_262 = arith.constant 16 : index
        %get3A_263 = tpu.vector_load %arg11[%get3A_261, %get3A_262] {strides = array<i32>} : memref<80x96xf32, #tpu.memory_space<vmem>>, vector<1x16xf32>,
        %get3A_264 = vector.shape_cast %get3A_263 : vector<1x16xf32> to vector<16xf32>
        %mul3A_265 = vector.broadcast %squeeze3A_249 : f32 to vector<16xf32>
        %mul3A_266 = arith.mulf %get3A_264, %mul3A_265 : vector<16xf32>
        %swap3A_267 = arith.index_cast %add3A_247 : i32 to index
        %swap3A_268 = arith.constant 16 : index
        %swap3A_269 = tpu.vector_load %arg11[%swap3A_267, %swap3A_268] {strides = array<i32>} : memref<80x96xf32, #tpu.memory_space<vmem>>, vector<1x16xf32>,
        %swap3A_270 = vector.shape_cast %swap3A_269 : vector<1x16xf32> to vector<16xf32>
        %swap3A_271 = vector.shape_cast %mul3A_266 : vector<16xf32> to vector<1x16xf32>
        tpu.vector_store %arg11[%swap3A_267, %swap3A_268], %swap3A_271 {strides = array<i32>} : memref<80x96xf32, #tpu.memory_space<vmem>>, vector<1x16xf32>,
        %get3A_272 = arith.index_cast %add3A_247 : i32 to index
        %get3A_273 = arith.constant 32 : index
        %get3A_274 = tpu.vector_load %arg11[%get3A_272, %get3A_273] {strides = array<i32>} : memref<80x96xf32, #tpu.memory_space<vmem>>, vector<1x16xf32>,
        %get3A_275 = vector.shape_cast %get3A_274 : vector<1x16xf32> to vector<16xf32>
        %mul3A_276 = vector.broadcast %squeeze3A_249 : f32 to vector<16xf32>
        %mul3A_277 = arith.mulf %get3A_275, %mul3A_276 : vector<16xf32>
        %swap3A_278 = arith.index_cast %add3A_247 : i32 to index
        %swap3A_279 = arith.constant 32 : index
        %swap3A_280 = tpu.vector_load %arg11[%swap3A_278, %swap3A_279] {strides = array<i32>} : memref<80x96xf32, #tpu.memory_space<vmem>>, vector<1x16xf32>,
        %swap3A_281 = vector.shape_cast %swap3A_280 : vector<1x16xf32> to vector<16xf32>
        %swap3A_282 = vector.shape_cast %mul3A_277 : vector<16xf32> to vector<1x16xf32>
        tpu.vector_store %arg11[%swap3A_278, %swap3A_279], %swap3A_282 {strides = array<i32>} : memref<80x96xf32, #tpu.memory_space<vmem>>, vector<1x16xf32>,
        %get3A_283 = arith.index_cast %add3A_247 : i32 to index
        %get3A_284 = arith.constant 48 : index
        %get3A_285 = tpu.vector_load %arg11[%get3A_283, %get3A_284] {strides = array<i32>} : memref<80x96xf32, #tpu.memory_space<vmem>>, vector<1x16xf32>,
        %get3A_286 = vector.shape_cast %get3A_285 : vector<1x16xf32> to vector<16xf32>
        %mul3A_287 = vector.broadcast %squeeze3A_249 : f32 to vector<16xf32>
        %mul3A_288 = arith.mulf %get3A_286, %mul3A_287 : vector<16xf32>
        %swap3A_289 = arith.index_cast %add3A_247 : i32 to index
        %swap3A_290 = arith.constant 48 : index
        %swap3A_291 = tpu.vector_load %arg11[%swap3A_289, %swap3A_290] {strides = array<i32>} : memref<80x96xf32, #tpu.memory_space<vmem>>, vector<1x16xf32>,
        %swap3A_292 = vector.shape_cast %swap3A_291 : vector<1x16xf32> to vector<16xf32>
        %swap3A_293 = vector.shape_cast %mul3A_288 : vector<16xf32> to vector<1x16xf32>
        tpu.vector_store %arg11[%swap3A_289, %swap3A_290], %swap3A_293 {strides = array<i32>} : memref<80x96xf32, #tpu.memory_space<vmem>>, vector<1x16xf32>,
        %get3A_294 = arith.index_cast %add3A_247 : i32 to index
        %get3A_295 = arith.constant 64 : index
        %get3A_296 = tpu.vector_load %arg11[%get3A_294, %get3A_295] {strides = array<i32>} : memref<80x96xf32, #tpu.memory_space<vmem>>, vector<1x16xf32>,
        %get3A_297 = vector.shape_cast %get3A_296 : vector<1x16xf32> to vector<16xf32>
        %mul3A_298 = vector.broadcast %squeeze3A_249 : f32 to vector<16xf32>
        %mul3A_299 = arith.mulf %get3A_297, %mul3A_298 : vector<16xf32>
        %swap3A_300 = arith.index_cast %add3A_247 : i32 to index
        %swap3A_301 = arith.constant 64 : index
        %swap3A_302 = tpu.vector_load %arg11[%swap3A_300, %swap3A_301] {strides = array<i32>} : memref<80x96xf32, #tpu.memory_space<vmem>>, vector<1x16xf32>,
        %swap3A_303 = vector.shape_cast %swap3A_302 : vector<1x16xf32> to vector<16xf32>
        %swap3A_304 = vector.shape_cast %mul3A_299 : vector<16xf32> to vector<1x16xf32>
        tpu.vector_store %arg11[%swap3A_300, %swap3A_301], %swap3A_304 {strides = array<i32>} : memref<80x96xf32, #tpu.memory_space<vmem>>, vector<1x16xf32>,
        %get3A_305 = arith.index_cast %add3A_247 : i32 to index
        %get3A_306 = arith.constant 80 : index
        %get3A_307 = tpu.vector_load %arg11[%get3A_305, %get3A_306] {strides = array<i32>} : memref<80x96xf32, #tpu.memory_space<vmem>>, vector<1x16xf32>,
        %get3A_308 = vector.shape_cast %get3A_307 : vector<1x16xf32> to vector<16xf32>
        %mul3A_309 = vector.broadcast %squeeze3A_249 : f32 to vector<16xf32>
        %mul3A_310 = arith.mulf %get3A_308, %mul3A_309 : vector<16xf32>
        %swap3A_311 = arith.index_cast %add3A_247 : i32 to index
        %swap3A_312 = arith.constant 80 : index
        %swap3A_313 = tpu.vector_load %arg11[%swap3A_311, %swap3A_312] {strides = array<i32>} : memref<80x96xf32, #tpu.memory_space<vmem>>, vector<1x16xf32>,
        %swap3A_314 = vector.shape_cast %swap3A_313 : vector<1x16xf32> to vector<16xf32>
        %swap3A_315 = vector.shape_cast %mul3A_310 : vector<16xf32> to vector<1x16xf32>
        tpu.vector_store %arg11[%swap3A_311, %swap3A_312], %swap3A_315 {strides = array<i32>} : memref<80x96xf32, #tpu.memory_space<vmem>>, vector<1x16xf32>,
        %mul3A_316 = arith.constant 16 : i32
        %mul3A_317 = arith.muli %scan3A_23, %mul3A_316 : i32
        %add3A_318 = arith.constant 4 : i32
        %add3A_319 = arith.addi %mul3A_317, %add3A_318 : i32
        %slice3A_320 = vector.extract_strided_slice %get3A_30 {offsets = [4], sizes = [1], strides = [1]} : vector<16xf32> to vector<1xf32>
        %squeeze3A_321 = vector.extract %slice3A_320[0] : f32 from vector<1xf32>
        %get3A_322 = arith.index_cast %add3A_319 : i32 to index
        %get3A_323 = arith.constant 0 : index
        %get3A_324 = tpu.vector_load %arg11[%get3A_322, %get3A_323] {strides = array<i32>} : memref<80x96xf32, #tpu.memory_space<vmem>>, vector<1x16xf32>,
        %get3A_325 = vector.shape_cast %get3A_324 : vector<1x16xf32> to vector<16xf32>
        %mul3A_326 = vector.broadcast %squeeze3A_321 : f32 to vector<16xf32>
        %mul3A_327 = arith.mulf %get3A_325, %mul3A_326 : vector<16xf32>
        %swap3A_328 = arith.index_cast %add3A_319 : i32 to index
        %swap3A_329 = arith.constant 0 : index
        %swap3A_330 = tpu.vector_load %arg11[%swap3A_328, %swap3A_329] {strides = array<i32>} : memref<80x96xf32, #tpu.memory_space<vmem>>, vector<1x16xf32>,
        %swap3A_331 = vector.shape_cast %swap3A_330 : vector<1x16xf32> to vector<16xf32>
        %swap3A_332 = vector.shape_cast %mul3A_327 : vector<16xf32> to vector<1x16xf32>
        tpu.vector_store %arg11[%swap3A_328, %swap3A_329], %swap3A_332 {strides = array<i32>} : memref<80x96xf32, #tpu.memory_space<vmem>>, vector<1x16xf32>,
        %get3A_333 = arith.index_cast %add3A_319 : i32 to index
        %get3A_334 = arith.constant 16 : index
        %get3A_335 = tpu.vector_load %arg11[%get3A_333, %get3A_334] {strides = array<i32>} : memref<80x96xf32, #tpu.memory_space<vmem>>, vector<1x16xf32>,
        %get3A_336 = vector.shape_cast %get3A_335 : vector<1x16xf32> to vector<16xf32>
        %mul3A_337 = vector.broadcast %squeeze3A_321 : f32 to vector<16xf32>
        %mul3A_338 = arith.mulf %get3A_336, %mul3A_337 : vector<16xf32>
        %swap3A_339 = arith.index_cast %add3A_319 : i32 to index
        %swap3A_340 = arith.constant 16 : index
        %swap3A_341 = tpu.vector_load %arg11[%swap3A_339, %swap3A_340] {strides = array<i32>} : memref<80x96xf32, #tpu.memory_space<vmem>>, vector<1x16xf32>,
        %swap3A_342 = vector.shape_cast %swap3A_341 : vector<1x16xf32> to vector<16xf32>
        %swap3A_343 = vector.shape_cast %mul3A_338 : vector<16xf32> to vector<1x16xf32>
        tpu.vector_store %arg11[%swap3A_339, %swap3A_340], %swap3A_343 {strides = array<i32>} : memref<80x96xf32, #tpu.memory_space<vmem>>, vector<1x16xf32>,
        %get3A_344 = arith.index_cast %add3A_319 : i32 to index
        %get3A_345 = arith.constant 32 : index
        %get3A_346 = tpu.vector_load %arg11[%get3A_344, %get3A_345] {strides = array<i32>} : memref<80x96xf32, #tpu.memory_space<vmem>>, vector<1x16xf32>,
        %get3A_347 = vector.shape_cast %get3A_346 : vector<1x16xf32> to vector<16xf32>
        %mul3A_348 = vector.broadcast %squeeze3A_321 : f32 to vector<16xf32>
        %mul3A_349 = arith.mulf %get3A_347, %mul3A_348 : vector<16xf32>
        %swap3A_350 = arith.index_cast %add3A_319 : i32 to index
        %swap3A_351 = arith.constant 32 : index
        %swap3A_352 = tpu.vector_load %arg11[%swap3A_350, %swap3A_351] {strides = array<i32>} : memref<80x96xf32, #tpu.memory_space<vmem>>, vector<1x16xf32>,
        %swap3A_353 = vector.shape_cast %swap3A_352 : vector<1x16xf32> to vector<16xf32>
        %swap3A_354 = vector.shape_cast %mul3A_349 : vector<16xf32> to vector<1x16xf32>
        tpu.vector_store %arg11[%swap3A_350, %swap3A_351], %swap3A_354 {strides = array<i32>} : memref<80x96xf32, #tpu.memory_space<vmem>>, vector<1x16xf32>,
        %get3A_355 = arith.index_cast %add3A_319 : i32 to index
        %get3A_356 = arith.constant 48 : index
        %get3A_357 = tpu.vector_load %arg11[%get3A_355, %get3A_356] {strides = array<i32>} : memref<80x96xf32, #tpu.memory_space<vmem>>, vector<1x16xf32>,
        %get3A_358 = vector.shape_cast %get3A_357 : vector<1x16xf32> to vector<16xf32>
        %mul3A_359 = vector.broadcast %squeeze3A_321 : f32 to vector<16xf32>
        %mul3A_360 = arith.mulf %get3A_358, %mul3A_359 : vector<16xf32>
        %swap3A_361 = arith.index_cast %add3A_319 : i32 to index
        %swap3A_362 = arith.constant 48 : index
        %swap3A_363 = tpu.vector_load %arg11[%swap3A_361, %swap3A_362] {strides = array<i32>} : memref<80x96xf32, #tpu.memory_space<vmem>>, vector<1x16xf32>,
        %swap3A_364 = vector.shape_cast %swap3A_363 : vector<1x16xf32> to vector<16xf32>
        %swap3A_365 = vector.shape_cast %mul3A_360 : vector<16xf32> to vector<1x16xf32>
        tpu.vector_store %arg11[%swap3A_361, %swap3A_362], %swap3A_365 {strides = array<i32>} : memref<80x96xf32, #tpu.memory_space<vmem>>, vector<1x16xf32>,
        %get3A_366 = arith.index_cast %add3A_319 : i32 to index
        %get3A_367 = arith.constant 64 : index
        %get3A_368 = tpu.vector_load %arg11[%get3A_366, %get3A_367] {strides = array<i32>} : memref<80x96xf32, #tpu.memory_space<vmem>>, vector<1x16xf32>,
        %get3A_369 = vector.shape_cast %get3A_368 : vector<1x16xf32> to vector<16xf32>
        %mul3A_370 = vector.broadcast %squeeze3A_321 : f32 to vector<16xf32>
        %mul3A_371 = arith.mulf %get3A_369, %mul3A_370 : vector<16xf32>
        %swap3A_372 = arith.index_cast %add3A_319 : i32 to index
        %swap3A_373 = arith.constant 64 : index
        %swap3A_374 = tpu.vector_load %arg11[%swap3A_372, %swap3A_373] {strides = array<i32>} : memref<80x96xf32, #tpu.memory_space<vmem>>, vector<1x16xf32>,
        %swap3A_375 = vector.shape_cast %swap3A_374 : vector<1x16xf32> to vector<16xf32>
        %swap3A_376 = vector.shape_cast %mul3A_371 : vector<16xf32> to vector<1x16xf32>
        tpu.vector_store %arg11[%swap3A_372, %swap3A_373], %swap3A_376 {strides = array<i32>} : memref<80x96xf32, #tpu.memory_space<vmem>>, vector<1x16xf32>,
        %get3A_377 = arith.index_cast %add3A_319 : i32 to index
        %get3A_378 = arith.constant 80 : index
        %get3A_379 = tpu.vector_load %arg11[%get3A_377, %get3A_378] {strides = array<i32>} : memref<80x96xf32, #tpu.memory_space<vmem>>, vector<1x16xf32>,
        %get3A_380 = vector.shape_cast %get3A_379 : vector<1x16xf32> to vector<16xf32>
        %mul3A_381 = vector.broadcast %squeeze3A_321 : f32 to vector<16xf32>
        %mul3A_382 = arith.mulf %get3A_380, %mul3A_381 : vector<16xf32>
        %swap3A_383 = arith.index_cast %add3A_319 : i32 to index
        %swap3A_384 = arith.constant 80 : index
        %swap3A_385 = tpu.vector_load %arg11[%swap3A_383, %swap3A_384] {strides = array<i32>} : memref<80x96xf32, #tpu.memory_space<vmem>>, vector<1x16xf32>,
        %swap3A_386 = vector.shape_cast %swap3A_385 : vector<1x16xf32> to vector<16xf32>
        %swap3A_387 = vector.shape_cast %mul3A_382 : vector<16xf32> to vector<1x16xf32>
        tpu.vector_store %arg11[%swap3A_383, %swap3A_384], %swap3A_387 {strides = array<i32>} : memref<80x96xf32, #tpu.memory_space<vmem>>, vector<1x16xf32>,
        %mul3A_388 = arith.constant 16 : i32
        %mul3A_389 = arith.muli %scan3A_23, %mul3A_388 : i32
        %add3A_390 = arith.constant 5 : i32
        %add3A_391 = arith.addi %mul3A_389, %add3A_390 : i32
        %slice3A_392 = vector.extract_strided_slice %get3A_30 {offsets = [5], sizes = [1], strides = [1]} : vector<16xf32> to vector<1xf32>
        %squeeze3A_393 = vector.extract %slice3A_392[0] : f32 from vector<1xf32>
        %get3A_394 = arith.index_cast %add3A_391 : i32 to index
        %get3A_395 = arith.constant 0 : index
        %get3A_396 = tpu.vector_load %arg11[%get3A_394, %get3A_395] {strides = array<i32>} : memref<80x96xf32, #tpu.memory_space<vmem>>, vector<1x16xf32>,
        %get3A_397 = vector.shape_cast %get3A_396 : vector<1x16xf32> to vector<16xf32>
        %mul3A_398 = vector.broadcast %squeeze3A_393 : f32 to vector<16xf32>
        %mul3A_399 = arith.mulf %get3A_397, %mul3A_398 : vector<16xf32>
        %swap3A_400 = arith.index_cast %add3A_391 : i32 to index
        %swap3A_401 = arith.constant 0 : index
        %swap3A_402 = tpu.vector_load %arg11[%swap3A_400, %swap3A_401] {strides = array<i32>} : memref<80x96xf32, #tpu.memory_space<vmem>>, vector<1x16xf32>,
        %swap3A_403 = vector.shape_cast %swap3A_402 : vector<1x16xf32> to vector<16xf32>
        %swap3A_404 = vector.shape_cast %mul3A_399 : vector<16xf32> to vector<1x16xf32>
        tpu.vector_store %arg11[%swap3A_400, %swap3A_401], %swap3A_404 {strides = array<i32>} : memref<80x96xf32, #tpu.memory_space<vmem>>, vector<1x16xf32>,
        %get3A_405 = arith.index_cast %add3A_391 : i32 to index
        %get3A_406 = arith.constant 16 : index
        %get3A_407 = tpu.vector_load %arg11[%get3A_405, %get3A_406] {strides = array<i32>} : memref<80x96xf32, #tpu.memory_space<vmem>>, vector<1x16xf32>,
        %get3A_408 = vector.shape_cast %get3A_407 : vector<1x16xf32> to vector<16xf32>
        %mul3A_409 = vector.broadcast %squeeze3A_393 : f32 to vector<16xf32>
        %mul3A_410 = arith.mulf %get3A_408, %mul3A_409 : vector<16xf32>
        %swap3A_411 = arith.index_cast %add3A_391 : i32 to index
        %swap3A_412 = arith.constant 16 : index
        %swap3A_413 = tpu.vector_load %arg11[%swap3A_411, %swap3A_412] {strides = array<i32>} : memref<80x96xf32, #tpu.memory_space<vmem>>, vector<1x16xf32>,
        %swap3A_414 = vector.shape_cast %swap3A_413 : vector<1x16xf32> to vector<16xf32>
        %swap3A_415 = vector.shape_cast %mul3A_410 : vector<16xf32> to vector<1x16xf32>
        tpu.vector_store %arg11[%swap3A_411, %swap3A_412], %swap3A_415 {strides = array<i32>} : memref<80x96xf32, #tpu.memory_space<vmem>>, vector<1x16xf32>,
        %get3A_416 = arith.index_cast %add3A_391 : i32 to index
        %get3A_417 = arith.constant 32 : index
        %get3A_418 = tpu.vector_load %arg11[%get3A_416, %get3A_417] {strides = array<i32>} : memref<80x96xf32, #tpu.memory_space<vmem>>, vector<1x16xf32>,
        %get3A_419 = vector.shape_cast %get3A_418 : vector<1x16xf32> to vector<16xf32>
        %mul3A_420 = vector.broadcast %squeeze3A_393 : f32 to vector<16xf32>
        %mul3A_421 = arith.mulf %get3A_419, %mul3A_420 : vector<16xf32>
        %swap3A_422 = arith.index_cast %add3A_391 : i32 to index
        %swap3A_423 = arith.constant 32 : index
        %swap3A_424 = tpu.vector_load %arg11[%swap3A_422, %swap3A_423] {strides = array<i32>} : memref<80x96xf32, #tpu.memory_space<vmem>>, vector<1x16xf32>,
        %swap3A_425 = vector.shape_cast %swap3A_424 : vector<1x16xf32> to vector<16xf32>
        %swap3A_426 = vector.shape_cast %mul3A_421 : vector<16xf32> to vector<1x16xf32>
        tpu.vector_store %arg11[%swap3A_422, %swap3A_423], %swap3A_426 {strides = array<i32>} : memref<80x96xf32, #tpu.memory_space<vmem>>, vector<1x16xf32>,
        %get3A_427 = arith.index_cast %add3A_391 : i32 to index
        %get3A_428 = arith.constant 48 : index
        %get3A_429 = tpu.vector_load %arg11[%get3A_427, %get3A_428] {strides = array<i32>} : memref<80x96xf32, #tpu.memory_space<vmem>>, vector<1x16xf32>,
        %get3A_430 = vector.shape_cast %get3A_429 : vector<1x16xf32> to vector<16xf32>
        %mul3A_431 = vector.broadcast %squeeze3A_393 : f32 to vector<16xf32>
        %mul3A_432 = arith.mulf %get3A_430, %mul3A_431 : vector<16xf32>
        %swap3A_433 = arith.index_cast %add3A_391 : i32 to index
        %swap3A_434 = arith.constant 48 : index
        %swap3A_435 = tpu.vector_load %arg11[%swap3A_433, %swap3A_434] {strides = array<i32>} : memref<80x96xf32, #tpu.memory_space<vmem>>, vector<1x16xf32>,
        %swap3A_436 = vector.shape_cast %swap3A_435 : vector<1x16xf32> to vector<16xf32>
        %swap3A_437 = vector.shape_cast %mul3A_432 : vector<16xf32> to vector<1x16xf32>
        tpu.vector_store %arg11[%swap3A_433, %swap3A_434], %swap3A_437 {strides = array<i32>} : memref<80x96xf32, #tpu.memory_space<vmem>>, vector<1x16xf32>,
        %get3A_438 = arith.index_cast %add3A_391 : i32 to index
        %get3A_439 = arith.constant 64 : index
        %get3A_440 = tpu.vector_load %arg11[%get3A_438, %get3A_439] {strides = array<i32>} : memref<80x96xf32, #tpu.memory_space<vmem>>, vector<1x16xf32>,
        %get3A_441 = vector.shape_cast %get3A_440 : vector<1x16xf32> to vector<16xf32>
        %mul3A_442 = vector.broadcast %squeeze3A_393 : f32 to vector<16xf32>
        %mul3A_443 = arith.mulf %get3A_441, %mul3A_442 : vector<16xf32>
        %swap3A_444 = arith.index_cast %add3A_391 : i32 to index
        %swap3A_445 = arith.constant 64 : index
        %swap3A_446 = tpu.vector_load %arg11[%swap3A_444, %swap3A_445] {strides = array<i32>} : memref<80x96xf32, #tpu.memory_space<vmem>>, vector<1x16xf32>,
        %swap3A_447 = vector.shape_cast %swap3A_446 : vector<1x16xf32> to vector<16xf32>
        %swap3A_448 = vector.shape_cast %mul3A_443 : vector<16xf32> to vector<1x16xf32>
        tpu.vector_store %arg11[%swap3A_444, %swap3A_445], %swap3A_448 {strides = array<i32>} : memref<80x96xf32, #tpu.memory_space<vmem>>, vector<1x16xf32>,
        %get3A_449 = arith.index_cast %add3A_391 : i32 to index
        %get3A_450 = arith.constant 80 : index
        %get3A_451 = tpu.vector_load %arg11[%get3A_449, %get3A_450] {strides = array<i32>} : memref<80x96xf32, #tpu.memory_space<vmem>>, vector<1x16xf32>,
        %get3A_452 = vector.shape_cast %get3A_451 : vector<1x16xf32> to vector<16xf32>
        %mul3A_453 = vector.broadcast %squeeze3A_393 : f32 to vector<16xf32>
        %mul3A_454 = arith.mulf %get3A_452, %mul3A_453 : vector<16xf32>
        %swap3A_455 = arith.index_cast %add3A_391 : i32 to index
        %swap3A_456 = arith.constant 80 : index
        %swap3A_457 = tpu.vector_load %arg11[%swap3A_455, %swap3A_456] {strides = array<i32>} : memref<80x96xf32, #tpu.memory_space<vmem>>, vector<1x16xf32>,
        %swap3A_458 = vector.shape_cast %swap3A_457 : vector<1x16xf32> to vector<16xf32>
        %swap3A_459 = vector.shape_cast %mul3A_454 : vector<16xf32> to vector<1x16xf32>
        tpu.vector_store %arg11[%swap3A_455, %swap3A_456], %swap3A_459 {strides = array<i32>} : memref<80x96xf32, #tpu.memory_space<vmem>>, vector<1x16xf32>,
        %mul3A_460 = arith.constant 16 : i32
        %mul3A_461 = arith.muli %scan3A_23, %mul3A_460 : i32
        %add3A_462 = arith.constant 6 : i32
        %add3A_463 = arith.addi %mul3A_461, %add3A_462 : i32
        %slice3A_464 = vector.extract_strided_slice %get3A_30 {offsets = [6], sizes = [1], strides = [1]} : vector<16xf32> to vector<1xf32>
        %squeeze3A_465 = vector.extract %slice3A_464[0] : f32 from vector<1xf32>
        %get3A_466 = arith.index_cast %add3A_463 : i32 to index
        %get3A_467 = arith.constant 0 : index
        %get3A_468 = tpu.vector_load %arg11[%get3A_466, %get3A_467] {strides = array<i32>} : memref<80x96xf32, #tpu.memory_space<vmem>>, vector<1x16xf32>,
        %get3A_469 = vector.shape_cast %get3A_468 : vector<1x16xf32> to vector<16xf32>
        %mul3A_470 = vector.broadcast %squeeze3A_465 : f32 to vector<16xf32>
        %mul3A_471 = arith.mulf %get3A_469, %mul3A_470 : vector<16xf32>
        %swap3A_472 = arith.index_cast %add3A_463 : i32 to index
        %swap3A_473 = arith.constant 0 : index
        %swap3A_474 = tpu.vector_load %arg11[%swap3A_472, %swap3A_473] {strides = array<i32>} : memref<80x96xf32, #tpu.memory_space<vmem>>, vector<1x16xf32>,
        %swap3A_475 = vector.shape_cast %swap3A_474 : vector<1x16xf32> to vector<16xf32>
        %swap3A_476 = vector.shape_cast %mul3A_471 : vector<16xf32> to vector<1x16xf32>
        tpu.vector_store %arg11[%swap3A_472, %swap3A_473], %swap3A_476 {strides = array<i32>} : memref<80x96xf32, #tpu.memory_space<vmem>>, vector<1x16xf32>,
        %get3A_477 = arith.index_cast %add3A_463 : i32 to index
        %get3A_478 = arith.constant 16 : index
        %get3A_479 = tpu.vector_load %arg11[%get3A_477, %get3A_478] {strides = array<i32>} : memref<80x96xf32, #tpu.memory_space<vmem>>, vector<1x16xf32>,
        %get3A_480 = vector.shape_cast %get3A_479 : vector<1x16xf32> to vector<16xf32>
        %mul3A_481 = vector.broadcast %squeeze3A_465 : f32 to vector<16xf32>
        %mul3A_482 = arith.mulf %get3A_480, %mul3A_481 : vector<16xf32>
        %swap3A_483 = arith.index_cast %add3A_463 : i32 to index
        %swap3A_484 = arith.constant 16 : index
        %swap3A_485 = tpu.vector_load %arg11[%swap3A_483, %swap3A_484] {strides = array<i32>} : memref<80x96xf32, #tpu.memory_space<vmem>>, vector<1x16xf32>,
        %swap3A_486 = vector.shape_cast %swap3A_485 : vector<1x16xf32> to vector<16xf32>
        %swap3A_487 = vector.shape_cast %mul3A_482 : vector<16xf32> to vector<1x16xf32>
        tpu.vector_store %arg11[%swap3A_483, %swap3A_484], %swap3A_487 {strides = array<i32>} : memref<80x96xf32, #tpu.memory_space<vmem>>, vector<1x16xf32>,
        %get3A_488 = arith.index_cast %add3A_463 : i32 to index
        %get3A_489 = arith.constant 32 : index
        %get3A_490 = tpu.vector_load %arg11[%get3A_488, %get3A_489] {strides = array<i32>} : memref<80x96xf32, #tpu.memory_space<vmem>>, vector<1x16xf32>,
        %get3A_491 = vector.shape_cast %get3A_490 : vector<1x16xf32> to vector<16xf32>
        %mul3A_492 = vector.broadcast %squeeze3A_465 : f32 to vector<16xf32>
        %mul3A_493 = arith.mulf %get3A_491, %mul3A_492 : vector<16xf32>
        %swap3A_494 = arith.index_cast %add3A_463 : i32 to index
        %swap3A_495 = arith.constant 32 : index
        %swap3A_496 = tpu.vector_load %arg11[%swap3A_494, %swap3A_495] {strides = array<i32>} : memref<80x96xf32, #tpu.memory_space<vmem>>, vector<1x16xf32>,
        %swap3A_497 = vector.shape_cast %swap3A_496 : vector<1x16xf32> to vector<16xf32>
        %swap3A_498 = vector.shape_cast %mul3A_493 : vector<16xf32> to vector<1x16xf32>
        tpu.vector_store %arg11[%swap3A_494, %swap3A_495], %swap3A_498 {strides = array<i32>} : memref<80x96xf32, #tpu.memory_space<vmem>>, vector<1x16xf32>,
        %get3A_499 = arith.index_cast %add3A_463 : i32 to index
        %get3A_500 = arith.constant 48 : index
        %get3A_501 = tpu.vector_load %arg11[%get3A_499, %get3A_500] {strides = array<i32>} : memref<80x96xf32, #tpu.memory_space<vmem>>, vector<1x16xf32>,
        %get3A_502 = vector.shape_cast %get3A_501 : vector<1x16xf32> to vector<16xf32>
        %mul3A_503 = vector.broadcast %squeeze3A_465 : f32 to vector<16xf32>
        %mul3A_504 = arith.mulf %get3A_502, %mul3A_503 : vector<16xf32>
        %swap3A_505 = arith.index_cast %add3A_463 : i32 to index
        %swap3A_506 = arith.constant 48 : index
        %swap3A_507 = tpu.vector_load %arg11[%swap3A_505, %swap3A_506] {strides = array<i32>} : memref<80x96xf32, #tpu.memory_space<vmem>>, vector<1x16xf32>,
        %swap3A_508 = vector.shape_cast %swap3A_507 : vector<1x16xf32> to vector<16xf32>
        %swap3A_509 = vector.shape_cast %mul3A_504 : vector<16xf32> to vector<1x16xf32>
        tpu.vector_store %arg11[%swap3A_505, %swap3A_506], %swap3A_509 {strides = array<i32>} : memref<80x96xf32, #tpu.memory_space<vmem>>, vector<1x16xf32>,
        %get3A_510 = arith.index_cast %add3A_463 : i32 to index
        %get3A_511 = arith.constant 64 : index
        %get3A_512 = tpu.vector_load %arg11[%get3A_510, %get3A_511] {strides = array<i32>} : memref<80x96xf32, #tpu.memory_space<vmem>>, vector<1x16xf32>,
        %get3A_513 = vector.shape_cast %get3A_512 : vector<1x16xf32> to vector<16xf32>
        %mul3A_514 = vector.broadcast %squeeze3A_465 : f32 to vector<16xf32>
        %mul3A_515 = arith.mulf %get3A_513, %mul3A_514 : vector<16xf32>
        %swap3A_516 = arith.index_cast %add3A_463 : i32 to index
        %swap3A_517 = arith.constant 64 : index
        %swap3A_518 = tpu.vector_load %arg11[%swap3A_516, %swap3A_517] {strides = array<i32>} : memref<80x96xf32, #tpu.memory_space<vmem>>, vector<1x16xf32>,
        %swap3A_519 = vector.shape_cast %swap3A_518 : vector<1x16xf32> to vector<16xf32>
        %swap3A_520 = vector.shape_cast %mul3A_515 : vector<16xf32> to vector<1x16xf32>
        tpu.vector_store %arg11[%swap3A_516, %swap3A_517], %swap3A_520 {strides = array<i32>} : memref<80x96xf32, #tpu.memory_space<vmem>>, vector<1x16xf32>,
        %get3A_521 = arith.index_cast %add3A_463 : i32 to index
        %get3A_522 = arith.constant 80 : index
        %get3A_523 = tpu.vector_load %arg11[%get3A_521, %get3A_522] {strides = array<i32>} : memref<80x96xf32, #tpu.memory_space<vmem>>, vector<1x16xf32>,
        %get3A_524 = vector.shape_cast %get3A_523 : vector<1x16xf32> to vector<16xf32>
        %mul3A_525 = vector.broadcast %squeeze3A_465 : f32 to vector<16xf32>
        %mul3A_526 = arith.mulf %get3A_524, %mul3A_525 : vector<16xf32>
        %swap3A_527 = arith.index_cast %add3A_463 : i32 to index
        %swap3A_528 = arith.constant 80 : index
        %swap3A_529 = tpu.vector_load %arg11[%swap3A_527, %swap3A_528] {strides = array<i32>} : memref<80x96xf32, #tpu.memory_space<vmem>>, vector<1x16xf32>,
        %swap3A_530 = vector.shape_cast %swap3A_529 : vector<1x16xf32> to vector<16xf32>
        %swap3A_531 = vector.shape_cast %mul3A_526 : vector<16xf32> to vector<1x16xf32>
        tpu.vector_store %arg11[%swap3A_527, %swap3A_528], %swap3A_531 {strides = array<i32>} : memref<80x96xf32, #tpu.memory_space<vmem>>, vector<1x16xf32>,
        %mul3A_532 = arith.constant 16 : i32
        %mul3A_533 = arith.muli %scan3A_23, %mul3A_532 : i32
        %add3A_534 = arith.constant 7 : i32
        %add3A_535 = arith.addi %mul3A_533, %add3A_534 : i32
        %slice3A_536 = vector.extract_strided_slice %get3A_30 {offsets = [7], sizes = [1], strides = [1]} : vector<16xf32> to vector<1xf32>
        %squeeze3A_537 = vector.extract %slice3A_536[0] : f32 from vector<1xf32>
        %get3A_538 = arith.index_cast %add3A_535 : i32 to index
        %get3A_539 = arith.constant 0 : index
        %get3A_540 = tpu.vector_load %arg11[%get3A_538, %get3A_539] {strides = array<i32>} : memref<80x96xf32, #tpu.memory_space<vmem>>, vector<1x16xf32>,
        %get3A_541 = vector.shape_cast %get3A_540 : vector<1x16xf32> to vector<16xf32>
        %mul3A_542 = vector.broadcast %squeeze3A_537 : f32 to vector<16xf32>
        %mul3A_543 = arith.mulf %get3A_541, %mul3A_542 : vector<16xf32>
        %swap3A_544 = arith.index_cast %add3A_535 : i32 to index
        %swap3A_545 = arith.constant 0 : index
        %swap3A_546 = tpu.vector_load %arg11[%swap3A_544, %swap3A_545] {strides = array<i32>} : memref<80x96xf32, #tpu.memory_space<vmem>>, vector<1x16xf32>,
        %swap3A_547 = vector.shape_cast %swap3A_546 : vector<1x16xf32> to vector<16xf32>
        %swap3A_548 = vector.shape_cast %mul3A_543 : vector<16xf32> to vector<1x16xf32>
        tpu.vector_store %arg11[%swap3A_544, %swap3A_545], %swap3A_548 {strides = array<i32>} : memref<80x96xf32, #tpu.memory_space<vmem>>, vector<1x16xf32>,
        %get3A_549 = arith.index_cast %add3A_535 : i32 to index
        %get3A_550 = arith.constant 16 : index
        %get3A_551 = tpu.vector_load %arg11[%get3A_549, %get3A_550] {strides = array<i32>} : memref<80x96xf32, #tpu.memory_space<vmem>>, vector<1x16xf32>,
        %get3A_552 = vector.shape_cast %get3A_551 : vector<1x16xf32> to vector<16xf32>
        %mul3A_553 = vector.broadcast %squeeze3A_537 : f32 to vector<16xf32>
        %mul3A_554 = arith.mulf %get3A_552, %mul3A_553 : vector<16xf32>
        %swap3A_555 = arith.index_cast %add3A_535 : i32 to index
        %swap3A_556 = arith.constant 16 : index
        %swap3A_557 = tpu.vector_load %arg11[%swap3A_555, %swap3A_556] {strides = array<i32>} : memref<80x96xf32, #tpu.memory_space<vmem>>, vector<1x16xf32>,
        %swap3A_558 = vector.shape_cast %swap3A_557 : vector<1x16xf32> to vector<16xf32>
        %swap3A_559 = vector.shape_cast %mul3A_554 : vector<16xf32> to vector<1x16xf32>
        tpu.vector_store %arg11[%swap3A_555, %swap3A_556], %swap3A_559 {strides = array<i32>} : memref<80x96xf32, #tpu.memory_space<vmem>>, vector<1x16xf32>,
        %get3A_560 = arith.index_cast %add3A_535 : i32 to index
        %get3A_561 = arith.constant 32 : index
        %get3A_562 = tpu.vector_load %arg11[%get3A_560, %get3A_561] {strides = array<i32>} : memref<80x96xf32, #tpu.memory_space<vmem>>, vector<1x16xf32>,
        %get3A_563 = vector.shape_cast %get3A_562 : vector<1x16xf32> to vector<16xf32>
        %mul3A_564 = vector.broadcast %squeeze3A_537 : f32 to vector<16xf32>
        %mul3A_565 = arith.mulf %get3A_563, %mul3A_564 : vector<16xf32>
        %swap3A_566 = arith.index_cast %add3A_535 : i32 to index
        %swap3A_567 = arith.constant 32 : index
        %swap3A_568 = tpu.vector_load %arg11[%swap3A_566, %swap3A_567] {strides = array<i32>} : memref<80x96xf32, #tpu.memory_space<vmem>>, vector<1x16xf32>,
        %swap3A_569 = vector.shape_cast %swap3A_568 : vector<1x16xf32> to vector<16xf32>
        %swap3A_570 = vector.shape_cast %mul3A_565 : vector<16xf32> to vector<1x16xf32>
        tpu.vector_store %arg11[%swap3A_566, %swap3A_567], %swap3A_570 {strides = array<i32>} : memref<80x96xf32, #tpu.memory_space<vmem>>, vector<1x16xf32>,
        %get3A_571 = arith.index_cast %add3A_535 : i32 to index
        %get3A_572 = arith.constant 48 : index
        %get3A_573 = tpu.vector_load %arg11[%get3A_571, %get3A_572] {strides = array<i32>} : memref<80x96xf32, #tpu.memory_space<vmem>>, vector<1x16xf32>,
        %get3A_574 = vector.shape_cast %get3A_573 : vector<1x16xf32> to vector<16xf32>
        %mul3A_575 = vector.broadcast %squeeze3A_537 : f32 to vector<16xf32>
        %mul3A_576 = arith.mulf %get3A_574, %mul3A_575 : vector<16xf32>
        %swap3A_577 = arith.index_cast %add3A_535 : i32 to index
        %swap3A_578 = arith.constant 48 : index
        %swap3A_579 = tpu.vector_load %arg11[%swap3A_577, %swap3A_578] {strides = array<i32>} : memref<80x96xf32, #tpu.memory_space<vmem>>, vector<1x16xf32>,
        %swap3A_580 = vector.shape_cast %swap3A_579 : vector<1x16xf32> to vector<16xf32>
        %swap3A_581 = vector.shape_cast %mul3A_576 : vector<16xf32> to vector<1x16xf32>
        tpu.vector_store %arg11[%swap3A_577, %swap3A_578], %swap3A_581 {strides = array<i32>} : memref<80x96xf32, #tpu.memory_space<vmem>>, vector<1x16xf32>,
        %get3A_582 = arith.index_cast %add3A_535 : i32 to index
        %get3A_583 = arith.constant 64 : index
        %get3A_584 = tpu.vector_load %arg11[%get3A_582, %get3A_583] {strides = array<i32>} : memref<80x96xf32, #tpu.memory_space<vmem>>, vector<1x16xf32>,
        %get3A_585 = vector.shape_cast %get3A_584 : vector<1x16xf32> to vector<16xf32>
        %mul3A_586 = vector.broadcast %squeeze3A_537 : f32 to vector<16xf32>
        %mul3A_587 = arith.mulf %get3A_585, %mul3A_586 : vector<16xf32>
        %swap3A_588 = arith.index_cast %add3A_535 : i32 to index
        %swap3A_589 = arith.constant 64 : index
        %swap3A_590 = tpu.vector_load %arg11[%swap3A_588, %swap3A_589] {strides = array<i32>} : memref<80x96xf32, #tpu.memory_space<vmem>>, vector<1x16xf32>,
        %swap3A_591 = vector.shape_cast %swap3A_590 : vector<1x16xf32> to vector<16xf32>
        %swap3A_592 = vector.shape_cast %mul3A_587 : vector<16xf32> to vector<1x16xf32>
        tpu.vector_store %arg11[%swap3A_588, %swap3A_589], %swap3A_592 {strides = array<i32>} : memref<80x96xf32, #tpu.memory_space<vmem>>, vector<1x16xf32>,
        %get3A_593 = arith.index_cast %add3A_535 : i32 to index
        %get3A_594 = arith.constant 80 : index
        %get3A_595 = tpu.vector_load %arg11[%get3A_593, %get3A_594] {strides = array<i32>} : memref<80x96xf32, #tpu.memory_space<vmem>>, vector<1x16xf32>,
        %get3A_596 = vector.shape_cast %get3A_595 : vector<1x16xf32> to vector<16xf32>
        %mul3A_597 = vector.broadcast %squeeze3A_537 : f32 to vector<16xf32>
        %mul3A_598 = arith.mulf %get3A_596, %mul3A_597 : vector<16xf32>
        %swap3A_599 = arith.index_cast %add3A_535 : i32 to index
        %swap3A_600 = arith.constant 80 : index
        %swap3A_601 = tpu.vector_load %arg11[%swap3A_599, %swap3A_600] {strides = array<i32>} : memref<80x96xf32, #tpu.memory_space<vmem>>, vector<1x16xf32>,
        %swap3A_602 = vector.shape_cast %swap3A_601 : vector<1x16xf32> to vector<16xf32>
        %swap3A_603 = vector.shape_cast %mul3A_598 : vector<16xf32> to vector<1x16xf32>
        tpu.vector_store %arg11[%swap3A_599, %swap3A_600], %swap3A_603 {strides = array<i32>} : memref<80x96xf32, #tpu.memory_space<vmem>>, vector<1x16xf32>,
        %mul3A_604 = arith.constant 16 : i32
        %mul3A_605 = arith.muli %scan3A_23, %mul3A_604 : i32
        %add3A_606 = arith.constant 8 : i32
        %add3A_607 = arith.addi %mul3A_605, %add3A_606 : i32
        %slice3A_608 = vector.extract_strided_slice %get3A_30 {offsets = [8], sizes = [1], strides = [1]} : vector<16xf32> to vector<1xf32>
        %squeeze3A_609 = vector.extract %slice3A_608[0] : f32 from vector<1xf32>
        %get3A_610 = arith.index_cast %add3A_607 : i32 to index
        %get3A_611 = arith.constant 0 : index
        %get3A_612 = tpu.vector_load %arg11[%get3A_610, %get3A_611] {strides = array<i32>} : memref<80x96xf32, #tpu.memory_space<vmem>>, vector<1x16xf32>,
        %get3A_613 = vector.shape_cast %get3A_612 : vector<1x16xf32> to vector<16xf32>
        %mul3A_614 = vector.broadcast %squeeze3A_609 : f32 to vector<16xf32>
        %mul3A_615 = arith.mulf %get3A_613, %mul3A_614 : vector<16xf32>
        %swap3A_616 = arith.index_cast %add3A_607 : i32 to index
        %swap3A_617 = arith.constant 0 : index
        %swap3A_618 = tpu.vector_load %arg11[%swap3A_616, %swap3A_617] {strides = array<i32>} : memref<80x96xf32, #tpu.memory_space<vmem>>, vector<1x16xf32>,
        %swap3A_619 = vector.shape_cast %swap3A_618 : vector<1x16xf32> to vector<16xf32>
        %swap3A_620 = vector.shape_cast %mul3A_615 : vector<16xf32> to vector<1x16xf32>
        tpu.vector_store %arg11[%swap3A_616, %swap3A_617], %swap3A_620 {strides = array<i32>} : memref<80x96xf32, #tpu.memory_space<vmem>>, vector<1x16xf32>,
        %get3A_621 = arith.index_cast %add3A_607 : i32 to index
        %get3A_622 = arith.constant 16 : index
        %get3A_623 = tpu.vector_load %arg11[%get3A_621, %get3A_622] {strides = array<i32>} : memref<80x96xf32, #tpu.memory_space<vmem>>, vector<1x16xf32>,
        %get3A_624 = vector.shape_cast %get3A_623 : vector<1x16xf32> to vector<16xf32>
        %mul3A_625 = vector.broadcast %squeeze3A_609 : f32 to vector<16xf32>
        %mul3A_626 = arith.mulf %get3A_624, %mul3A_625 : vector<16xf32>
        %swap3A_627 = arith.index_cast %add3A_607 : i32 to index
        %swap3A_628 = arith.constant 16 : index
        %swap3A_629 = tpu.vector_load %arg11[%swap3A_627, %swap3A_628] {strides = array<i32>} : memref<80x96xf32, #tpu.memory_space<vmem>>, vector<1x16xf32>,
        %swap3A_630 = vector.shape_cast %swap3A_629 : vector<1x16xf32> to vector<16xf32>
        %swap3A_631 = vector.shape_cast %mul3A_626 : vector<16xf32> to vector<1x16xf32>
        tpu.vector_store %arg11[%swap3A_627, %swap3A_628], %swap3A_631 {strides = array<i32>} : memref<80x96xf32, #tpu.memory_space<vmem>>, vector<1x16xf32>,
        %get3A_632 = arith.index_cast %add3A_607 : i32 to index
        %get3A_633 = arith.constant 32 : index
        %get3A_634 = tpu.vector_load %arg11[%get3A_632, %get3A_633] {strides = array<i32>} : memref<80x96xf32, #tpu.memory_space<vmem>>, vector<1x16xf32>,
        %get3A_635 = vector.shape_cast %get3A_634 : vector<1x16xf32> to vector<16xf32>
        %mul3A_636 = vector.broadcast %squeeze3A_609 : f32 to vector<16xf32>
        %mul3A_637 = arith.mulf %get3A_635, %mul3A_636 : vector<16xf32>
        %swap3A_638 = arith.index_cast %add3A_607 : i32 to index
        %swap3A_639 = arith.constant 32 : index
        %swap3A_640 = tpu.vector_load %arg11[%swap3A_638, %swap3A_639] {strides = array<i32>} : memref<80x96xf32, #tpu.memory_space<vmem>>, vector<1x16xf32>,
        %swap3A_641 = vector.shape_cast %swap3A_640 : vector<1x16xf32> to vector<16xf32>
        %swap3A_642 = vector.shape_cast %mul3A_637 : vector<16xf32> to vector<1x16xf32>
        tpu.vector_store %arg11[%swap3A_638, %swap3A_639], %swap3A_642 {strides = array<i32>} : memref<80x96xf32, #tpu.memory_space<vmem>>, vector<1x16xf32>,
        %get3A_643 = arith.index_cast %add3A_607 : i32 to index
        %get3A_644 = arith.constant 48 : index
        %get3A_645 = tpu.vector_load %arg11[%get3A_643, %get3A_644] {strides = array<i32>} : memref<80x96xf32, #tpu.memory_space<vmem>>, vector<1x16xf32>,
        %get3A_646 = vector.shape_cast %get3A_645 : vector<1x16xf32> to vector<16xf32>
        %mul3A_647 = vector.broadcast %squeeze3A_609 : f32 to vector<16xf32>
        %mul3A_648 = arith.mulf %get3A_646, %mul3A_647 : vector<16xf32>
        %swap3A_649 = arith.index_cast %add3A_607 : i32 to index
        %swap3A_650 = arith.constant 48 : index
        %swap3A_651 = tpu.vector_load %arg11[%swap3A_649, %swap3A_650] {strides = array<i32>} : memref<80x96xf32, #tpu.memory_space<vmem>>, vector<1x16xf32>,
        %swap3A_652 = vector.shape_cast %swap3A_651 : vector<1x16xf32> to vector<16xf32>
        %swap3A_653 = vector.shape_cast %mul3A_648 : vector<16xf32> to vector<1x16xf32>
        tpu.vector_store %arg11[%swap3A_649, %swap3A_650], %swap3A_653 {strides = array<i32>} : memref<80x96xf32, #tpu.memory_space<vmem>>, vector<1x16xf32>,
        %get3A_654 = arith.index_cast %add3A_607 : i32 to index
        %get3A_655 = arith.constant 64 : index
        %get3A_656 = tpu.vector_load %arg11[%get3A_654, %get3A_655] {strides = array<i32>} : memref<80x96xf32, #tpu.memory_space<vmem>>, vector<1x16xf32>,
        %get3A_657 = vector.shape_cast %get3A_656 : vector<1x16xf32> to vector<16xf32>
        %mul3A_658 = vector.broadcast %squeeze3A_609 : f32 to vector<16xf32>
        %mul3A_659 = arith.mulf %get3A_657, %mul3A_658 : vector<16xf32>
        %swap3A_660 = arith.index_cast %add3A_607 : i32 to index
        %swap3A_661 = arith.constant 64 : index
        %swap3A_662 = tpu.vector_load %arg11[%swap3A_660, %swap3A_661] {strides = array<i32>} : memref<80x96xf32, #tpu.memory_space<vmem>>, vector<1x16xf32>,
        %swap3A_663 = vector.shape_cast %swap3A_662 : vector<1x16xf32> to vector<16xf32>
        %swap3A_664 = vector.shape_cast %mul3A_659 : vector<16xf32> to vector<1x16xf32>
        tpu.vector_store %arg11[%swap3A_660, %swap3A_661], %swap3A_664 {strides = array<i32>} : memref<80x96xf32, #tpu.memory_space<vmem>>, vector<1x16xf32>,
        %get3A_665 = arith.index_cast %add3A_607 : i32 to index
        %get3A_666 = arith.constant 80 : index
        %get3A_667 = tpu.vector_load %arg11[%get3A_665, %get3A_666] {strides = array<i32>} : memref<80x96xf32, #tpu.memory_space<vmem>>, vector<1x16xf32>,
        %get3A_668 = vector.shape_cast %get3A_667 : vector<1x16xf32> to vector<16xf32>
        %mul3A_669 = vector.broadcast %squeeze3A_609 : f32 to vector<16xf32>
        %mul3A_670 = arith.mulf %get3A_668, %mul3A_669 : vector<16xf32>
        %swap3A_671 = arith.index_cast %add3A_607 : i32 to index
        %swap3A_672 = arith.constant 80 : index
        %swap3A_673 = tpu.vector_load %arg11[%swap3A_671, %swap3A_672] {strides = array<i32>} : memref<80x96xf32, #tpu.memory_space<vmem>>, vector<1x16xf32>,
        %swap3A_674 = vector.shape_cast %swap3A_673 : vector<1x16xf32> to vector<16xf32>
        %swap3A_675 = vector.shape_cast %mul3A_670 : vector<16xf32> to vector<1x16xf32>
        tpu.vector_store %arg11[%swap3A_671, %swap3A_672], %swap3A_675 {strides = array<i32>} : memref<80x96xf32, #tpu.memory_space<vmem>>, vector<1x16xf32>,
        %mul3A_676 = arith.constant 16 : i32
        %mul3A_677 = arith.muli %scan3A_23, %mul3A_676 : i32
        %add3A_678 = arith.constant 9 : i32
        %add3A_679 = arith.addi %mul3A_677, %add3A_678 : i32
        %slice3A_680 = vector.extract_strided_slice %get3A_30 {offsets = [9], sizes = [1], strides = [1]} : vector<16xf32> to vector<1xf32>
        %squeeze3A_681 = vector.extract %slice3A_680[0] : f32 from vector<1xf32>
        %get3A_682 = arith.index_cast %add3A_679 : i32 to index
        %get3A_683 = arith.constant 0 : index
        %get3A_684 = tpu.vector_load %arg11[%get3A_682, %get3A_683] {strides = array<i32>} : memref<80x96xf32, #tpu.memory_space<vmem>>, vector<1x16xf32>,
        %get3A_685 = vector.shape_cast %get3A_684 : vector<1x16xf32> to vector<16xf32>
        %mul3A_686 = vector.broadcast %squeeze3A_681 : f32 to vector<16xf32>
        %mul3A_687 = arith.mulf %get3A_685, %mul3A_686 : vector<16xf32>
        %swap3A_688 = arith.index_cast %add3A_679 : i32 to index
        %swap3A_689 = arith.constant 0 : index
        %swap3A_690 = tpu.vector_load %arg11[%swap3A_688, %swap3A_689] {strides = array<i32>} : memref<80x96xf32, #tpu.memory_space<vmem>>, vector<1x16xf32>,
        %swap3A_691 = vector.shape_cast %swap3A_690 : vector<1x16xf32> to vector<16xf32>
        %swap3A_692 = vector.shape_cast %mul3A_687 : vector<16xf32> to vector<1x16xf32>
        tpu.vector_store %arg11[%swap3A_688, %swap3A_689], %swap3A_692 {strides = array<i32>} : memref<80x96xf32, #tpu.memory_space<vmem>>, vector<1x16xf32>,
        %get3A_693 = arith.index_cast %add3A_679 : i32 to index
        %get3A_694 = arith.constant 16 : index
        %get3A_695 = tpu.vector_load %arg11[%get3A_693, %get3A_694] {strides = array<i32>} : memref<80x96xf32, #tpu.memory_space<vmem>>, vector<1x16xf32>,
        %get3A_696 = vector.shape_cast %get3A_695 : vector<1x16xf32> to vector<16xf32>
        %mul3A_697 = vector.broadcast %squeeze3A_681 : f32 to vector<16xf32>
        %mul3A_698 = arith.mulf %get3A_696, %mul3A_697 : vector<16xf32>
        %swap3A_699 = arith.index_cast %add3A_679 : i32 to index
        %swap3A_700 = arith.constant 16 : index
        %swap3A_701 = tpu.vector_load %arg11[%swap3A_699, %swap3A_700] {strides = array<i32>} : memref<80x96xf32, #tpu.memory_space<vmem>>, vector<1x16xf32>,
        %swap3A_702 = vector.shape_cast %swap3A_701 : vector<1x16xf32> to vector<16xf32>
        %swap3A_703 = vector.shape_cast %mul3A_698 : vector<16xf32> to vector<1x16xf32>
        tpu.vector_store %arg11[%swap3A_699, %swap3A_700], %swap3A_703 {strides = array<i32>} : memref<80x96xf32, #tpu.memory_space<vmem>>, vector<1x16xf32>,
        %get3A_704 = arith.index_cast %add3A_679 : i32 to index
        %get3A_705 = arith.constant 32 : index
        %get3A_706 = tpu.vector_load %arg11[%get3A_704, %get3A_705] {strides = array<i32>} : memref<80x96xf32, #tpu.memory_space<vmem>>, vector<1x16xf32>,
        %get3A_707 = vector.shape_cast %get3A_706 : vector<1x16xf32> to vector<16xf32>
        %mul3A_708 = vector.broadcast %squeeze3A_681 : f32 to vector<16xf32>
        %mul3A_709 = arith.mulf %get3A_707, %mul3A_708 : vector<16xf32>
        %swap3A_710 = arith.index_cast %add3A_679 : i32 to index
        %swap3A_711 = arith.constant 32 : index
        %swap3A_712 = tpu.vector_load %arg11[%swap3A_710, %swap3A_711] {strides = array<i32>} : memref<80x96xf32, #tpu.memory_space<vmem>>, vector<1x16xf32>,
        %swap3A_713 = vector.shape_cast %swap3A_712 : vector<1x16xf32> to vector<16xf32>
        %swap3A_714 = vector.shape_cast %mul3A_709 : vector<16xf32> to vector<1x16xf32>
        tpu.vector_store %arg11[%swap3A_710, %swap3A_711], %swap3A_714 {strides = array<i32>} : memref<80x96xf32, #tpu.memory_space<vmem>>, vector<1x16xf32>,
        %get3A_715 = arith.index_cast %add3A_679 : i32 to index
        %get3A_716 = arith.constant 48 : index
        %get3A_717 = tpu.vector_load %arg11[%get3A_715, %get3A_716] {strides = array<i32>} : memref<80x96xf32, #tpu.memory_space<vmem>>, vector<1x16xf32>,
        %get3A_718 = vector.shape_cast %get3A_717 : vector<1x16xf32> to vector<16xf32>
        %mul3A_719 = vector.broadcast %squeeze3A_681 : f32 to vector<16xf32>
        %mul3A_720 = arith.mulf %get3A_718, %mul3A_719 : vector<16xf32>
        %swap3A_721 = arith.index_cast %add3A_679 : i32 to index
        %swap3A_722 = arith.constant 48 : index
        %swap3A_723 = tpu.vector_load %arg11[%swap3A_721, %swap3A_722] {strides = array<i32>} : memref<80x96xf32, #tpu.memory_space<vmem>>, vector<1x16xf32>,
        %swap3A_724 = vector.shape_cast %swap3A_723 : vector<1x16xf32> to vector<16xf32>
        %swap3A_725 = vector.shape_cast %mul3A_720 : vector<16xf32> to vector<1x16xf32>
        tpu.vector_store %arg11[%swap3A_721, %swap3A_722], %swap3A_725 {strides = array<i32>} : memref<80x96xf32, #tpu.memory_space<vmem>>, vector<1x16xf32>,
        %get3A_726 = arith.index_cast %add3A_679 : i32 to index
        %get3A_727 = arith.constant 64 : index
        %get3A_728 = tpu.vector_load %arg11[%get3A_726, %get3A_727] {strides = array<i32>} : memref<80x96xf32, #tpu.memory_space<vmem>>, vector<1x16xf32>,
        %get3A_729 = vector.shape_cast %get3A_728 : vector<1x16xf32> to vector<16xf32>
        %mul3A_730 = vector.broadcast %squeeze3A_681 : f32 to vector<16xf32>
        %mul3A_731 = arith.mulf %get3A_729, %mul3A_730 : vector<16xf32>
        %swap3A_732 = arith.index_cast %add3A_679 : i32 to index
        %swap3A_733 = arith.constant 64 : index
        %swap3A_734 = tpu.vector_load %arg11[%swap3A_732, %swap3A_733] {strides = array<i32>} : memref<80x96xf32, #tpu.memory_space<vmem>>, vector<1x16xf32>,
        %swap3A_735 = vector.shape_cast %swap3A_734 : vector<1x16xf32> to vector<16xf32>
        %swap3A_736 = vector.shape_cast %mul3A_731 : vector<16xf32> to vector<1x16xf32>
        tpu.vector_store %arg11[%swap3A_732, %swap3A_733], %swap3A_736 {strides = array<i32>} : memref<80x96xf32, #tpu.memory_space<vmem>>, vector<1x16xf32>,
        %get3A_737 = arith.index_cast %add3A_679 : i32 to index
        %get3A_738 = arith.constant 80 : index
        %get3A_739 = tpu.vector_load %arg11[%get3A_737, %get3A_738] {strides = array<i32>} : memref<80x96xf32, #tpu.memory_space<vmem>>, vector<1x16xf32>,
        %get3A_740 = vector.shape_cast %get3A_739 : vector<1x16xf32> to vector<16xf32>
        %mul3A_741 = vector.broadcast %squeeze3A_681 : f32 to vector<16xf32>
        %mul3A_742 = arith.mulf %get3A_740, %mul3A_741 : vector<16xf32>
        %swap3A_743 = arith.index_cast %add3A_679 : i32 to index
        %swap3A_744 = arith.constant 80 : index
        %swap3A_745 = tpu.vector_load %arg11[%swap3A_743, %swap3A_744] {strides = array<i32>} : memref<80x96xf32, #tpu.memory_space<vmem>>, vector<1x16xf32>,
        %swap3A_746 = vector.shape_cast %swap3A_745 : vector<1x16xf32> to vector<16xf32>
        %swap3A_747 = vector.shape_cast %mul3A_742 : vector<16xf32> to vector<1x16xf32>
        tpu.vector_store %arg11[%swap3A_743, %swap3A_744], %swap3A_747 {strides = array<i32>} : memref<80x96xf32, #tpu.memory_space<vmem>>, vector<1x16xf32>,
        %mul3A_748 = arith.constant 16 : i32
        %mul3A_749 = arith.muli %scan3A_23, %mul3A_748 : i32
        %add3A_750 = arith.constant 10 : i32
        %add3A_751 = arith.addi %mul3A_749, %add3A_750 : i32
        %slice3A_752 = vector.extract_strided_slice %get3A_30 {offsets = [10], sizes = [1], strides = [1]} : vector<16xf32> to vector<1xf32>
        %squeeze3A_753 = vector.extract %slice3A_752[0] : f32 from vector<1xf32>
        %get3A_754 = arith.index_cast %add3A_751 : i32 to index
        %get3A_755 = arith.constant 0 : index
        %get3A_756 = tpu.vector_load %arg11[%get3A_754, %get3A_755] {strides = array<i32>} : memref<80x96xf32, #tpu.memory_space<vmem>>, vector<1x16xf32>,
        %get3A_757 = vector.shape_cast %get3A_756 : vector<1x16xf32> to vector<16xf32>
        %mul3A_758 = vector.broadcast %squeeze3A_753 : f32 to vector<16xf32>
        %mul3A_759 = arith.mulf %get3A_757, %mul3A_758 : vector<16xf32>
        %swap3A_760 = arith.index_cast %add3A_751 : i32 to index
        %swap3A_761 = arith.constant 0 : index
        %swap3A_762 = tpu.vector_load %arg11[%swap3A_760, %swap3A_761] {strides = array<i32>} : memref<80x96xf32, #tpu.memory_space<vmem>>, vector<1x16xf32>,
        %swap3A_763 = vector.shape_cast %swap3A_762 : vector<1x16xf32> to vector<16xf32>
        %swap3A_764 = vector.shape_cast %mul3A_759 : vector<16xf32> to vector<1x16xf32>
        tpu.vector_store %arg11[%swap3A_760, %swap3A_761], %swap3A_764 {strides = array<i32>} : memref<80x96xf32, #tpu.memory_space<vmem>>, vector<1x16xf32>,
        %get3A_765 = arith.index_cast %add3A_751 : i32 to index
        %get3A_766 = arith.constant 16 : index
        %get3A_767 = tpu.vector_load %arg11[%get3A_765, %get3A_766] {strides = array<i32>} : memref<80x96xf32, #tpu.memory_space<vmem>>, vector<1x16xf32>,
        %get3A_768 = vector.shape_cast %get3A_767 : vector<1x16xf32> to vector<16xf32>
        %mul3A_769 = vector.broadcast %squeeze3A_753 : f32 to vector<16xf32>
        %mul3A_770 = arith.mulf %get3A_768, %mul3A_769 : vector<16xf32>
        %swap3A_771 = arith.index_cast %add3A_751 : i32 to index
        %swap3A_772 = arith.constant 16 : index
        %swap3A_773 = tpu.vector_load %arg11[%swap3A_771, %swap3A_772] {strides = array<i32>} : memref<80x96xf32, #tpu.memory_space<vmem>>, vector<1x16xf32>,
        %swap3A_774 = vector.shape_cast %swap3A_773 : vector<1x16xf32> to vector<16xf32>
        %swap3A_775 = vector.shape_cast %mul3A_770 : vector<16xf32> to vector<1x16xf32>
        tpu.vector_store %arg11[%swap3A_771, %swap3A_772], %swap3A_775 {strides = array<i32>} : memref<80x96xf32, #tpu.memory_space<vmem>>, vector<1x16xf32>,
        %get3A_776 = arith.index_cast %add3A_751 : i32 to index
        %get3A_777 = arith.constant 32 : index
        %get3A_778 = tpu.vector_load %arg11[%get3A_776, %get3A_777] {strides = array<i32>} : memref<80x96xf32, #tpu.memory_space<vmem>>, vector<1x16xf32>,
        %get3A_779 = vector.shape_cast %get3A_778 : vector<1x16xf32> to vector<16xf32>
        %mul3A_780 = vector.broadcast %squeeze3A_753 : f32 to vector<16xf32>
        %mul3A_781 = arith.mulf %get3A_779, %mul3A_780 : vector<16xf32>
        %swap3A_782 = arith.index_cast %add3A_751 : i32 to index
        %swap3A_783 = arith.constant 32 : index
        %swap3A_784 = tpu.vector_load %arg11[%swap3A_782, %swap3A_783] {strides = array<i32>} : memref<80x96xf32, #tpu.memory_space<vmem>>, vector<1x16xf32>,
        %swap3A_785 = vector.shape_cast %swap3A_784 : vector<1x16xf32> to vector<16xf32>
        %swap3A_786 = vector.shape_cast %mul3A_781 : vector<16xf32> to vector<1x16xf32>
        tpu.vector_store %arg11[%swap3A_782, %swap3A_783], %swap3A_786 {strides = array<i32>} : memref<80x96xf32, #tpu.memory_space<vmem>>, vector<1x16xf32>,
        %get3A_787 = arith.index_cast %add3A_751 : i32 to index
        %get3A_788 = arith.constant 48 : index
        %get3A_789 = tpu.vector_load %arg11[%get3A_787, %get3A_788] {strides = array<i32>} : memref<80x96xf32, #tpu.memory_space<vmem>>, vector<1x16xf32>,
        %get3A_790 = vector.shape_cast %get3A_789 : vector<1x16xf32> to vector<16xf32>
        %mul3A_791 = vector.broadcast %squeeze3A_753 : f32 to vector<16xf32>
        %mul3A_792 = arith.mulf %get3A_790, %mul3A_791 : vector<16xf32>
        %swap3A_793 = arith.index_cast %add3A_751 : i32 to index
        %swap3A_794 = arith.constant 48 : index
        %swap3A_795 = tpu.vector_load %arg11[%swap3A_793, %swap3A_794] {strides = array<i32>} : memref<80x96xf32, #tpu.memory_space<vmem>>, vector<1x16xf32>,
        %swap3A_796 = vector.shape_cast %swap3A_795 : vector<1x16xf32> to vector<16xf32>
        %swap3A_797 = vector.shape_cast %mul3A_792 : vector<16xf32> to vector<1x16xf32>
        tpu.vector_store %arg11[%swap3A_793, %swap3A_794], %swap3A_797 {strides = array<i32>} : memref<80x96xf32, #tpu.memory_space<vmem>>, vector<1x16xf32>,
        %get3A_798 = arith.index_cast %add3A_751 : i32 to index
        %get3A_799 = arith.constant 64 : index
        %get3A_800 = tpu.vector_load %arg11[%get3A_798, %get3A_799] {strides = array<i32>} : memref<80x96xf32, #tpu.memory_space<vmem>>, vector<1x16xf32>,
        %get3A_801 = vector.shape_cast %get3A_800 : vector<1x16xf32> to vector<16xf32>
        %mul3A_802 = vector.broadcast %squeeze3A_753 : f32 to vector<16xf32>
        %mul3A_803 = arith.mulf %get3A_801, %mul3A_802 : vector<16xf32>
        %swap3A_804 = arith.index_cast %add3A_751 : i32 to index
        %swap3A_805 = arith.constant 64 : index
        %swap3A_806 = tpu.vector_load %arg11[%swap3A_804, %swap3A_805] {strides = array<i32>} : memref<80x96xf32, #tpu.memory_space<vmem>>, vector<1x16xf32>,
        %swap3A_807 = vector.shape_cast %swap3A_806 : vector<1x16xf32> to vector<16xf32>
        %swap3A_808 = vector.shape_cast %mul3A_803 : vector<16xf32> to vector<1x16xf32>
        tpu.vector_store %arg11[%swap3A_804, %swap3A_805], %swap3A_808 {strides = array<i32>} : memref<80x96xf32, #tpu.memory_space<vmem>>, vector<1x16xf32>,
        %get3A_809 = arith.index_cast %add3A_751 : i32 to index
        %get3A_810 = arith.constant 80 : index
        %get3A_811 = tpu.vector_load %arg11[%get3A_809, %get3A_810] {strides = array<i32>} : memref<80x96xf32, #tpu.memory_space<vmem>>, vector<1x16xf32>,
        %get3A_812 = vector.shape_cast %get3A_811 : vector<1x16xf32> to vector<16xf32>
        %mul3A_813 = vector.broadcast %squeeze3A_753 : f32 to vector<16xf32>
        %mul3A_814 = arith.mulf %get3A_812, %mul3A_813 : vector<16xf32>
        %swap3A_815 = arith.index_cast %add3A_751 : i32 to index
        %swap3A_816 = arith.constant 80 : index
        %swap3A_817 = tpu.vector_load %arg11[%swap3A_815, %swap3A_816] {strides = array<i32>} : memref<80x96xf32, #tpu.memory_space<vmem>>, vector<1x16xf32>,
        %swap3A_818 = vector.shape_cast %swap3A_817 : vector<1x16xf32> to vector<16xf32>
        %swap3A_819 = vector.shape_cast %mul3A_814 : vector<16xf32> to vector<1x16xf32>
        tpu.vector_store %arg11[%swap3A_815, %swap3A_816], %swap3A_819 {strides = array<i32>} : memref<80x96xf32, #tpu.memory_space<vmem>>, vector<1x16xf32>,
        %mul3A_820 = arith.constant 16 : i32
        %mul3A_821 = arith.muli %scan3A_23, %mul3A_820 : i32
        %add3A_822 = arith.constant 11 : i32
        %add3A_823 = arith.addi %mul3A_821, %add3A_822 : i32
        %slice3A_824 = vector.extract_strided_slice %get3A_30 {offsets = [11], sizes = [1], strides = [1]} : vector<16xf32> to vector<1xf32>
        %squeeze3A_825 = vector.extract %slice3A_824[0] : f32 from vector<1xf32>
        %get3A_826 = arith.index_cast %add3A_823 : i32 to index
        %get3A_827 = arith.constant 0 : index
        %get3A_828 = tpu.vector_load %arg11[%get3A_826, %get3A_827] {strides = array<i32>} : memref<80x96xf32, #tpu.memory_space<vmem>>, vector<1x16xf32>,
        %get3A_829 = vector.shape_cast %get3A_828 : vector<1x16xf32> to vector<16xf32>
        %mul3A_830 = vector.broadcast %squeeze3A_825 : f32 to vector<16xf32>
        %mul3A_831 = arith.mulf %get3A_829, %mul3A_830 : vector<16xf32>
        %swap3A_832 = arith.index_cast %add3A_823 : i32 to index
        %swap3A_833 = arith.constant 0 : index
        %swap3A_834 = tpu.vector_load %arg11[%swap3A_832, %swap3A_833] {strides = array<i32>} : memref<80x96xf32, #tpu.memory_space<vmem>>, vector<1x16xf32>,
        %swap3A_835 = vector.shape_cast %swap3A_834 : vector<1x16xf32> to vector<16xf32>
        %swap3A_836 = vector.shape_cast %mul3A_831 : vector<16xf32> to vector<1x16xf32>
        tpu.vector_store %arg11[%swap3A_832, %swap3A_833], %swap3A_836 {strides = array<i32>} : memref<80x96xf32, #tpu.memory_space<vmem>>, vector<1x16xf32>,
        %get3A_837 = arith.index_cast %add3A_823 : i32 to index
        %get3A_838 = arith.constant 16 : index
        %get3A_839 = tpu.vector_load %arg11[%get3A_837, %get3A_838] {strides = array<i32>} : memref<80x96xf32, #tpu.memory_space<vmem>>, vector<1x16xf32>,
        %get3A_840 = vector.shape_cast %get3A_839 : vector<1x16xf32> to vector<16xf32>
        %mul3A_841 = vector.broadcast %squeeze3A_825 : f32 to vector<16xf32>
        %mul3A_842 = arith.mulf %get3A_840, %mul3A_841 : vector<16xf32>
        %swap3A_843 = arith.index_cast %add3A_823 : i32 to index
        %swap3A_844 = arith.constant 16 : index
        %swap3A_845 = tpu.vector_load %arg11[%swap3A_843, %swap3A_844] {strides = array<i32>} : memref<80x96xf32, #tpu.memory_space<vmem>>, vector<1x16xf32>,
        %swap3A_846 = vector.shape_cast %swap3A_845 : vector<1x16xf32> to vector<16xf32>
        %swap3A_847 = vector.shape_cast %mul3A_842 : vector<16xf32> to vector<1x16xf32>
        tpu.vector_store %arg11[%swap3A_843, %swap3A_844], %swap3A_847 {strides = array<i32>} : memref<80x96xf32, #tpu.memory_space<vmem>>, vector<1x16xf32>,
        %get3A_848 = arith.index_cast %add3A_823 : i32 to index
        %get3A_849 = arith.constant 32 : index
        %get3A_850 = tpu.vector_load %arg11[%get3A_848, %get3A_849] {strides = array<i32>} : memref<80x96xf32, #tpu.memory_space<vmem>>, vector<1x16xf32>,
        %get3A_851 = vector.shape_cast %get3A_850 : vector<1x16xf32> to vector<16xf32>
        %mul3A_852 = vector.broadcast %squeeze3A_825 : f32 to vector<16xf32>
        %mul3A_853 = arith.mulf %get3A_851, %mul3A_852 : vector<16xf32>
        %swap3A_854 = arith.index_cast %add3A_823 : i32 to index
        %swap3A_855 = arith.constant 32 : index
        %swap3A_856 = tpu.vector_load %arg11[%swap3A_854, %swap3A_855] {strides = array<i32>} : memref<80x96xf32, #tpu.memory_space<vmem>>, vector<1x16xf32>,
        %swap3A_857 = vector.shape_cast %swap3A_856 : vector<1x16xf32> to vector<16xf32>
        %swap3A_858 = vector.shape_cast %mul3A_853 : vector<16xf32> to vector<1x16xf32>
        tpu.vector_store %arg11[%swap3A_854, %swap3A_855], %swap3A_858 {strides = array<i32>} : memref<80x96xf32, #tpu.memory_space<vmem>>, vector<1x16xf32>,
        %get3A_859 = arith.index_cast %add3A_823 : i32 to index
        %get3A_860 = arith.constant 48 : index
        %get3A_861 = tpu.vector_load %arg11[%get3A_859, %get3A_860] {strides = array<i32>} : memref<80x96xf32, #tpu.memory_space<vmem>>, vector<1x16xf32>,
        %get3A_862 = vector.shape_cast %get3A_861 : vector<1x16xf32> to vector<16xf32>
        %mul3A_863 = vector.broadcast %squeeze3A_825 : f32 to vector<16xf32>
        %mul3A_864 = arith.mulf %get3A_862, %mul3A_863 : vector<16xf32>
        %swap3A_865 = arith.index_cast %add3A_823 : i32 to index
        %swap3A_866 = arith.constant 48 : index
        %swap3A_867 = tpu.vector_load %arg11[%swap3A_865, %swap3A_866] {strides = array<i32>} : memref<80x96xf32, #tpu.memory_space<vmem>>, vector<1x16xf32>,
        %swap3A_868 = vector.shape_cast %swap3A_867 : vector<1x16xf32> to vector<16xf32>
        %swap3A_869 = vector.shape_cast %mul3A_864 : vector<16xf32> to vector<1x16xf32>
        tpu.vector_store %arg11[%swap3A_865, %swap3A_866], %swap3A_869 {strides = array<i32>} : memref<80x96xf32, #tpu.memory_space<vmem>>, vector<1x16xf32>,
        %get3A_870 = arith.index_cast %add3A_823 : i32 to index
        %get3A_871 = arith.constant 64 : index
        %get3A_872 = tpu.vector_load %arg11[%get3A_870, %get3A_871] {strides = array<i32>} : memref<80x96xf32, #tpu.memory_space<vmem>>, vector<1x16xf32>,
        %get3A_873 = vector.shape_cast %get3A_872 : vector<1x16xf32> to vector<16xf32>
        %mul3A_874 = vector.broadcast %squeeze3A_825 : f32 to vector<16xf32>
        %mul3A_875 = arith.mulf %get3A_873, %mul3A_874 : vector<16xf32>
        %swap3A_876 = arith.index_cast %add3A_823 : i32 to index
        %swap3A_877 = arith.constant 64 : index
        %swap3A_878 = tpu.vector_load %arg11[%swap3A_876, %swap3A_877] {strides = array<i32>} : memref<80x96xf32, #tpu.memory_space<vmem>>, vector<1x16xf32>,
        %swap3A_879 = vector.shape_cast %swap3A_878 : vector<1x16xf32> to vector<16xf32>
        %swap3A_880 = vector.shape_cast %mul3A_875 : vector<16xf32> to vector<1x16xf32>
        tpu.vector_store %arg11[%swap3A_876, %swap3A_877], %swap3A_880 {strides = array<i32>} : memref<80x96xf32, #tpu.memory_space<vmem>>, vector<1x16xf32>,
        %get3A_881 = arith.index_cast %add3A_823 : i32 to index
        %get3A_882 = arith.constant 80 : index
        %get3A_883 = tpu.vector_load %arg11[%get3A_881, %get3A_882] {strides = array<i32>} : memref<80x96xf32, #tpu.memory_space<vmem>>, vector<1x16xf32>,
        %get3A_884 = vector.shape_cast %get3A_883 : vector<1x16xf32> to vector<16xf32>
        %mul3A_885 = vector.broadcast %squeeze3A_825 : f32 to vector<16xf32>
        %mul3A_886 = arith.mulf %get3A_884, %mul3A_885 : vector<16xf32>
        %swap3A_887 = arith.index_cast %add3A_823 : i32 to index
        %swap3A_888 = arith.constant 80 : index
        %swap3A_889 = tpu.vector_load %arg11[%swap3A_887, %swap3A_888] {strides = array<i32>} : memref<80x96xf32, #tpu.memory_space<vmem>>, vector<1x16xf32>,
        %swap3A_890 = vector.shape_cast %swap3A_889 : vector<1x16xf32> to vector<16xf32>
        %swap3A_891 = vector.shape_cast %mul3A_886 : vector<16xf32> to vector<1x16xf32>
        tpu.vector_store %arg11[%swap3A_887, %swap3A_888], %swap3A_891 {strides = array<i32>} : memref<80x96xf32, #tpu.memory_space<vmem>>, vector<1x16xf32>,
        %mul3A_892 = arith.constant 16 : i32
        %mul3A_893 = arith.muli %scan3A_23, %mul3A_892 : i32
        %add3A_894 = arith.constant 12 : i32
        %add3A_895 = arith.addi %mul3A_893, %add3A_894 : i32
        %slice3A_896 = vector.extract_strided_slice %get3A_30 {offsets = [12], sizes = [1], strides = [1]} : vector<16xf32> to vector<1xf32>
        %squeeze3A_897 = vector.extract %slice3A_896[0] : f32 from vector<1xf32>
        %get3A_898 = arith.index_cast %add3A_895 : i32 to index
        %get3A_899 = arith.constant 0 : index
        %get3A_900 = tpu.vector_load %arg11[%get3A_898, %get3A_899] {strides = array<i32>} : memref<80x96xf32, #tpu.memory_space<vmem>>, vector<1x16xf32>,
        %get3A_901 = vector.shape_cast %get3A_900 : vector<1x16xf32> to vector<16xf32>
        %mul3A_902 = vector.broadcast %squeeze3A_897 : f32 to vector<16xf32>
        %mul3A_903 = arith.mulf %get3A_901, %mul3A_902 : vector<16xf32>
        %swap3A_904 = arith.index_cast %add3A_895 : i32 to index
        %swap3A_905 = arith.constant 0 : index
        %swap3A_906 = tpu.vector_load %arg11[%swap3A_904, %swap3A_905] {strides = array<i32>} : memref<80x96xf32, #tpu.memory_space<vmem>>, vector<1x16xf32>,
        %swap3A_907 = vector.shape_cast %swap3A_906 : vector<1x16xf32> to vector<16xf32>
        %swap3A_908 = vector.shape_cast %mul3A_903 : vector<16xf32> to vector<1x16xf32>
        tpu.vector_store %arg11[%swap3A_904, %swap3A_905], %swap3A_908 {strides = array<i32>} : memref<80x96xf32, #tpu.memory_space<vmem>>, vector<1x16xf32>,
        %get3A_909 = arith.index_cast %add3A_895 : i32 to index
        %get3A_910 = arith.constant 16 : index
        %get3A_911 = tpu.vector_load %arg11[%get3A_909, %get3A_910] {strides = array<i32>} : memref<80x96xf32, #tpu.memory_space<vmem>>, vector<1x16xf32>,
        %get3A_912 = vector.shape_cast %get3A_911 : vector<1x16xf32> to vector<16xf32>
        %mul3A_913 = vector.broadcast %squeeze3A_897 : f32 to vector<16xf32>
        %mul3A_914 = arith.mulf %get3A_912, %mul3A_913 : vector<16xf32>
        %swap3A_915 = arith.index_cast %add3A_895 : i32 to index
        %swap3A_916 = arith.constant 16 : index
        %swap3A_917 = tpu.vector_load %arg11[%swap3A_915, %swap3A_916] {strides = array<i32>} : memref<80x96xf32, #tpu.memory_space<vmem>>, vector<1x16xf32>,
        %swap3A_918 = vector.shape_cast %swap3A_917 : vector<1x16xf32> to vector<16xf32>
        %swap3A_919 = vector.shape_cast %mul3A_914 : vector<16xf32> to vector<1x16xf32>
        tpu.vector_store %arg11[%swap3A_915, %swap3A_916], %swap3A_919 {strides = array<i32>} : memref<80x96xf32, #tpu.memory_space<vmem>>, vector<1x16xf32>,
        %get3A_920 = arith.index_cast %add3A_895 : i32 to index
        %get3A_921 = arith.constant 32 : index
        %get3A_922 = tpu.vector_load %arg11[%get3A_920, %get3A_921] {strides = array<i32>} : memref<80x96xf32, #tpu.memory_space<vmem>>, vector<1x16xf32>,
        %get3A_923 = vector.shape_cast %get3A_922 : vector<1x16xf32> to vector<16xf32>
        %mul3A_924 = vector.broadcast %squeeze3A_897 : f32 to vector<16xf32>
        %mul3A_925 = arith.mulf %get3A_923, %mul3A_924 : vector<16xf32>
        %swap3A_926 = arith.index_cast %add3A_895 : i32 to index
        %swap3A_927 = arith.constant 32 : index
        %swap3A_928 = tpu.vector_load %arg11[%swap3A_926, %swap3A_927] {strides = array<i32>} : memref<80x96xf32, #tpu.memory_space<vmem>>, vector<1x16xf32>,
        %swap3A_929 = vector.shape_cast %swap3A_928 : vector<1x16xf32> to vector<16xf32>
        %swap3A_930 = vector.shape_cast %mul3A_925 : vector<16xf32> to vector<1x16xf32>
        tpu.vector_store %arg11[%swap3A_926, %swap3A_927], %swap3A_930 {strides = array<i32>} : memref<80x96xf32, #tpu.memory_space<vmem>>, vector<1x16xf32>,
        %get3A_931 = arith.index_cast %add3A_895 : i32 to index
        %get3A_932 = arith.constant 48 : index
        %get3A_933 = tpu.vector_load %arg11[%get3A_931, %get3A_932] {strides = array<i32>} : memref<80x96xf32, #tpu.memory_space<vmem>>, vector<1x16xf32>,
        %get3A_934 = vector.shape_cast %get3A_933 : vector<1x16xf32> to vector<16xf32>
        %mul3A_935 = vector.broadcast %squeeze3A_897 : f32 to vector<16xf32>
        %mul3A_936 = arith.mulf %get3A_934, %mul3A_935 : vector<16xf32>
        %swap3A_937 = arith.index_cast %add3A_895 : i32 to index
        %swap3A_938 = arith.constant 48 : index
        %swap3A_939 = tpu.vector_load %arg11[%swap3A_937, %swap3A_938] {strides = array<i32>} : memref<80x96xf32, #tpu.memory_space<vmem>>, vector<1x16xf32>,
        %swap3A_940 = vector.shape_cast %swap3A_939 : vector<1x16xf32> to vector<16xf32>
        %swap3A_941 = vector.shape_cast %mul3A_936 : vector<16xf32> to vector<1x16xf32>
        tpu.vector_store %arg11[%swap3A_937, %swap3A_938], %swap3A_941 {strides = array<i32>} : memref<80x96xf32, #tpu.memory_space<vmem>>, vector<1x16xf32>,
        %get3A_942 = arith.index_cast %add3A_895 : i32 to index
        %get3A_943 = arith.constant 64 : index
        %get3A_944 = tpu.vector_load %arg11[%get3A_942, %get3A_943] {strides = array<i32>} : memref<80x96xf32, #tpu.memory_space<vmem>>, vector<1x16xf32>,
        %get3A_945 = vector.shape_cast %get3A_944 : vector<1x16xf32> to vector<16xf32>
        %mul3A_946 = vector.broadcast %squeeze3A_897 : f32 to vector<16xf32>
        %mul3A_947 = arith.mulf %get3A_945, %mul3A_946 : vector<16xf32>
        %swap3A_948 = arith.index_cast %add3A_895 : i32 to index
        %swap3A_949 = arith.constant 64 : index
        %swap3A_950 = tpu.vector_load %arg11[%swap3A_948, %swap3A_949] {strides = array<i32>} : memref<80x96xf32, #tpu.memory_space<vmem>>, vector<1x16xf32>,
        %swap3A_951 = vector.shape_cast %swap3A_950 : vector<1x16xf32> to vector<16xf32>
        %swap3A_952 = vector.shape_cast %mul3A_947 : vector<16xf32> to vector<1x16xf32>
        tpu.vector_store %arg11[%swap3A_948, %swap3A_949], %swap3A_952 {strides = array<i32>} : memref<80x96xf32, #tpu.memory_space<vmem>>, vector<1x16xf32>,
        %get3A_953 = arith.index_cast %add3A_895 : i32 to index
        %get3A_954 = arith.constant 80 : index
        %get3A_955 = tpu.vector_load %arg11[%get3A_953, %get3A_954] {strides = array<i32>} : memref<80x96xf32, #tpu.memory_space<vmem>>, vector<1x16xf32>,
        %get3A_956 = vector.shape_cast %get3A_955 : vector<1x16xf32> to vector<16xf32>
        %mul3A_957 = vector.broadcast %squeeze3A_897 : f32 to vector<16xf32>
        %mul3A_958 = arith.mulf %get3A_956, %mul3A_957 : vector<16xf32>
        %swap3A_959 = arith.index_cast %add3A_895 : i32 to index
        %swap3A_960 = arith.constant 80 : index
        %swap3A_961 = tpu.vector_load %arg11[%swap3A_959, %swap3A_960] {strides = array<i32>} : memref<80x96xf32, #tpu.memory_space<vmem>>, vector<1x16xf32>,
        %swap3A_962 = vector.shape_cast %swap3A_961 : vector<1x16xf32> to vector<16xf32>
        %swap3A_963 = vector.shape_cast %mul3A_958 : vector<16xf32> to vector<1x16xf32>
        tpu.vector_store %arg11[%swap3A_959, %swap3A_960], %swap3A_963 {strides = array<i32>} : memref<80x96xf32, #tpu.memory_space<vmem>>, vector<1x16xf32>,
        %mul3A_964 = arith.constant 16 : i32
        %mul3A_965 = arith.muli %scan3A_23, %mul3A_964 : i32
        %add3A_966 = arith.constant 13 : i32
        %add3A_967 = arith.addi %mul3A_965, %add3A_966 : i32
        %slice3A_968 = vector.extract_strided_slice %get3A_30 {offsets = [13], sizes = [1], strides = [1]} : vector<16xf32> to vector<1xf32>
        %squeeze3A_969 = vector.extract %slice3A_968[0] : f32 from vector<1xf32>
        %get3A_970 = arith.index_cast %add3A_967 : i32 to index
        %get3A_971 = arith.constant 0 : index
        %get3A_972 = tpu.vector_load %arg11[%get3A_970, %get3A_971] {strides = array<i32>} : memref<80x96xf32, #tpu.memory_space<vmem>>, vector<1x16xf32>,
        %get3A_973 = vector.shape_cast %get3A_972 : vector<1x16xf32> to vector<16xf32>
        %mul3A_974 = vector.broadcast %squeeze3A_969 : f32 to vector<16xf32>
        %mul3A_975 = arith.mulf %get3A_973, %mul3A_974 : vector<16xf32>
        %swap3A_976 = arith.index_cast %add3A_967 : i32 to index
        %swap3A_977 = arith.constant 0 : index
        %swap3A_978 = tpu.vector_load %arg11[%swap3A_976, %swap3A_977] {strides = array<i32>} : memref<80x96xf32, #tpu.memory_space<vmem>>, vector<1x16xf32>,
        %swap3A_979 = vector.shape_cast %swap3A_978 : vector<1x16xf32> to vector<16xf32>
        %swap3A_980 = vector.shape_cast %mul3A_975 : vector<16xf32> to vector<1x16xf32>
        tpu.vector_store %arg11[%swap3A_976, %swap3A_977], %swap3A_980 {strides = array<i32>} : memref<80x96xf32, #tpu.memory_space<vmem>>, vector<1x16xf32>,
        %get3A_981 = arith.index_cast %add3A_967 : i32 to index
        %get3A_982 = arith.constant 16 : index
        %get3A_983 = tpu.vector_load %arg11[%get3A_981, %get3A_982] {strides = array<i32>} : memref<80x96xf32, #tpu.memory_space<vmem>>, vector<1x16xf32>,
        %get3A_984 = vector.shape_cast %get3A_983 : vector<1x16xf32> to vector<16xf32>
        %mul3A_985 = vector.broadcast %squeeze3A_969 : f32 to vector<16xf32>
        %mul3A_986 = arith.mulf %get3A_984, %mul3A_985 : vector<16xf32>
        %swap3A_987 = arith.index_cast %add3A_967 : i32 to index
        %swap3A_988 = arith.constant 16 : index
        %swap3A_989 = tpu.vector_load %arg11[%swap3A_987, %swap3A_988] {strides = array<i32>} : memref<80x96xf32, #tpu.memory_space<vmem>>, vector<1x16xf32>,
        %swap3A_990 = vector.shape_cast %swap3A_989 : vector<1x16xf32> to vector<16xf32>
        %swap3A_991 = vector.shape_cast %mul3A_986 : vector<16xf32> to vector<1x16xf32>
        tpu.vector_store %arg11[%swap3A_987, %swap3A_988], %swap3A_991 {strides = array<i32>} : memref<80x96xf32, #tpu.memory_space<vmem>>, vector<1x16xf32>,
        %get3A_992 = arith.index_cast %add3A_967 : i32 to index
        %get3A_993 = arith.constant 32 : index
        %get3A_994 = tpu.vector_load %arg11[%get3A_992, %get3A_993] {strides = array<i32>} : memref<80x96xf32, #tpu.memory_space<vmem>>, vector<1x16xf32>,
        %get3A_995 = vector.shape_cast %get3A_994 : vector<1x16xf32> to vector<16xf32>
        %mul3A_996 = vector.broadcast %squeeze3A_969 : f32 to vector<16xf32>
        %mul3A_997 = arith.mulf %get3A_995, %mul3A_996 : vector<16xf32>
        %swap3A_998 = arith.index_cast %add3A_967 : i32 to index
        %swap3A_999 = arith.constant 32 : index
        %swap3A_1000 = tpu.vector_load %arg11[%swap3A_998, %swap3A_999] {strides = array<i32>} : memref<80x96xf32, #tpu.memory_space<vmem>>, vector<1x16xf32>,
        %swap3A_1001 = vector.shape_cast %swap3A_1000 : vector<1x16xf32> to vector<16xf32>
        %swap3A_1002 = vector.shape_cast %mul3A_997 : vector<16xf32> to vector<1x16xf32>
        tpu.vector_store %arg11[%swap3A_998, %swap3A_999], %swap3A_1002 {strides = array<i32>} : memref<80x96xf32, #tpu.memory_space<vmem>>, vector<1x16xf32>,
        %get3A_1003 = arith.index_cast %add3A_967 : i32 to index
        %get3A_1004 = arith.constant 48 : index
        %get3A_1005 = tpu.vector_load %arg11[%get3A_1003, %get3A_1004] {strides = array<i32>} : memref<80x96xf32, #tpu.memory_space<vmem>>, vector<1x16xf32>,
        %get3A_1006 = vector.shape_cast %get3A_1005 : vector<1x16xf32> to vector<16xf32>
        %mul3A_1007 = vector.broadcast %squeeze3A_969 : f32 to vector<16xf32>
        %mul3A_1008 = arith.mulf %get3A_1006, %mul3A_1007 : vector<16xf32>
        %swap3A_1009 = arith.index_cast %add3A_967 : i32 to index
        %swap3A_1010 = arith.constant 48 : index
        %swap3A_1011 = tpu.vector_load %arg11[%swap3A_1009, %swap3A_1010] {strides = array<i32>} : memref<80x96xf32, #tpu.memory_space<vmem>>, vector<1x16xf32>,
        %swap3A_1012 = vector.shape_cast %swap3A_1011 : vector<1x16xf32> to vector<16xf32>
        %swap3A_1013 = vector.shape_cast %mul3A_1008 : vector<16xf32> to vector<1x16xf32>
        tpu.vector_store %arg11[%swap3A_1009, %swap3A_1010], %swap3A_1013 {strides = array<i32>} : memref<80x96xf32, #tpu.memory_space<vmem>>, vector<1x16xf32>,
        %get3A_1014 = arith.index_cast %add3A_967 : i32 to index
        %get3A_1015 = arith.constant 64 : index
        %get3A_1016 = tpu.vector_load %arg11[%get3A_1014, %get3A_1015] {strides = array<i32>} : memref<80x96xf32, #tpu.memory_space<vmem>>, vector<1x16xf32>,
        %get3A_1017 = vector.shape_cast %get3A_1016 : vector<1x16xf32> to vector<16xf32>
        %mul3A_1018 = vector.broadcast %squeeze3A_969 : f32 to vector<16xf32>
        %mul3A_1019 = arith.mulf %get3A_1017, %mul3A_1018 : vector<16xf32>
        %swap3A_1020 = arith.index_cast %add3A_967 : i32 to index
        %swap3A_1021 = arith.constant 64 : index
        %swap3A_1022 = tpu.vector_load %arg11[%swap3A_1020, %swap3A_1021] {strides = array<i32>} : memref<80x96xf32, #tpu.memory_space<vmem>>, vector<1x16xf32>,
        %swap3A_1023 = vector.shape_cast %swap3A_1022 : vector<1x16xf32> to vector<16xf32>
        %swap3A_1024 = vector.shape_cast %mul3A_1019 : vector<16xf32> to vector<1x16xf32>
        tpu.vector_store %arg11[%swap3A_1020, %swap3A_1021], %swap3A_1024 {strides = array<i32>} : memref<80x96xf32, #tpu.memory_space<vmem>>, vector<1x16xf32>,
        %get3A_1025 = arith.index_cast %add3A_967 : i32 to index
        %get3A_1026 = arith.constant 80 : index
        %get3A_1027 = tpu.vector_load %arg11[%get3A_1025, %get3A_1026] {strides = array<i32>} : memref<80x96xf32, #tpu.memory_space<vmem>>, vector<1x16xf32>,
        %get3A_1028 = vector.shape_cast %get3A_1027 : vector<1x16xf32> to vector<16xf32>
        %mul3A_1029 = vector.broadcast %squeeze3A_969 : f32 to vector<16xf32>
        %mul3A_1030 = arith.mulf %get3A_1028, %mul3A_1029 : vector<16xf32>
        %swap3A_1031 = arith.index_cast %add3A_967 : i32 to index
        %swap3A_1032 = arith.constant 80 : index
        %swap3A_1033 = tpu.vector_load %arg11[%swap3A_1031, %swap3A_1032] {strides = array<i32>} : memref<80x96xf32, #tpu.memory_space<vmem>>, vector<1x16xf32>,
        %swap3A_1034 = vector.shape_cast %swap3A_1033 : vector<1x16xf32> to vector<16xf32>
        %swap3A_1035 = vector.shape_cast %mul3A_1030 : vector<16xf32> to vector<1x16xf32>
        tpu.vector_store %arg11[%swap3A_1031, %swap3A_1032], %swap3A_1035 {strides = array<i32>} : memref<80x96xf32, #tpu.memory_space<vmem>>, vector<1x16xf32>,
        %mul3A_1036 = arith.constant 16 : i32
        %mul3A_1037 = arith.muli %scan3A_23, %mul3A_1036 : i32
        %add3A_1038 = arith.constant 14 : i32
        %add3A_1039 = arith.addi %mul3A_1037, %add3A_1038 : i32
        %slice3A_1040 = vector.extract_strided_slice %get3A_30 {offsets = [14], sizes = [1], strides = [1]} : vector<16xf32> to vector<1xf32>
        %squeeze3A_1041 = vector.extract %slice3A_1040[0] : f32 from vector<1xf32>
        %get3A_1042 = arith.index_cast %add3A_1039 : i32 to index
        %get3A_1043 = arith.constant 0 : index
        %get3A_1044 = tpu.vector_load %arg11[%get3A_1042, %get3A_1043] {strides = array<i32>} : memref<80x96xf32, #tpu.memory_space<vmem>>, vector<1x16xf32>,
        %get3A_1045 = vector.shape_cast %get3A_1044 : vector<1x16xf32> to vector<16xf32>
        %mul3A_1046 = vector.broadcast %squeeze3A_1041 : f32 to vector<16xf32>
        %mul3A_1047 = arith.mulf %get3A_1045, %mul3A_1046 : vector<16xf32>
        %swap3A_1048 = arith.index_cast %add3A_1039 : i32 to index
        %swap3A_1049 = arith.constant 0 : index
        %swap3A_1050 = tpu.vector_load %arg11[%swap3A_1048, %swap3A_1049] {strides = array<i32>} : memref<80x96xf32, #tpu.memory_space<vmem>>, vector<1x16xf32>,
        %swap3A_1051 = vector.shape_cast %swap3A_1050 : vector<1x16xf32> to vector<16xf32>
        %swap3A_1052 = vector.shape_cast %mul3A_1047 : vector<16xf32> to vector<1x16xf32>
        tpu.vector_store %arg11[%swap3A_1048, %swap3A_1049], %swap3A_1052 {strides = array<i32>} : memref<80x96xf32, #tpu.memory_space<vmem>>, vector<1x16xf32>,
        %get3A_1053 = arith.index_cast %add3A_1039 : i32 to index
        %get3A_1054 = arith.constant 16 : index
        %get3A_1055 = tpu.vector_load %arg11[%get3A_1053, %get3A_1054] {strides = array<i32>} : memref<80x96xf32, #tpu.memory_space<vmem>>, vector<1x16xf32>,
        %get3A_1056 = vector.shape_cast %get3A_1055 : vector<1x16xf32> to vector<16xf32>
        %mul3A_1057 = vector.broadcast %squeeze3A_1041 : f32 to vector<16xf32>
        %mul3A_1058 = arith.mulf %get3A_1056, %mul3A_1057 : vector<16xf32>
        %swap3A_1059 = arith.index_cast %add3A_1039 : i32 to index
        %swap3A_1060 = arith.constant 16 : index
        %swap3A_1061 = tpu.vector_load %arg11[%swap3A_1059, %swap3A_1060] {strides = array<i32>} : memref<80x96xf32, #tpu.memory_space<vmem>>, vector<1x16xf32>,
        %swap3A_1062 = vector.shape_cast %swap3A_1061 : vector<1x16xf32> to vector<16xf32>
        %swap3A_1063 = vector.shape_cast %mul3A_1058 : vector<16xf32> to vector<1x16xf32>
        tpu.vector_store %arg11[%swap3A_1059, %swap3A_1060], %swap3A_1063 {strides = array<i32>} : memref<80x96xf32, #tpu.memory_space<vmem>>, vector<1x16xf32>,
        %get3A_1064 = arith.index_cast %add3A_1039 : i32 to index
        %get3A_1065 = arith.constant 32 : index
        %get3A_1066 = tpu.vector_load %arg11[%get3A_1064, %get3A_1065] {strides = array<i32>} : memref<80x96xf32, #tpu.memory_space<vmem>>, vector<1x16xf32>,
        %get3A_1067 = vector.shape_cast %get3A_1066 : vector<1x16xf32> to vector<16xf32>
        %mul3A_1068 = vector.broadcast %squeeze3A_1041 : f32 to vector<16xf32>
        %mul3A_1069 = arith.mulf %get3A_1067, %mul3A_1068 : vector<16xf32>
        %swap3A_1070 = arith.index_cast %add3A_1039 : i32 to index
        %swap3A_1071 = arith.constant 32 : index
        %swap3A_1072 = tpu.vector_load %arg11[%swap3A_1070, %swap3A_1071] {strides = array<i32>} : memref<80x96xf32, #tpu.memory_space<vmem>>, vector<1x16xf32>,
        %swap3A_1073 = vector.shape_cast %swap3A_1072 : vector<1x16xf32> to vector<16xf32>
        %swap3A_1074 = vector.shape_cast %mul3A_1069 : vector<16xf32> to vector<1x16xf32>
        tpu.vector_store %arg11[%swap3A_1070, %swap3A_1071], %swap3A_1074 {strides = array<i32>} : memref<80x96xf32, #tpu.memory_space<vmem>>, vector<1x16xf32>,
        %get3A_1075 = arith.index_cast %add3A_1039 : i32 to index
        %get3A_1076 = arith.constant 48 : index
        %get3A_1077 = tpu.vector_load %arg11[%get3A_1075, %get3A_1076] {strides = array<i32>} : memref<80x96xf32, #tpu.memory_space<vmem>>, vector<1x16xf32>,
        %get3A_1078 = vector.shape_cast %get3A_1077 : vector<1x16xf32> to vector<16xf32>
        %mul3A_1079 = vector.broadcast %squeeze3A_1041 : f32 to vector<16xf32>
        %mul3A_1080 = arith.mulf %get3A_1078, %mul3A_1079 : vector<16xf32>
        %swap3A_1081 = arith.index_cast %add3A_1039 : i32 to index
        %swap3A_1082 = arith.constant 48 : index
        %swap3A_1083 = tpu.vector_load %arg11[%swap3A_1081, %swap3A_1082] {strides = array<i32>} : memref<80x96xf32, #tpu.memory_space<vmem>>, vector<1x16xf32>,
        %swap3A_1084 = vector.shape_cast %swap3A_1083 : vector<1x16xf32> to vector<16xf32>
        %swap3A_1085 = vector.shape_cast %mul3A_1080 : vector<16xf32> to vector<1x16xf32>
        tpu.vector_store %arg11[%swap3A_1081, %swap3A_1082], %swap3A_1085 {strides = array<i32>} : memref<80x96xf32, #tpu.memory_space<vmem>>, vector<1x16xf32>,
        %get3A_1086 = arith.index_cast %add3A_1039 : i32 to index
        %get3A_1087 = arith.constant 64 : index
        %get3A_1088 = tpu.vector_load %arg11[%get3A_1086, %get3A_1087] {strides = array<i32>} : memref<80x96xf32, #tpu.memory_space<vmem>>, vector<1x16xf32>,
        %get3A_1089 = vector.shape_cast %get3A_1088 : vector<1x16xf32> to vector<16xf32>
        %mul3A_1090 = vector.broadcast %squeeze3A_1041 : f32 to vector<16xf32>
        %mul3A_1091 = arith.mulf %get3A_1089, %mul3A_1090 : vector<16xf32>
        %swap3A_1092 = arith.index_cast %add3A_1039 : i32 to index
        %swap3A_1093 = arith.constant 64 : index
        %swap3A_1094 = tpu.vector_load %arg11[%swap3A_1092, %swap3A_1093] {strides = array<i32>} : memref<80x96xf32, #tpu.memory_space<vmem>>, vector<1x16xf32>,
        %swap3A_1095 = vector.shape_cast %swap3A_1094 : vector<1x16xf32> to vector<16xf32>
        %swap3A_1096 = vector.shape_cast %mul3A_1091 : vector<16xf32> to vector<1x16xf32>
        tpu.vector_store %arg11[%swap3A_1092, %swap3A_1093], %swap3A_1096 {strides = array<i32>} : memref<80x96xf32, #tpu.memory_space<vmem>>, vector<1x16xf32>,
        %get3A_1097 = arith.index_cast %add3A_1039 : i32 to index
        %get3A_1098 = arith.constant 80 : index
        %get3A_1099 = tpu.vector_load %arg11[%get3A_1097, %get3A_1098] {strides = array<i32>} : memref<80x96xf32, #tpu.memory_space<vmem>>, vector<1x16xf32>,
        %get3A_1100 = vector.shape_cast %get3A_1099 : vector<1x16xf32> to vector<16xf32>
        %mul3A_1101 = vector.broadcast %squeeze3A_1041 : f32 to vector<16xf32>
        %mul3A_1102 = arith.mulf %get3A_1100, %mul3A_1101 : vector<16xf32>
        %swap3A_1103 = arith.index_cast %add3A_1039 : i32 to index
        %swap3A_1104 = arith.constant 80 : index
        %swap3A_1105 = tpu.vector_load %arg11[%swap3A_1103, %swap3A_1104] {strides = array<i32>} : memref<80x96xf32, #tpu.memory_space<vmem>>, vector<1x16xf32>,
        %swap3A_1106 = vector.shape_cast %swap3A_1105 : vector<1x16xf32> to vector<16xf32>
        %swap3A_1107 = vector.shape_cast %mul3A_1102 : vector<16xf32> to vector<1x16xf32>
        tpu.vector_store %arg11[%swap3A_1103, %swap3A_1104], %swap3A_1107 {strides = array<i32>} : memref<80x96xf32, #tpu.memory_space<vmem>>, vector<1x16xf32>,
        %mul3A_1108 = arith.constant 16 : i32
        %mul3A_1109 = arith.muli %scan3A_23, %mul3A_1108 : i32
        %add3A_1110 = arith.constant 15 : i32
        %add3A_1111 = arith.addi %mul3A_1109, %add3A_1110 : i32
        %slice3A_1112 = vector.extract_strided_slice %get3A_30 {offsets = [15], sizes = [1], strides = [1]} : vector<16xf32> to vector<1xf32>
        %squeeze3A_1113 = vector.extract %slice3A_1112[0] : f32 from vector<1xf32>
        %get3A_1114 = arith.index_cast %add3A_1111 : i32 to index
        %get3A_1115 = arith.constant 0 : index
        %get3A_1116 = tpu.vector_load %arg11[%get3A_1114, %get3A_1115] {strides = array<i32>} : memref<80x96xf32, #tpu.memory_space<vmem>>, vector<1x16xf32>,
        %get3A_1117 = vector.shape_cast %get3A_1116 : vector<1x16xf32> to vector<16xf32>
        %mul3A_1118 = vector.broadcast %squeeze3A_1113 : f32 to vector<16xf32>
        %mul3A_1119 = arith.mulf %get3A_1117, %mul3A_1118 : vector<16xf32>
        %swap3A_1120 = arith.index_cast %add3A_1111 : i32 to index
        %swap3A_1121 = arith.constant 0 : index
        %swap3A_1122 = tpu.vector_load %arg11[%swap3A_1120, %swap3A_1121] {strides = array<i32>} : memref<80x96xf32, #tpu.memory_space<vmem>>, vector<1x16xf32>,
        %swap3A_1123 = vector.shape_cast %swap3A_1122 : vector<1x16xf32> to vector<16xf32>
        %swap3A_1124 = vector.shape_cast %mul3A_1119 : vector<16xf32> to vector<1x16xf32>
        tpu.vector_store %arg11[%swap3A_1120, %swap3A_1121], %swap3A_1124 {strides = array<i32>} : memref<80x96xf32, #tpu.memory_space<vmem>>, vector<1x16xf32>,
        %get3A_1125 = arith.index_cast %add3A_1111 : i32 to index
        %get3A_1126 = arith.constant 16 : index
        %get3A_1127 = tpu.vector_load %arg11[%get3A_1125, %get3A_1126] {strides = array<i32>} : memref<80x96xf32, #tpu.memory_space<vmem>>, vector<1x16xf32>,
        %get3A_1128 = vector.shape_cast %get3A_1127 : vector<1x16xf32> to vector<16xf32>
        %mul3A_1129 = vector.broadcast %squeeze3A_1113 : f32 to vector<16xf32>
        %mul3A_1130 = arith.mulf %get3A_1128, %mul3A_1129 : vector<16xf32>
        %swap3A_1131 = arith.index_cast %add3A_1111 : i32 to index
        %swap3A_1132 = arith.constant 16 : index
        %swap3A_1133 = tpu.vector_load %arg11[%swap3A_1131, %swap3A_1132] {strides = array<i32>} : memref<80x96xf32, #tpu.memory_space<vmem>>, vector<1x16xf32>,
        %swap3A_1134 = vector.shape_cast %swap3A_1133 : vector<1x16xf32> to vector<16xf32>
        %swap3A_1135 = vector.shape_cast %mul3A_1130 : vector<16xf32> to vector<1x16xf32>
        tpu.vector_store %arg11[%swap3A_1131, %swap3A_1132], %swap3A_1135 {strides = array<i32>} : memref<80x96xf32, #tpu.memory_space<vmem>>, vector<1x16xf32>,
        %get3A_1136 = arith.index_cast %add3A_1111 : i32 to index
        %get3A_1137 = arith.constant 32 : index
        %get3A_1138 = tpu.vector_load %arg11[%get3A_1136, %get3A_1137] {strides = array<i32>} : memref<80x96xf32, #tpu.memory_space<vmem>>, vector<1x16xf32>,
        %get3A_1139 = vector.shape_cast %get3A_1138 : vector<1x16xf32> to vector<16xf32>
        %mul3A_1140 = vector.broadcast %squeeze3A_1113 : f32 to vector<16xf32>
        %mul3A_1141 = arith.mulf %get3A_1139, %mul3A_1140 : vector<16xf32>
        %swap3A_1142 = arith.index_cast %add3A_1111 : i32 to index
        %swap3A_1143 = arith.constant 32 : index
        %swap3A_1144 = tpu.vector_load %arg11[%swap3A_1142, %swap3A_1143] {strides = array<i32>} : memref<80x96xf32, #tpu.memory_space<vmem>>, vector<1x16xf32>,
        %swap3A_1145 = vector.shape_cast %swap3A_1144 : vector<1x16xf32> to vector<16xf32>
        %swap3A_1146 = vector.shape_cast %mul3A_1141 : vector<16xf32> to vector<1x16xf32>
        tpu.vector_store %arg11[%swap3A_1142, %swap3A_1143], %swap3A_1146 {strides = array<i32>} : memref<80x96xf32, #tpu.memory_space<vmem>>, vector<1x16xf32>,
        %get3A_1147 = arith.index_cast %add3A_1111 : i32 to index
        %get3A_1148 = arith.constant 48 : index
        %get3A_1149 = tpu.vector_load %arg11[%get3A_1147, %get3A_1148] {strides = array<i32>} : memref<80x96xf32, #tpu.memory_space<vmem>>, vector<1x16xf32>,
        %get3A_1150 = vector.shape_cast %get3A_1149 : vector<1x16xf32> to vector<16xf32>
        %mul3A_1151 = vector.broadcast %squeeze3A_1113 : f32 to vector<16xf32>
        %mul3A_1152 = arith.mulf %get3A_1150, %mul3A_1151 : vector<16xf32>
        %swap3A_1153 = arith.index_cast %add3A_1111 : i32 to index
        %swap3A_1154 = arith.constant 48 : index
        %swap3A_1155 = tpu.vector_load %arg11[%swap3A_1153, %swap3A_1154] {strides = array<i32>} : memref<80x96xf32, #tpu.memory_space<vmem>>, vector<1x16xf32>,
        %swap3A_1156 = vector.shape_cast %swap3A_1155 : vector<1x16xf32> to vector<16xf32>
        %swap3A_1157 = vector.shape_cast %mul3A_1152 : vector<16xf32> to vector<1x16xf32>
        tpu.vector_store %arg11[%swap3A_1153, %swap3A_1154], %swap3A_1157 {strides = array<i32>} : memref<80x96xf32, #tpu.memory_space<vmem>>, vector<1x16xf32>,
        %get3A_1158 = arith.index_cast %add3A_1111 : i32 to index
        %get3A_1159 = arith.constant 64 : index
        %get3A_1160 = tpu.vector_load %arg11[%get3A_1158, %get3A_1159] {strides = array<i32>} : memref<80x96xf32, #tpu.memory_space<vmem>>, vector<1x16xf32>,
        %get3A_1161 = vector.shape_cast %get3A_1160 : vector<1x16xf32> to vector<16xf32>
        %mul3A_1162 = vector.broadcast %squeeze3A_1113 : f32 to vector<16xf32>
        %mul3A_1163 = arith.mulf %get3A_1161, %mul3A_1162 : vector<16xf32>
        %swap3A_1164 = arith.index_cast %add3A_1111 : i32 to index
        %swap3A_1165 = arith.constant 64 : index
        %swap3A_1166 = tpu.vector_load %arg11[%swap3A_1164, %swap3A_1165] {strides = array<i32>} : memref<80x96xf32, #tpu.memory_space<vmem>>, vector<1x16xf32>,
        %swap3A_1167 = vector.shape_cast %swap3A_1166 : vector<1x16xf32> to vector<16xf32>
        %swap3A_1168 = vector.shape_cast %mul3A_1163 : vector<16xf32> to vector<1x16xf32>
        tpu.vector_store %arg11[%swap3A_1164, %swap3A_1165], %swap3A_1168 {strides = array<i32>} : memref<80x96xf32, #tpu.memory_space<vmem>>, vector<1x16xf32>,
        %get3A_1169 = arith.index_cast %add3A_1111 : i32 to index
        %get3A_1170 = arith.constant 80 : index
        %get3A_1171 = tpu.vector_load %arg11[%get3A_1169, %get3A_1170] {strides = array<i32>} : memref<80x96xf32, #tpu.memory_space<vmem>>, vector<1x16xf32>,
        %get3A_1172 = vector.shape_cast %get3A_1171 : vector<1x16xf32> to vector<16xf32>
        %mul3A_1173 = vector.broadcast %squeeze3A_1113 : f32 to vector<16xf32>
        %mul3A_1174 = arith.mulf %get3A_1172, %mul3A_1173 : vector<16xf32>
        %swap3A_1175 = arith.index_cast %add3A_1111 : i32 to index
        %swap3A_1176 = arith.constant 80 : index
        %swap3A_1177 = tpu.vector_load %arg11[%swap3A_1175, %swap3A_1176] {strides = array<i32>} : memref<80x96xf32, #tpu.memory_space<vmem>>, vector<1x16xf32>,
        %swap3A_1178 = vector.shape_cast %swap3A_1177 : vector<1x16xf32> to vector<16xf32>
        %swap3A_1179 = vector.shape_cast %mul3A_1174 : vector<16xf32> to vector<1x16xf32>
        tpu.vector_store %arg11[%swap3A_1175, %swap3A_1176], %swap3A_1179 {strides = array<i32>} : memref<80x96xf32, #tpu.memory_space<vmem>>, vector<1x16xf32>,
      }
      %scan3A_22 = arith.constant 5 : i32
      "tpu.region"() ({
        %run_scoped3A = tpu.sem_alloc : memref<!tpu.dma_semaphore, #tpu.memory_space<semaphore_mem>>
        %dma_start3A = arith.constant 0 : i32
        %dma_start3A_23 = tpu.memref_slice %arg9[%scan3A_16, %dma_start3A] : memref<125x80xi32, #tpu.memory_space<vmem>> -> memref<1x80xi32, #tpu.memory_space<vmem>>
        %dma_start3A_24 = tpu.memref_squeeze %dma_start3A_23 : memref<1x80xi32, #tpu.memory_space<vmem>> -> memref<80xi32, #tpu.memory_space<vmem>>
        %dma_start3A_25 = arith.constant 0 : i32
        %dma_start3A_26 = arith.constant 0 : i32
        %dma_start3A_27 = tpu.memref_slice %arg12[%dma_start3A_25, %dma_start3A_26] : memref<10000x96xf32, #tpu.memory_space<vmem_shared>> -> memref<10000x96xf32, #tpu.memory_space<vmem_shared>>
        tpu.enqueue_indirect_dma source(%arg11 : memref<80x96xf32, #tpu.memory_space<vmem>>) target(%dma_start3A_27 : memref<10000x96xf32, #tpu.memory_space<vmem_shared>>) offsets(%dma_start3A_24 : memref<80xi32, #tpu.memory_space<vmem>>) semaphore(%run_scoped3A : memref<!tpu.dma_semaphore, #tpu.memory_space<semaphore_mem>>) {add = true}
        %dma_wait3A = arith.constant 0 : i32
        %dma_wait3A_28 = tpu.memref_slice %arg9[%scan3A_16, %dma_wait3A] : memref<125x80xi32, #tpu.memory_space<vmem>> -> memref<1x80xi32, #tpu.memory_space<vmem>>
        %dma_wait3A_29 = tpu.memref_squeeze %dma_wait3A_28 : memref<1x80xi32, #tpu.memory_space<vmem>> -> memref<80xi32, #tpu.memory_space<vmem>>
        %dma_wait3A_30 = arith.constant 0 : i32
        %dma_wait3A_31 = arith.constant 0 : i32
        %dma_wait3A_32 = tpu.memref_slice %arg12[%dma_wait3A_30, %dma_wait3A_31] : memref<10000x96xf32, #tpu.memory_space<vmem_shared>> -> memref<10000x96xf32, #tpu.memory_space<vmem_shared>>
        tpu.wait_indirect_dma semaphore(%run_scoped3A : memref<!tpu.dma_semaphore, #tpu.memory_space<semaphore_mem>>) src(%arg11 : memref<80x96xf32, #tpu.memory_space<vmem>>) dst(%dma_wait3A_32 : memref<10000x96xf32, #tpu.memory_space<vmem_shared>>)
        tpu.yield
      }) : () -> ()
    }
    %scan3A_9 = arith.constant 125 : i32
    %barrier3A_10 = arith.constant 0 : index
    tpu.barrier barrier_id(%barrier3A_10)
    %eq3A_11 = arith.constant 0 : i32
    %eq3A_12 = arith.cmpi eq, %arg1, %eq3A_11 : i32
    %convert_element_type3A_13 = arith.extui %eq3A_12 : i1 to i32
    %cond3A_14 = arith.constant 0 : i32
    %cond3A_15 = arith.cmpi ne, %convert_element_type3A_13, %cond3A_14 : i32
    scf.if %cond3A_15 {
      "tpu.region"() ({
        %run_scoped3A = tpu.sem_alloc : memref<!tpu.dma_semaphore, #tpu.memory_space<semaphore_mem>>
        %dma_start3A = arith.constant 0 : i32
        %dma_start3A_16 = arith.constant 0 : i32
        %dma_start3A_17 = tpu.memref_slice %arg7[%arg0, %dma_start3A, %dma_start3A_16] : memref<2x10000x96xf32, #tpu.memory_space<hbm>> -> memref<1x10000x96xf32, #tpu.memory_space<hbm>>
        %dma_start3A_18 = tpu.memref_squeeze %dma_start3A_17 : memref<1x10000x96xf32, #tpu.memory_space<hbm>> -> memref<10000x96xf32, #tpu.memory_space<hbm>>
        tpu.enqueue_dma source(%arg12 : memref<10000x96xf32, #tpu.memory_space<vmem_shared>>) target(%dma_start3A_18 : memref<10000x96xf32, #tpu.memory_space<hbm>>) target_semaphore(%run_scoped3A : memref<!tpu.dma_semaphore, #tpu.memory_space<semaphore_mem>>)
        %dma_wait3A = arith.constant 0 : i32
        %dma_wait3A_19 = arith.constant 0 : i32
        %dma_wait3A_20 = tpu.memref_slice %arg7[%arg0, %dma_wait3A, %dma_wait3A_19] : memref<2x10000x96xf32, #tpu.memory_space<hbm>> -> memref<1x10000x96xf32, #tpu.memory_space<hbm>>
        %dma_wait3A_21 = tpu.memref_squeeze %dma_wait3A_20 : memref<1x10000x96xf32, #tpu.memory_space<hbm>> -> memref<10000x96xf32, #tpu.memory_space<hbm>>
        tpu.wait_dma2 semaphore(%run_scoped3A : memref<!tpu.dma_semaphore, #tpu.memory_space<semaphore_mem>>) src(%arg12 : memref<10000x96xf32, #tpu.memory_space<vmem_shared>>) dst(%dma_wait3A_21 : memref<10000x96xf32, #tpu.memory_space<hbm>>)
        tpu.yield
      }) : () -> ()
    } else {
    }
    return
  }
}

#map = affine_map<(d0, d1) -> (0, 0)>
#map1 = affine_map<(d0, d1) -> (0, 0, 0)>
#map2 = affine_map<(d0, d1) -> (0)>
module attributes {stable_mosaic.version = 14 : i64} {
  func.func @body(%arg0: i32, %arg1: i32, %arg2: memref<10000x64xf32, #tpu.memory_space<hbm>>, %arg3: memref<32x125x80xi32, #tpu.memory_space<hbm>>, %arg4: memref<32x125x80xi32, #tpu.memory_space<hbm>>, %arg5: memref<320000xf32, #tpu.memory_space<hbm>>, %arg6: memref<10000x64xf32, #tpu.memory_space<hbm>>, %arg7: memref<2x10000x64xf32, #tpu.memory_space<hbm>>, %arg8: memref<125x80xi32, #tpu.memory_space<vmem>>, %arg9: memref<125x80xi32, #tpu.memory_space<vmem>>, %arg10: memref<10000xf32, #tpu.memory_space<vmem>>, %arg11: memref<80x64xf32, #tpu.memory_space<vmem>>, %arg12: memref<10000x64xf32, #tpu.memory_space<vmem_shared>>) attributes {dimension_semantics = [#tpu.dimension_semantics<core_parallel>, #tpu.dimension_semantics<subcore_parallel>], iteration_bounds = array<i64: 2, 16>, scalar_prefetch = 0 : i64, scratch_operands = 5 : i64, tpu.core_type = #tpu.core_type<sc_vector_subcore>, window_params = [{transform_indices = #map}, {transform_indices = #map1}, {transform_indices = #map1}, {transform_indices = #map2}, {transform_indices = #map}, {transform_indices = #map1}]} {
    %mul3A = arith.constant 2 : i32
    %mul3A_0 = arith.muli %arg1, %mul3A : i32
    %add3A = arith.addi %mul3A_0, %arg0 : i32
    "tpu.region"() ({
      %run_scoped3A = tpu.sem_alloc : memref<!tpu.dma_semaphore, #tpu.memory_space<semaphore_mem>>
      %dma_start3A = arith.constant 0 : i32
      %dma_start3A_16 = arith.constant 0 : i32
      %dma_start3A_17 = tpu.memref_slice %arg3[%add3A, %dma_start3A, %dma_start3A_16] : memref<32x125x80xi32, #tpu.memory_space<hbm>> -> memref<1x125x80xi32, #tpu.memory_space<hbm>>
      %dma_start3A_18 = tpu.memref_squeeze %dma_start3A_17 : memref<1x125x80xi32, #tpu.memory_space<hbm>> -> memref<125x80xi32, #tpu.memory_space<hbm>>
      %dma_start3A_19 = arith.constant 0 : i32
      %dma_start3A_20 = arith.constant 0 : i32
      %dma_start3A_21 = tpu.memref_slice %arg3[%add3A, %dma_start3A_19, %dma_start3A_20] : memref<32x125x80xi32, #tpu.memory_space<hbm>> -> memref<1x125x80xi32, #tpu.memory_space<hbm>>
      %dma_start3A_22 = tpu.memref_squeeze %dma_start3A_21 : memref<1x125x80xi32, #tpu.memory_space<hbm>> -> memref<125x80xi32, #tpu.memory_space<hbm>>
      tpu.enqueue_dma source(%dma_start3A_22 : memref<125x80xi32, #tpu.memory_space<hbm>>) target(%arg8 : memref<125x80xi32, #tpu.memory_space<vmem>>) target_semaphore(%run_scoped3A : memref<!tpu.dma_semaphore, #tpu.memory_space<semaphore_mem>>)
      %dma_wait3A = arith.constant 0 : i32
      %dma_wait3A_23 = arith.constant 0 : i32
      %dma_wait3A_24 = tpu.memref_slice %arg3[%add3A, %dma_wait3A, %dma_wait3A_23] : memref<32x125x80xi32, #tpu.memory_space<hbm>> -> memref<1x125x80xi32, #tpu.memory_space<hbm>>
      %dma_wait3A_25 = tpu.memref_squeeze %dma_wait3A_24 : memref<1x125x80xi32, #tpu.memory_space<hbm>> -> memref<125x80xi32, #tpu.memory_space<hbm>>
      %dma_wait3A_26 = arith.constant 0 : i32
      %dma_wait3A_27 = arith.constant 0 : i32
      %dma_wait3A_28 = tpu.memref_slice %arg3[%add3A, %dma_wait3A_26, %dma_wait3A_27] : memref<32x125x80xi32, #tpu.memory_space<hbm>> -> memref<1x125x80xi32, #tpu.memory_space<hbm>>
      %dma_wait3A_29 = tpu.memref_squeeze %dma_wait3A_28 : memref<1x125x80xi32, #tpu.memory_space<hbm>> -> memref<125x80xi32, #tpu.memory_space<hbm>>
      tpu.wait_dma2 semaphore(%run_scoped3A : memref<!tpu.dma_semaphore, #tpu.memory_space<semaphore_mem>>) src(%dma_wait3A_29 : memref<125x80xi32, #tpu.memory_space<hbm>>) dst(%arg8 : memref<125x80xi32, #tpu.memory_space<vmem>>)
      tpu.yield
    }) : () -> ()
    "tpu.region"() ({
      %run_scoped3A = tpu.sem_alloc : memref<!tpu.dma_semaphore, #tpu.memory_space<semaphore_mem>>
      %dma_start3A = arith.constant 0 : i32
      %dma_start3A_16 = arith.constant 0 : i32
      %dma_start3A_17 = tpu.memref_slice %arg4[%add3A, %dma_start3A, %dma_start3A_16] : memref<32x125x80xi32, #tpu.memory_space<hbm>> -> memref<1x125x80xi32, #tpu.memory_space<hbm>>
      %dma_start3A_18 = tpu.memref_squeeze %dma_start3A_17 : memref<1x125x80xi32, #tpu.memory_space<hbm>> -> memref<125x80xi32, #tpu.memory_space<hbm>>
      %dma_start3A_19 = arith.constant 0 : i32
      %dma_start3A_20 = arith.constant 0 : i32
      %dma_start3A_21 = tpu.memref_slice %arg4[%add3A, %dma_start3A_19, %dma_start3A_20] : memref<32x125x80xi32, #tpu.memory_space<hbm>> -> memref<1x125x80xi32, #tpu.memory_space<hbm>>
      %dma_start3A_22 = tpu.memref_squeeze %dma_start3A_21 : memref<1x125x80xi32, #tpu.memory_space<hbm>> -> memref<125x80xi32, #tpu.memory_space<hbm>>
      tpu.enqueue_dma source(%dma_start3A_22 : memref<125x80xi32, #tpu.memory_space<hbm>>) target(%arg9 : memref<125x80xi32, #tpu.memory_space<vmem>>) target_semaphore(%run_scoped3A : memref<!tpu.dma_semaphore, #tpu.memory_space<semaphore_mem>>)
      %dma_wait3A = arith.constant 0 : i32
      %dma_wait3A_23 = arith.constant 0 : i32
      %dma_wait3A_24 = tpu.memref_slice %arg4[%add3A, %dma_wait3A, %dma_wait3A_23] : memref<32x125x80xi32, #tpu.memory_space<hbm>> -> memref<1x125x80xi32, #tpu.memory_space<hbm>>
      %dma_wait3A_25 = tpu.memref_squeeze %dma_wait3A_24 : memref<1x125x80xi32, #tpu.memory_space<hbm>> -> memref<125x80xi32, #tpu.memory_space<hbm>>
      %dma_wait3A_26 = arith.constant 0 : i32
      %dma_wait3A_27 = arith.constant 0 : i32
      %dma_wait3A_28 = tpu.memref_slice %arg4[%add3A, %dma_wait3A_26, %dma_wait3A_27] : memref<32x125x80xi32, #tpu.memory_space<hbm>> -> memref<1x125x80xi32, #tpu.memory_space<hbm>>
      %dma_wait3A_29 = tpu.memref_squeeze %dma_wait3A_28 : memref<1x125x80xi32, #tpu.memory_space<hbm>> -> memref<125x80xi32, #tpu.memory_space<hbm>>
      tpu.wait_dma2 semaphore(%run_scoped3A : memref<!tpu.dma_semaphore, #tpu.memory_space<semaphore_mem>>) src(%dma_wait3A_29 : memref<125x80xi32, #tpu.memory_space<hbm>>) dst(%arg9 : memref<125x80xi32, #tpu.memory_space<vmem>>)
      tpu.yield
    }) : () -> ()
    %mul3A_1 = arith.constant 10000 : i32
    %mul3A_2 = arith.muli %add3A, %mul3A_1 : i32
    "tpu.region"() ({
      %run_scoped3A = tpu.sem_alloc : memref<!tpu.dma_semaphore, #tpu.memory_space<semaphore_mem>>
      %dma_start3A = tpu.memref_slice %arg5[%mul3A_2] : memref<320000xf32, #tpu.memory_space<hbm>> -> memref<10000xf32, #tpu.memory_space<hbm>>
      %dma_start3A_16 = tpu.memref_slice %arg5[%mul3A_2] : memref<320000xf32, #tpu.memory_space<hbm>> -> memref<10000xf32, #tpu.memory_space<hbm>>
      tpu.enqueue_dma source(%dma_start3A_16 : memref<10000xf32, #tpu.memory_space<hbm>>) target(%arg10 : memref<10000xf32, #tpu.memory_space<vmem>>) target_semaphore(%run_scoped3A : memref<!tpu.dma_semaphore, #tpu.memory_space<semaphore_mem>>)
      %dma_wait3A = tpu.memref_slice %arg5[%mul3A_2] : memref<320000xf32, #tpu.memory_space<hbm>> -> memref<10000xf32, #tpu.memory_space<hbm>>
      %dma_wait3A_17 = tpu.memref_slice %arg5[%mul3A_2] : memref<320000xf32, #tpu.memory_space<hbm>> -> memref<10000xf32, #tpu.memory_space<hbm>>
      tpu.wait_dma2 semaphore(%run_scoped3A : memref<!tpu.dma_semaphore, #tpu.memory_space<semaphore_mem>>) src(%dma_wait3A_17 : memref<10000xf32, #tpu.memory_space<hbm>>) dst(%arg10 : memref<10000xf32, #tpu.memory_space<vmem>>)
      tpu.yield
    }) : () -> ()
    %eq3A = arith.constant 0 : i32
    %eq3A_3 = arith.cmpi eq, %arg1, %eq3A : i32
    %convert_element_type3A = arith.extui %eq3A_3 : i1 to i32
    %cond3A = arith.constant 0 : i32
    %cond3A_4 = arith.cmpi ne, %convert_element_type3A, %cond3A : i32
    scf.if %cond3A_4 {
      "tpu.region"() ({
        %run_scoped3A = tpu.sem_alloc : memref<!tpu.dma_semaphore, #tpu.memory_space<semaphore_mem>>
        tpu.enqueue_dma source(%arg6 : memref<10000x64xf32, #tpu.memory_space<hbm>>) target(%arg12 : memref<10000x64xf32, #tpu.memory_space<vmem_shared>>) target_semaphore(%run_scoped3A : memref<!tpu.dma_semaphore, #tpu.memory_space<semaphore_mem>>)
        tpu.wait_dma2 semaphore(%run_scoped3A : memref<!tpu.dma_semaphore, #tpu.memory_space<semaphore_mem>>) src(%arg6 : memref<10000x64xf32, #tpu.memory_space<hbm>>) dst(%arg12 : memref<10000x64xf32, #tpu.memory_space<vmem_shared>>)
        tpu.yield
      }) : () -> ()
    } else {
    }
    %barrier3A = arith.constant 0 : index
    tpu.barrier barrier_id(%barrier3A)
    %scan3A = arith.constant 0 : i32
    %scan3A_5 = arith.constant 0 : i32
    %scan3A_6 = arith.constant 125 : i32
    %scan3A_7 = arith.addi %scan3A_5, %scan3A_6 : i32
    %scan3A_8 = arith.constant 1 : i32
    scf.for %scan3A_16 = %scan3A_5 to %scan3A_7 step %scan3A_8  : i32 {
      "tpu.region"() ({
        %run_scoped3A = tpu.sem_alloc : memref<!tpu.dma_semaphore, #tpu.memory_space<semaphore_mem>>
        %dma_start3A = arith.constant 0 : i32
        %dma_start3A_23 = tpu.memref_slice %arg8[%scan3A_16, %dma_start3A] : memref<125x80xi32, #tpu.memory_space<vmem>> -> memref<1x80xi32, #tpu.memory_space<vmem>>
        %dma_start3A_24 = tpu.memref_squeeze %dma_start3A_23 : memref<1x80xi32, #tpu.memory_space<vmem>> -> memref<80xi32, #tpu.memory_space<vmem>>
        %dma_start3A_25 = arith.constant 0 : i32
        %dma_start3A_26 = arith.constant 0 : i32
        %dma_start3A_27 = tpu.memref_slice %arg2[%dma_start3A_25, %dma_start3A_26] : memref<10000x64xf32, #tpu.memory_space<hbm>> -> memref<10000x64xf32, #tpu.memory_space<hbm>>
        tpu.enqueue_indirect_dma source(%dma_start3A_27 : memref<10000x64xf32, #tpu.memory_space<hbm>>) target(%arg11 : memref<80x64xf32, #tpu.memory_space<vmem>>) offsets(%dma_start3A_24 : memref<80xi32, #tpu.memory_space<vmem>>) semaphore(%run_scoped3A : memref<!tpu.dma_semaphore, #tpu.memory_space<semaphore_mem>>)
        %dma_wait3A = arith.constant 0 : i32
        %dma_wait3A_28 = tpu.memref_slice %arg8[%scan3A_16, %dma_wait3A] : memref<125x80xi32, #tpu.memory_space<vmem>> -> memref<1x80xi32, #tpu.memory_space<vmem>>
        %dma_wait3A_29 = tpu.memref_squeeze %dma_wait3A_28 : memref<1x80xi32, #tpu.memory_space<vmem>> -> memref<80xi32, #tpu.memory_space<vmem>>
        %dma_wait3A_30 = arith.constant 0 : i32
        %dma_wait3A_31 = arith.constant 0 : i32
        %dma_wait3A_32 = tpu.memref_slice %arg2[%dma_wait3A_30, %dma_wait3A_31] : memref<10000x64xf32, #tpu.memory_space<hbm>> -> memref<10000x64xf32, #tpu.memory_space<hbm>>
        tpu.wait_indirect_dma semaphore(%run_scoped3A : memref<!tpu.dma_semaphore, #tpu.memory_space<semaphore_mem>>) src(%dma_wait3A_32 : memref<10000x64xf32, #tpu.memory_space<hbm>>) dst(%arg11 : memref<80x64xf32, #tpu.memory_space<vmem>>)
        tpu.yield
      }) : () -> ()
      %scan3A_17 = arith.constant 0 : i32
      %scan3A_18 = arith.constant 0 : i32
      %scan3A_19 = arith.constant 5 : i32
      %scan3A_20 = arith.addi %scan3A_18, %scan3A_19 : i32
      %scan3A_21 = arith.constant 1 : i32
      scf.for %scan3A_23 = %scan3A_18 to %scan3A_20 step %scan3A_21  : i32 {
        %mul3A_24 = arith.constant 80 : i32
        %mul3A_25 = arith.muli %scan3A_16, %mul3A_24 : i32
        %mul3A_26 = arith.constant 16 : i32
        %mul3A_27 = arith.muli %scan3A_23, %mul3A_26 : i32
        %add3A_28 = arith.addi %mul3A_25, %mul3A_27 : i32
        %get3A = arith.index_cast %add3A_28 : i32 to index
        %get3A_29 = tpu.vector_load %arg10[%get3A] {strides = array<i32>} : memref<10000xf32, #tpu.memory_space<vmem>>, vector<16xf32>,
        %get3A_30 = vector.shape_cast %get3A_29 : vector<16xf32> to vector<16xf32>
        %mul3A_31 = arith.constant 16 : i32
        %mul3A_32 = arith.muli %scan3A_23, %mul3A_31 : i32
        %add3A_33 = arith.constant 0 : i32
        %add3A_34 = arith.addi %mul3A_32, %add3A_33 : i32
        %slice3A = vector.extract_strided_slice %get3A_30 {offsets = [0], sizes = [1], strides = [1]} : vector<16xf32> to vector<1xf32>
        %squeeze3A = vector.extract %slice3A[0] : f32 from vector<1xf32>
        %get3A_35 = arith.index_cast %add3A_34 : i32 to index
        %get3A_36 = arith.constant 0 : index
        %get3A_37 = tpu.vector_load %arg11[%get3A_35, %get3A_36] {strides = array<i32>} : memref<80x64xf32, #tpu.memory_space<vmem>>, vector<1x16xf32>,
        %get3A_38 = vector.shape_cast %get3A_37 : vector<1x16xf32> to vector<16xf32>
        %mul3A_39 = vector.broadcast %squeeze3A : f32 to vector<16xf32>
        %mul3A_40 = arith.mulf %get3A_38, %mul3A_39 : vector<16xf32>
        %swap3A = arith.index_cast %add3A_34 : i32 to index
        %swap3A_41 = arith.constant 0 : index
        %swap3A_42 = tpu.vector_load %arg11[%swap3A, %swap3A_41] {strides = array<i32>} : memref<80x64xf32, #tpu.memory_space<vmem>>, vector<1x16xf32>,
        %swap3A_43 = vector.shape_cast %swap3A_42 : vector<1x16xf32> to vector<16xf32>
        %swap3A_44 = vector.shape_cast %mul3A_40 : vector<16xf32> to vector<1x16xf32>
        tpu.vector_store %arg11[%swap3A, %swap3A_41], %swap3A_44 {strides = array<i32>} : memref<80x64xf32, #tpu.memory_space<vmem>>, vector<1x16xf32>,
        %get3A_45 = arith.index_cast %add3A_34 : i32 to index
        %get3A_46 = arith.constant 16 : index
        %get3A_47 = tpu.vector_load %arg11[%get3A_45, %get3A_46] {strides = array<i32>} : memref<80x64xf32, #tpu.memory_space<vmem>>, vector<1x16xf32>,
        %get3A_48 = vector.shape_cast %get3A_47 : vector<1x16xf32> to vector<16xf32>
        %mul3A_49 = vector.broadcast %squeeze3A : f32 to vector<16xf32>
        %mul3A_50 = arith.mulf %get3A_48, %mul3A_49 : vector<16xf32>
        %swap3A_51 = arith.index_cast %add3A_34 : i32 to index
        %swap3A_52 = arith.constant 16 : index
        %swap3A_53 = tpu.vector_load %arg11[%swap3A_51, %swap3A_52] {strides = array<i32>} : memref<80x64xf32, #tpu.memory_space<vmem>>, vector<1x16xf32>,
        %swap3A_54 = vector.shape_cast %swap3A_53 : vector<1x16xf32> to vector<16xf32>
        %swap3A_55 = vector.shape_cast %mul3A_50 : vector<16xf32> to vector<1x16xf32>
        tpu.vector_store %arg11[%swap3A_51, %swap3A_52], %swap3A_55 {strides = array<i32>} : memref<80x64xf32, #tpu.memory_space<vmem>>, vector<1x16xf32>,
        %get3A_56 = arith.index_cast %add3A_34 : i32 to index
        %get3A_57 = arith.constant 32 : index
        %get3A_58 = tpu.vector_load %arg11[%get3A_56, %get3A_57] {strides = array<i32>} : memref<80x64xf32, #tpu.memory_space<vmem>>, vector<1x16xf32>,
        %get3A_59 = vector.shape_cast %get3A_58 : vector<1x16xf32> to vector<16xf32>
        %mul3A_60 = vector.broadcast %squeeze3A : f32 to vector<16xf32>
        %mul3A_61 = arith.mulf %get3A_59, %mul3A_60 : vector<16xf32>
        %swap3A_62 = arith.index_cast %add3A_34 : i32 to index
        %swap3A_63 = arith.constant 32 : index
        %swap3A_64 = tpu.vector_load %arg11[%swap3A_62, %swap3A_63] {strides = array<i32>} : memref<80x64xf32, #tpu.memory_space<vmem>>, vector<1x16xf32>,
        %swap3A_65 = vector.shape_cast %swap3A_64 : vector<1x16xf32> to vector<16xf32>
        %swap3A_66 = vector.shape_cast %mul3A_61 : vector<16xf32> to vector<1x16xf32>
        tpu.vector_store %arg11[%swap3A_62, %swap3A_63], %swap3A_66 {strides = array<i32>} : memref<80x64xf32, #tpu.memory_space<vmem>>, vector<1x16xf32>,
        %get3A_67 = arith.index_cast %add3A_34 : i32 to index
        %get3A_68 = arith.constant 48 : index
        %get3A_69 = tpu.vector_load %arg11[%get3A_67, %get3A_68] {strides = array<i32>} : memref<80x64xf32, #tpu.memory_space<vmem>>, vector<1x16xf32>,
        %get3A_70 = vector.shape_cast %get3A_69 : vector<1x16xf32> to vector<16xf32>
        %mul3A_71 = vector.broadcast %squeeze3A : f32 to vector<16xf32>
        %mul3A_72 = arith.mulf %get3A_70, %mul3A_71 : vector<16xf32>
        %swap3A_73 = arith.index_cast %add3A_34 : i32 to index
        %swap3A_74 = arith.constant 48 : index
        %swap3A_75 = tpu.vector_load %arg11[%swap3A_73, %swap3A_74] {strides = array<i32>} : memref<80x64xf32, #tpu.memory_space<vmem>>, vector<1x16xf32>,
        %swap3A_76 = vector.shape_cast %swap3A_75 : vector<1x16xf32> to vector<16xf32>
        %swap3A_77 = vector.shape_cast %mul3A_72 : vector<16xf32> to vector<1x16xf32>
        tpu.vector_store %arg11[%swap3A_73, %swap3A_74], %swap3A_77 {strides = array<i32>} : memref<80x64xf32, #tpu.memory_space<vmem>>, vector<1x16xf32>,
        %mul3A_78 = arith.constant 16 : i32
        %mul3A_79 = arith.muli %scan3A_23, %mul3A_78 : i32
        %add3A_80 = arith.constant 1 : i32
        %add3A_81 = arith.addi %mul3A_79, %add3A_80 : i32
        %slice3A_82 = vector.extract_strided_slice %get3A_30 {offsets = [1], sizes = [1], strides = [1]} : vector<16xf32> to vector<1xf32>
        %squeeze3A_83 = vector.extract %slice3A_82[0] : f32 from vector<1xf32>
        %get3A_84 = arith.index_cast %add3A_81 : i32 to index
        %get3A_85 = arith.constant 0 : index
        %get3A_86 = tpu.vector_load %arg11[%get3A_84, %get3A_85] {strides = array<i32>} : memref<80x64xf32, #tpu.memory_space<vmem>>, vector<1x16xf32>,
        %get3A_87 = vector.shape_cast %get3A_86 : vector<1x16xf32> to vector<16xf32>
        %mul3A_88 = vector.broadcast %squeeze3A_83 : f32 to vector<16xf32>
        %mul3A_89 = arith.mulf %get3A_87, %mul3A_88 : vector<16xf32>
        %swap3A_90 = arith.index_cast %add3A_81 : i32 to index
        %swap3A_91 = arith.constant 0 : index
        %swap3A_92 = tpu.vector_load %arg11[%swap3A_90, %swap3A_91] {strides = array<i32>} : memref<80x64xf32, #tpu.memory_space<vmem>>, vector<1x16xf32>,
        %swap3A_93 = vector.shape_cast %swap3A_92 : vector<1x16xf32> to vector<16xf32>
        %swap3A_94 = vector.shape_cast %mul3A_89 : vector<16xf32> to vector<1x16xf32>
        tpu.vector_store %arg11[%swap3A_90, %swap3A_91], %swap3A_94 {strides = array<i32>} : memref<80x64xf32, #tpu.memory_space<vmem>>, vector<1x16xf32>,
        %get3A_95 = arith.index_cast %add3A_81 : i32 to index
        %get3A_96 = arith.constant 16 : index
        %get3A_97 = tpu.vector_load %arg11[%get3A_95, %get3A_96] {strides = array<i32>} : memref<80x64xf32, #tpu.memory_space<vmem>>, vector<1x16xf32>,
        %get3A_98 = vector.shape_cast %get3A_97 : vector<1x16xf32> to vector<16xf32>
        %mul3A_99 = vector.broadcast %squeeze3A_83 : f32 to vector<16xf32>
        %mul3A_100 = arith.mulf %get3A_98, %mul3A_99 : vector<16xf32>
        %swap3A_101 = arith.index_cast %add3A_81 : i32 to index
        %swap3A_102 = arith.constant 16 : index
        %swap3A_103 = tpu.vector_load %arg11[%swap3A_101, %swap3A_102] {strides = array<i32>} : memref<80x64xf32, #tpu.memory_space<vmem>>, vector<1x16xf32>,
        %swap3A_104 = vector.shape_cast %swap3A_103 : vector<1x16xf32> to vector<16xf32>
        %swap3A_105 = vector.shape_cast %mul3A_100 : vector<16xf32> to vector<1x16xf32>
        tpu.vector_store %arg11[%swap3A_101, %swap3A_102], %swap3A_105 {strides = array<i32>} : memref<80x64xf32, #tpu.memory_space<vmem>>, vector<1x16xf32>,
        %get3A_106 = arith.index_cast %add3A_81 : i32 to index
        %get3A_107 = arith.constant 32 : index
        %get3A_108 = tpu.vector_load %arg11[%get3A_106, %get3A_107] {strides = array<i32>} : memref<80x64xf32, #tpu.memory_space<vmem>>, vector<1x16xf32>,
        %get3A_109 = vector.shape_cast %get3A_108 : vector<1x16xf32> to vector<16xf32>
        %mul3A_110 = vector.broadcast %squeeze3A_83 : f32 to vector<16xf32>
        %mul3A_111 = arith.mulf %get3A_109, %mul3A_110 : vector<16xf32>
        %swap3A_112 = arith.index_cast %add3A_81 : i32 to index
        %swap3A_113 = arith.constant 32 : index
        %swap3A_114 = tpu.vector_load %arg11[%swap3A_112, %swap3A_113] {strides = array<i32>} : memref<80x64xf32, #tpu.memory_space<vmem>>, vector<1x16xf32>,
        %swap3A_115 = vector.shape_cast %swap3A_114 : vector<1x16xf32> to vector<16xf32>
        %swap3A_116 = vector.shape_cast %mul3A_111 : vector<16xf32> to vector<1x16xf32>
        tpu.vector_store %arg11[%swap3A_112, %swap3A_113], %swap3A_116 {strides = array<i32>} : memref<80x64xf32, #tpu.memory_space<vmem>>, vector<1x16xf32>,
        %get3A_117 = arith.index_cast %add3A_81 : i32 to index
        %get3A_118 = arith.constant 48 : index
        %get3A_119 = tpu.vector_load %arg11[%get3A_117, %get3A_118] {strides = array<i32>} : memref<80x64xf32, #tpu.memory_space<vmem>>, vector<1x16xf32>,
        %get3A_120 = vector.shape_cast %get3A_119 : vector<1x16xf32> to vector<16xf32>
        %mul3A_121 = vector.broadcast %squeeze3A_83 : f32 to vector<16xf32>
        %mul3A_122 = arith.mulf %get3A_120, %mul3A_121 : vector<16xf32>
        %swap3A_123 = arith.index_cast %add3A_81 : i32 to index
        %swap3A_124 = arith.constant 48 : index
        %swap3A_125 = tpu.vector_load %arg11[%swap3A_123, %swap3A_124] {strides = array<i32>} : memref<80x64xf32, #tpu.memory_space<vmem>>, vector<1x16xf32>,
        %swap3A_126 = vector.shape_cast %swap3A_125 : vector<1x16xf32> to vector<16xf32>
        %swap3A_127 = vector.shape_cast %mul3A_122 : vector<16xf32> to vector<1x16xf32>
        tpu.vector_store %arg11[%swap3A_123, %swap3A_124], %swap3A_127 {strides = array<i32>} : memref<80x64xf32, #tpu.memory_space<vmem>>, vector<1x16xf32>,
        %mul3A_128 = arith.constant 16 : i32
        %mul3A_129 = arith.muli %scan3A_23, %mul3A_128 : i32
        %add3A_130 = arith.constant 2 : i32
        %add3A_131 = arith.addi %mul3A_129, %add3A_130 : i32
        %slice3A_132 = vector.extract_strided_slice %get3A_30 {offsets = [2], sizes = [1], strides = [1]} : vector<16xf32> to vector<1xf32>
        %squeeze3A_133 = vector.extract %slice3A_132[0] : f32 from vector<1xf32>
        %get3A_134 = arith.index_cast %add3A_131 : i32 to index
        %get3A_135 = arith.constant 0 : index
        %get3A_136 = tpu.vector_load %arg11[%get3A_134, %get3A_135] {strides = array<i32>} : memref<80x64xf32, #tpu.memory_space<vmem>>, vector<1x16xf32>,
        %get3A_137 = vector.shape_cast %get3A_136 : vector<1x16xf32> to vector<16xf32>
        %mul3A_138 = vector.broadcast %squeeze3A_133 : f32 to vector<16xf32>
        %mul3A_139 = arith.mulf %get3A_137, %mul3A_138 : vector<16xf32>
        %swap3A_140 = arith.index_cast %add3A_131 : i32 to index
        %swap3A_141 = arith.constant 0 : index
        %swap3A_142 = tpu.vector_load %arg11[%swap3A_140, %swap3A_141] {strides = array<i32>} : memref<80x64xf32, #tpu.memory_space<vmem>>, vector<1x16xf32>,
        %swap3A_143 = vector.shape_cast %swap3A_142 : vector<1x16xf32> to vector<16xf32>
        %swap3A_144 = vector.shape_cast %mul3A_139 : vector<16xf32> to vector<1x16xf32>
        tpu.vector_store %arg11[%swap3A_140, %swap3A_141], %swap3A_144 {strides = array<i32>} : memref<80x64xf32, #tpu.memory_space<vmem>>, vector<1x16xf32>,
        %get3A_145 = arith.index_cast %add3A_131 : i32 to index
        %get3A_146 = arith.constant 16 : index
        %get3A_147 = tpu.vector_load %arg11[%get3A_145, %get3A_146] {strides = array<i32>} : memref<80x64xf32, #tpu.memory_space<vmem>>, vector<1x16xf32>,
        %get3A_148 = vector.shape_cast %get3A_147 : vector<1x16xf32> to vector<16xf32>
        %mul3A_149 = vector.broadcast %squeeze3A_133 : f32 to vector<16xf32>
        %mul3A_150 = arith.mulf %get3A_148, %mul3A_149 : vector<16xf32>
        %swap3A_151 = arith.index_cast %add3A_131 : i32 to index
        %swap3A_152 = arith.constant 16 : index
        %swap3A_153 = tpu.vector_load %arg11[%swap3A_151, %swap3A_152] {strides = array<i32>} : memref<80x64xf32, #tpu.memory_space<vmem>>, vector<1x16xf32>,
        %swap3A_154 = vector.shape_cast %swap3A_153 : vector<1x16xf32> to vector<16xf32>
        %swap3A_155 = vector.shape_cast %mul3A_150 : vector<16xf32> to vector<1x16xf32>
        tpu.vector_store %arg11[%swap3A_151, %swap3A_152], %swap3A_155 {strides = array<i32>} : memref<80x64xf32, #tpu.memory_space<vmem>>, vector<1x16xf32>,
        %get3A_156 = arith.index_cast %add3A_131 : i32 to index
        %get3A_157 = arith.constant 32 : index
        %get3A_158 = tpu.vector_load %arg11[%get3A_156, %get3A_157] {strides = array<i32>} : memref<80x64xf32, #tpu.memory_space<vmem>>, vector<1x16xf32>,
        %get3A_159 = vector.shape_cast %get3A_158 : vector<1x16xf32> to vector<16xf32>
        %mul3A_160 = vector.broadcast %squeeze3A_133 : f32 to vector<16xf32>
        %mul3A_161 = arith.mulf %get3A_159, %mul3A_160 : vector<16xf32>
        %swap3A_162 = arith.index_cast %add3A_131 : i32 to index
        %swap3A_163 = arith.constant 32 : index
        %swap3A_164 = tpu.vector_load %arg11[%swap3A_162, %swap3A_163] {strides = array<i32>} : memref<80x64xf32, #tpu.memory_space<vmem>>, vector<1x16xf32>,
        %swap3A_165 = vector.shape_cast %swap3A_164 : vector<1x16xf32> to vector<16xf32>
        %swap3A_166 = vector.shape_cast %mul3A_161 : vector<16xf32> to vector<1x16xf32>
        tpu.vector_store %arg11[%swap3A_162, %swap3A_163], %swap3A_166 {strides = array<i32>} : memref<80x64xf32, #tpu.memory_space<vmem>>, vector<1x16xf32>,
        %get3A_167 = arith.index_cast %add3A_131 : i32 to index
        %get3A_168 = arith.constant 48 : index
        %get3A_169 = tpu.vector_load %arg11[%get3A_167, %get3A_168] {strides = array<i32>} : memref<80x64xf32, #tpu.memory_space<vmem>>, vector<1x16xf32>,
        %get3A_170 = vector.shape_cast %get3A_169 : vector<1x16xf32> to vector<16xf32>
        %mul3A_171 = vector.broadcast %squeeze3A_133 : f32 to vector<16xf32>
        %mul3A_172 = arith.mulf %get3A_170, %mul3A_171 : vector<16xf32>
        %swap3A_173 = arith.index_cast %add3A_131 : i32 to index
        %swap3A_174 = arith.constant 48 : index
        %swap3A_175 = tpu.vector_load %arg11[%swap3A_173, %swap3A_174] {strides = array<i32>} : memref<80x64xf32, #tpu.memory_space<vmem>>, vector<1x16xf32>,
        %swap3A_176 = vector.shape_cast %swap3A_175 : vector<1x16xf32> to vector<16xf32>
        %swap3A_177 = vector.shape_cast %mul3A_172 : vector<16xf32> to vector<1x16xf32>
        tpu.vector_store %arg11[%swap3A_173, %swap3A_174], %swap3A_177 {strides = array<i32>} : memref<80x64xf32, #tpu.memory_space<vmem>>, vector<1x16xf32>,
        %mul3A_178 = arith.constant 16 : i32
        %mul3A_179 = arith.muli %scan3A_23, %mul3A_178 : i32
        %add3A_180 = arith.constant 3 : i32
        %add3A_181 = arith.addi %mul3A_179, %add3A_180 : i32
        %slice3A_182 = vector.extract_strided_slice %get3A_30 {offsets = [3], sizes = [1], strides = [1]} : vector<16xf32> to vector<1xf32>
        %squeeze3A_183 = vector.extract %slice3A_182[0] : f32 from vector<1xf32>
        %get3A_184 = arith.index_cast %add3A_181 : i32 to index
        %get3A_185 = arith.constant 0 : index
        %get3A_186 = tpu.vector_load %arg11[%get3A_184, %get3A_185] {strides = array<i32>} : memref<80x64xf32, #tpu.memory_space<vmem>>, vector<1x16xf32>,
        %get3A_187 = vector.shape_cast %get3A_186 : vector<1x16xf32> to vector<16xf32>
        %mul3A_188 = vector.broadcast %squeeze3A_183 : f32 to vector<16xf32>
        %mul3A_189 = arith.mulf %get3A_187, %mul3A_188 : vector<16xf32>
        %swap3A_190 = arith.index_cast %add3A_181 : i32 to index
        %swap3A_191 = arith.constant 0 : index
        %swap3A_192 = tpu.vector_load %arg11[%swap3A_190, %swap3A_191] {strides = array<i32>} : memref<80x64xf32, #tpu.memory_space<vmem>>, vector<1x16xf32>,
        %swap3A_193 = vector.shape_cast %swap3A_192 : vector<1x16xf32> to vector<16xf32>
        %swap3A_194 = vector.shape_cast %mul3A_189 : vector<16xf32> to vector<1x16xf32>
        tpu.vector_store %arg11[%swap3A_190, %swap3A_191], %swap3A_194 {strides = array<i32>} : memref<80x64xf32, #tpu.memory_space<vmem>>, vector<1x16xf32>,
        %get3A_195 = arith.index_cast %add3A_181 : i32 to index
        %get3A_196 = arith.constant 16 : index
        %get3A_197 = tpu.vector_load %arg11[%get3A_195, %get3A_196] {strides = array<i32>} : memref<80x64xf32, #tpu.memory_space<vmem>>, vector<1x16xf32>,
        %get3A_198 = vector.shape_cast %get3A_197 : vector<1x16xf32> to vector<16xf32>
        %mul3A_199 = vector.broadcast %squeeze3A_183 : f32 to vector<16xf32>
        %mul3A_200 = arith.mulf %get3A_198, %mul3A_199 : vector<16xf32>
        %swap3A_201 = arith.index_cast %add3A_181 : i32 to index
        %swap3A_202 = arith.constant 16 : index
        %swap3A_203 = tpu.vector_load %arg11[%swap3A_201, %swap3A_202] {strides = array<i32>} : memref<80x64xf32, #tpu.memory_space<vmem>>, vector<1x16xf32>,
        %swap3A_204 = vector.shape_cast %swap3A_203 : vector<1x16xf32> to vector<16xf32>
        %swap3A_205 = vector.shape_cast %mul3A_200 : vector<16xf32> to vector<1x16xf32>
        tpu.vector_store %arg11[%swap3A_201, %swap3A_202], %swap3A_205 {strides = array<i32>} : memref<80x64xf32, #tpu.memory_space<vmem>>, vector<1x16xf32>,
        %get3A_206 = arith.index_cast %add3A_181 : i32 to index
        %get3A_207 = arith.constant 32 : index
        %get3A_208 = tpu.vector_load %arg11[%get3A_206, %get3A_207] {strides = array<i32>} : memref<80x64xf32, #tpu.memory_space<vmem>>, vector<1x16xf32>,
        %get3A_209 = vector.shape_cast %get3A_208 : vector<1x16xf32> to vector<16xf32>
        %mul3A_210 = vector.broadcast %squeeze3A_183 : f32 to vector<16xf32>
        %mul3A_211 = arith.mulf %get3A_209, %mul3A_210 : vector<16xf32>
        %swap3A_212 = arith.index_cast %add3A_181 : i32 to index
        %swap3A_213 = arith.constant 32 : index
        %swap3A_214 = tpu.vector_load %arg11[%swap3A_212, %swap3A_213] {strides = array<i32>} : memref<80x64xf32, #tpu.memory_space<vmem>>, vector<1x16xf32>,
        %swap3A_215 = vector.shape_cast %swap3A_214 : vector<1x16xf32> to vector<16xf32>
        %swap3A_216 = vector.shape_cast %mul3A_211 : vector<16xf32> to vector<1x16xf32>
        tpu.vector_store %arg11[%swap3A_212, %swap3A_213], %swap3A_216 {strides = array<i32>} : memref<80x64xf32, #tpu.memory_space<vmem>>, vector<1x16xf32>,
        %get3A_217 = arith.index_cast %add3A_181 : i32 to index
        %get3A_218 = arith.constant 48 : index
        %get3A_219 = tpu.vector_load %arg11[%get3A_217, %get3A_218] {strides = array<i32>} : memref<80x64xf32, #tpu.memory_space<vmem>>, vector<1x16xf32>,
        %get3A_220 = vector.shape_cast %get3A_219 : vector<1x16xf32> to vector<16xf32>
        %mul3A_221 = vector.broadcast %squeeze3A_183 : f32 to vector<16xf32>
        %mul3A_222 = arith.mulf %get3A_220, %mul3A_221 : vector<16xf32>
        %swap3A_223 = arith.index_cast %add3A_181 : i32 to index
        %swap3A_224 = arith.constant 48 : index
        %swap3A_225 = tpu.vector_load %arg11[%swap3A_223, %swap3A_224] {strides = array<i32>} : memref<80x64xf32, #tpu.memory_space<vmem>>, vector<1x16xf32>,
        %swap3A_226 = vector.shape_cast %swap3A_225 : vector<1x16xf32> to vector<16xf32>
        %swap3A_227 = vector.shape_cast %mul3A_222 : vector<16xf32> to vector<1x16xf32>
        tpu.vector_store %arg11[%swap3A_223, %swap3A_224], %swap3A_227 {strides = array<i32>} : memref<80x64xf32, #tpu.memory_space<vmem>>, vector<1x16xf32>,
        %mul3A_228 = arith.constant 16 : i32
        %mul3A_229 = arith.muli %scan3A_23, %mul3A_228 : i32
        %add3A_230 = arith.constant 4 : i32
        %add3A_231 = arith.addi %mul3A_229, %add3A_230 : i32
        %slice3A_232 = vector.extract_strided_slice %get3A_30 {offsets = [4], sizes = [1], strides = [1]} : vector<16xf32> to vector<1xf32>
        %squeeze3A_233 = vector.extract %slice3A_232[0] : f32 from vector<1xf32>
        %get3A_234 = arith.index_cast %add3A_231 : i32 to index
        %get3A_235 = arith.constant 0 : index
        %get3A_236 = tpu.vector_load %arg11[%get3A_234, %get3A_235] {strides = array<i32>} : memref<80x64xf32, #tpu.memory_space<vmem>>, vector<1x16xf32>,
        %get3A_237 = vector.shape_cast %get3A_236 : vector<1x16xf32> to vector<16xf32>
        %mul3A_238 = vector.broadcast %squeeze3A_233 : f32 to vector<16xf32>
        %mul3A_239 = arith.mulf %get3A_237, %mul3A_238 : vector<16xf32>
        %swap3A_240 = arith.index_cast %add3A_231 : i32 to index
        %swap3A_241 = arith.constant 0 : index
        %swap3A_242 = tpu.vector_load %arg11[%swap3A_240, %swap3A_241] {strides = array<i32>} : memref<80x64xf32, #tpu.memory_space<vmem>>, vector<1x16xf32>,
        %swap3A_243 = vector.shape_cast %swap3A_242 : vector<1x16xf32> to vector<16xf32>
        %swap3A_244 = vector.shape_cast %mul3A_239 : vector<16xf32> to vector<1x16xf32>
        tpu.vector_store %arg11[%swap3A_240, %swap3A_241], %swap3A_244 {strides = array<i32>} : memref<80x64xf32, #tpu.memory_space<vmem>>, vector<1x16xf32>,
        %get3A_245 = arith.index_cast %add3A_231 : i32 to index
        %get3A_246 = arith.constant 16 : index
        %get3A_247 = tpu.vector_load %arg11[%get3A_245, %get3A_246] {strides = array<i32>} : memref<80x64xf32, #tpu.memory_space<vmem>>, vector<1x16xf32>,
        %get3A_248 = vector.shape_cast %get3A_247 : vector<1x16xf32> to vector<16xf32>
        %mul3A_249 = vector.broadcast %squeeze3A_233 : f32 to vector<16xf32>
        %mul3A_250 = arith.mulf %get3A_248, %mul3A_249 : vector<16xf32>
        %swap3A_251 = arith.index_cast %add3A_231 : i32 to index
        %swap3A_252 = arith.constant 16 : index
        %swap3A_253 = tpu.vector_load %arg11[%swap3A_251, %swap3A_252] {strides = array<i32>} : memref<80x64xf32, #tpu.memory_space<vmem>>, vector<1x16xf32>,
        %swap3A_254 = vector.shape_cast %swap3A_253 : vector<1x16xf32> to vector<16xf32>
        %swap3A_255 = vector.shape_cast %mul3A_250 : vector<16xf32> to vector<1x16xf32>
        tpu.vector_store %arg11[%swap3A_251, %swap3A_252], %swap3A_255 {strides = array<i32>} : memref<80x64xf32, #tpu.memory_space<vmem>>, vector<1x16xf32>,
        %get3A_256 = arith.index_cast %add3A_231 : i32 to index
        %get3A_257 = arith.constant 32 : index
        %get3A_258 = tpu.vector_load %arg11[%get3A_256, %get3A_257] {strides = array<i32>} : memref<80x64xf32, #tpu.memory_space<vmem>>, vector<1x16xf32>,
        %get3A_259 = vector.shape_cast %get3A_258 : vector<1x16xf32> to vector<16xf32>
        %mul3A_260 = vector.broadcast %squeeze3A_233 : f32 to vector<16xf32>
        %mul3A_261 = arith.mulf %get3A_259, %mul3A_260 : vector<16xf32>
        %swap3A_262 = arith.index_cast %add3A_231 : i32 to index
        %swap3A_263 = arith.constant 32 : index
        %swap3A_264 = tpu.vector_load %arg11[%swap3A_262, %swap3A_263] {strides = array<i32>} : memref<80x64xf32, #tpu.memory_space<vmem>>, vector<1x16xf32>,
        %swap3A_265 = vector.shape_cast %swap3A_264 : vector<1x16xf32> to vector<16xf32>
        %swap3A_266 = vector.shape_cast %mul3A_261 : vector<16xf32> to vector<1x16xf32>
        tpu.vector_store %arg11[%swap3A_262, %swap3A_263], %swap3A_266 {strides = array<i32>} : memref<80x64xf32, #tpu.memory_space<vmem>>, vector<1x16xf32>,
        %get3A_267 = arith.index_cast %add3A_231 : i32 to index
        %get3A_268 = arith.constant 48 : index
        %get3A_269 = tpu.vector_load %arg11[%get3A_267, %get3A_268] {strides = array<i32>} : memref<80x64xf32, #tpu.memory_space<vmem>>, vector<1x16xf32>,
        %get3A_270 = vector.shape_cast %get3A_269 : vector<1x16xf32> to vector<16xf32>
        %mul3A_271 = vector.broadcast %squeeze3A_233 : f32 to vector<16xf32>
        %mul3A_272 = arith.mulf %get3A_270, %mul3A_271 : vector<16xf32>
        %swap3A_273 = arith.index_cast %add3A_231 : i32 to index
        %swap3A_274 = arith.constant 48 : index
        %swap3A_275 = tpu.vector_load %arg11[%swap3A_273, %swap3A_274] {strides = array<i32>} : memref<80x64xf32, #tpu.memory_space<vmem>>, vector<1x16xf32>,
        %swap3A_276 = vector.shape_cast %swap3A_275 : vector<1x16xf32> to vector<16xf32>
        %swap3A_277 = vector.shape_cast %mul3A_272 : vector<16xf32> to vector<1x16xf32>
        tpu.vector_store %arg11[%swap3A_273, %swap3A_274], %swap3A_277 {strides = array<i32>} : memref<80x64xf32, #tpu.memory_space<vmem>>, vector<1x16xf32>,
        %mul3A_278 = arith.constant 16 : i32
        %mul3A_279 = arith.muli %scan3A_23, %mul3A_278 : i32
        %add3A_280 = arith.constant 5 : i32
        %add3A_281 = arith.addi %mul3A_279, %add3A_280 : i32
        %slice3A_282 = vector.extract_strided_slice %get3A_30 {offsets = [5], sizes = [1], strides = [1]} : vector<16xf32> to vector<1xf32>
        %squeeze3A_283 = vector.extract %slice3A_282[0] : f32 from vector<1xf32>
        %get3A_284 = arith.index_cast %add3A_281 : i32 to index
        %get3A_285 = arith.constant 0 : index
        %get3A_286 = tpu.vector_load %arg11[%get3A_284, %get3A_285] {strides = array<i32>} : memref<80x64xf32, #tpu.memory_space<vmem>>, vector<1x16xf32>,
        %get3A_287 = vector.shape_cast %get3A_286 : vector<1x16xf32> to vector<16xf32>
        %mul3A_288 = vector.broadcast %squeeze3A_283 : f32 to vector<16xf32>
        %mul3A_289 = arith.mulf %get3A_287, %mul3A_288 : vector<16xf32>
        %swap3A_290 = arith.index_cast %add3A_281 : i32 to index
        %swap3A_291 = arith.constant 0 : index
        %swap3A_292 = tpu.vector_load %arg11[%swap3A_290, %swap3A_291] {strides = array<i32>} : memref<80x64xf32, #tpu.memory_space<vmem>>, vector<1x16xf32>,
        %swap3A_293 = vector.shape_cast %swap3A_292 : vector<1x16xf32> to vector<16xf32>
        %swap3A_294 = vector.shape_cast %mul3A_289 : vector<16xf32> to vector<1x16xf32>
        tpu.vector_store %arg11[%swap3A_290, %swap3A_291], %swap3A_294 {strides = array<i32>} : memref<80x64xf32, #tpu.memory_space<vmem>>, vector<1x16xf32>,
        %get3A_295 = arith.index_cast %add3A_281 : i32 to index
        %get3A_296 = arith.constant 16 : index
        %get3A_297 = tpu.vector_load %arg11[%get3A_295, %get3A_296] {strides = array<i32>} : memref<80x64xf32, #tpu.memory_space<vmem>>, vector<1x16xf32>,
        %get3A_298 = vector.shape_cast %get3A_297 : vector<1x16xf32> to vector<16xf32>
        %mul3A_299 = vector.broadcast %squeeze3A_283 : f32 to vector<16xf32>
        %mul3A_300 = arith.mulf %get3A_298, %mul3A_299 : vector<16xf32>
        %swap3A_301 = arith.index_cast %add3A_281 : i32 to index
        %swap3A_302 = arith.constant 16 : index
        %swap3A_303 = tpu.vector_load %arg11[%swap3A_301, %swap3A_302] {strides = array<i32>} : memref<80x64xf32, #tpu.memory_space<vmem>>, vector<1x16xf32>,
        %swap3A_304 = vector.shape_cast %swap3A_303 : vector<1x16xf32> to vector<16xf32>
        %swap3A_305 = vector.shape_cast %mul3A_300 : vector<16xf32> to vector<1x16xf32>
        tpu.vector_store %arg11[%swap3A_301, %swap3A_302], %swap3A_305 {strides = array<i32>} : memref<80x64xf32, #tpu.memory_space<vmem>>, vector<1x16xf32>,
        %get3A_306 = arith.index_cast %add3A_281 : i32 to index
        %get3A_307 = arith.constant 32 : index
        %get3A_308 = tpu.vector_load %arg11[%get3A_306, %get3A_307] {strides = array<i32>} : memref<80x64xf32, #tpu.memory_space<vmem>>, vector<1x16xf32>,
        %get3A_309 = vector.shape_cast %get3A_308 : vector<1x16xf32> to vector<16xf32>
        %mul3A_310 = vector.broadcast %squeeze3A_283 : f32 to vector<16xf32>
        %mul3A_311 = arith.mulf %get3A_309, %mul3A_310 : vector<16xf32>
        %swap3A_312 = arith.index_cast %add3A_281 : i32 to index
        %swap3A_313 = arith.constant 32 : index
        %swap3A_314 = tpu.vector_load %arg11[%swap3A_312, %swap3A_313] {strides = array<i32>} : memref<80x64xf32, #tpu.memory_space<vmem>>, vector<1x16xf32>,
        %swap3A_315 = vector.shape_cast %swap3A_314 : vector<1x16xf32> to vector<16xf32>
        %swap3A_316 = vector.shape_cast %mul3A_311 : vector<16xf32> to vector<1x16xf32>
        tpu.vector_store %arg11[%swap3A_312, %swap3A_313], %swap3A_316 {strides = array<i32>} : memref<80x64xf32, #tpu.memory_space<vmem>>, vector<1x16xf32>,
        %get3A_317 = arith.index_cast %add3A_281 : i32 to index
        %get3A_318 = arith.constant 48 : index
        %get3A_319 = tpu.vector_load %arg11[%get3A_317, %get3A_318] {strides = array<i32>} : memref<80x64xf32, #tpu.memory_space<vmem>>, vector<1x16xf32>,
        %get3A_320 = vector.shape_cast %get3A_319 : vector<1x16xf32> to vector<16xf32>
        %mul3A_321 = vector.broadcast %squeeze3A_283 : f32 to vector<16xf32>
        %mul3A_322 = arith.mulf %get3A_320, %mul3A_321 : vector<16xf32>
        %swap3A_323 = arith.index_cast %add3A_281 : i32 to index
        %swap3A_324 = arith.constant 48 : index
        %swap3A_325 = tpu.vector_load %arg11[%swap3A_323, %swap3A_324] {strides = array<i32>} : memref<80x64xf32, #tpu.memory_space<vmem>>, vector<1x16xf32>,
        %swap3A_326 = vector.shape_cast %swap3A_325 : vector<1x16xf32> to vector<16xf32>
        %swap3A_327 = vector.shape_cast %mul3A_322 : vector<16xf32> to vector<1x16xf32>
        tpu.vector_store %arg11[%swap3A_323, %swap3A_324], %swap3A_327 {strides = array<i32>} : memref<80x64xf32, #tpu.memory_space<vmem>>, vector<1x16xf32>,
        %mul3A_328 = arith.constant 16 : i32
        %mul3A_329 = arith.muli %scan3A_23, %mul3A_328 : i32
        %add3A_330 = arith.constant 6 : i32
        %add3A_331 = arith.addi %mul3A_329, %add3A_330 : i32
        %slice3A_332 = vector.extract_strided_slice %get3A_30 {offsets = [6], sizes = [1], strides = [1]} : vector<16xf32> to vector<1xf32>
        %squeeze3A_333 = vector.extract %slice3A_332[0] : f32 from vector<1xf32>
        %get3A_334 = arith.index_cast %add3A_331 : i32 to index
        %get3A_335 = arith.constant 0 : index
        %get3A_336 = tpu.vector_load %arg11[%get3A_334, %get3A_335] {strides = array<i32>} : memref<80x64xf32, #tpu.memory_space<vmem>>, vector<1x16xf32>,
        %get3A_337 = vector.shape_cast %get3A_336 : vector<1x16xf32> to vector<16xf32>
        %mul3A_338 = vector.broadcast %squeeze3A_333 : f32 to vector<16xf32>
        %mul3A_339 = arith.mulf %get3A_337, %mul3A_338 : vector<16xf32>
        %swap3A_340 = arith.index_cast %add3A_331 : i32 to index
        %swap3A_341 = arith.constant 0 : index
        %swap3A_342 = tpu.vector_load %arg11[%swap3A_340, %swap3A_341] {strides = array<i32>} : memref<80x64xf32, #tpu.memory_space<vmem>>, vector<1x16xf32>,
        %swap3A_343 = vector.shape_cast %swap3A_342 : vector<1x16xf32> to vector<16xf32>
        %swap3A_344 = vector.shape_cast %mul3A_339 : vector<16xf32> to vector<1x16xf32>
        tpu.vector_store %arg11[%swap3A_340, %swap3A_341], %swap3A_344 {strides = array<i32>} : memref<80x64xf32, #tpu.memory_space<vmem>>, vector<1x16xf32>,
        %get3A_345 = arith.index_cast %add3A_331 : i32 to index
        %get3A_346 = arith.constant 16 : index
        %get3A_347 = tpu.vector_load %arg11[%get3A_345, %get3A_346] {strides = array<i32>} : memref<80x64xf32, #tpu.memory_space<vmem>>, vector<1x16xf32>,
        %get3A_348 = vector.shape_cast %get3A_347 : vector<1x16xf32> to vector<16xf32>
        %mul3A_349 = vector.broadcast %squeeze3A_333 : f32 to vector<16xf32>
        %mul3A_350 = arith.mulf %get3A_348, %mul3A_349 : vector<16xf32>
        %swap3A_351 = arith.index_cast %add3A_331 : i32 to index
        %swap3A_352 = arith.constant 16 : index
        %swap3A_353 = tpu.vector_load %arg11[%swap3A_351, %swap3A_352] {strides = array<i32>} : memref<80x64xf32, #tpu.memory_space<vmem>>, vector<1x16xf32>,
        %swap3A_354 = vector.shape_cast %swap3A_353 : vector<1x16xf32> to vector<16xf32>
        %swap3A_355 = vector.shape_cast %mul3A_350 : vector<16xf32> to vector<1x16xf32>
        tpu.vector_store %arg11[%swap3A_351, %swap3A_352], %swap3A_355 {strides = array<i32>} : memref<80x64xf32, #tpu.memory_space<vmem>>, vector<1x16xf32>,
        %get3A_356 = arith.index_cast %add3A_331 : i32 to index
        %get3A_357 = arith.constant 32 : index
        %get3A_358 = tpu.vector_load %arg11[%get3A_356, %get3A_357] {strides = array<i32>} : memref<80x64xf32, #tpu.memory_space<vmem>>, vector<1x16xf32>,
        %get3A_359 = vector.shape_cast %get3A_358 : vector<1x16xf32> to vector<16xf32>
        %mul3A_360 = vector.broadcast %squeeze3A_333 : f32 to vector<16xf32>
        %mul3A_361 = arith.mulf %get3A_359, %mul3A_360 : vector<16xf32>
        %swap3A_362 = arith.index_cast %add3A_331 : i32 to index
        %swap3A_363 = arith.constant 32 : index
        %swap3A_364 = tpu.vector_load %arg11[%swap3A_362, %swap3A_363] {strides = array<i32>} : memref<80x64xf32, #tpu.memory_space<vmem>>, vector<1x16xf32>,
        %swap3A_365 = vector.shape_cast %swap3A_364 : vector<1x16xf32> to vector<16xf32>
        %swap3A_366 = vector.shape_cast %mul3A_361 : vector<16xf32> to vector<1x16xf32>
        tpu.vector_store %arg11[%swap3A_362, %swap3A_363], %swap3A_366 {strides = array<i32>} : memref<80x64xf32, #tpu.memory_space<vmem>>, vector<1x16xf32>,
        %get3A_367 = arith.index_cast %add3A_331 : i32 to index
        %get3A_368 = arith.constant 48 : index
        %get3A_369 = tpu.vector_load %arg11[%get3A_367, %get3A_368] {strides = array<i32>} : memref<80x64xf32, #tpu.memory_space<vmem>>, vector<1x16xf32>,
        %get3A_370 = vector.shape_cast %get3A_369 : vector<1x16xf32> to vector<16xf32>
        %mul3A_371 = vector.broadcast %squeeze3A_333 : f32 to vector<16xf32>
        %mul3A_372 = arith.mulf %get3A_370, %mul3A_371 : vector<16xf32>
        %swap3A_373 = arith.index_cast %add3A_331 : i32 to index
        %swap3A_374 = arith.constant 48 : index
        %swap3A_375 = tpu.vector_load %arg11[%swap3A_373, %swap3A_374] {strides = array<i32>} : memref<80x64xf32, #tpu.memory_space<vmem>>, vector<1x16xf32>,
        %swap3A_376 = vector.shape_cast %swap3A_375 : vector<1x16xf32> to vector<16xf32>
        %swap3A_377 = vector.shape_cast %mul3A_372 : vector<16xf32> to vector<1x16xf32>
        tpu.vector_store %arg11[%swap3A_373, %swap3A_374], %swap3A_377 {strides = array<i32>} : memref<80x64xf32, #tpu.memory_space<vmem>>, vector<1x16xf32>,
        %mul3A_378 = arith.constant 16 : i32
        %mul3A_379 = arith.muli %scan3A_23, %mul3A_378 : i32
        %add3A_380 = arith.constant 7 : i32
        %add3A_381 = arith.addi %mul3A_379, %add3A_380 : i32
        %slice3A_382 = vector.extract_strided_slice %get3A_30 {offsets = [7], sizes = [1], strides = [1]} : vector<16xf32> to vector<1xf32>
        %squeeze3A_383 = vector.extract %slice3A_382[0] : f32 from vector<1xf32>
        %get3A_384 = arith.index_cast %add3A_381 : i32 to index
        %get3A_385 = arith.constant 0 : index
        %get3A_386 = tpu.vector_load %arg11[%get3A_384, %get3A_385] {strides = array<i32>} : memref<80x64xf32, #tpu.memory_space<vmem>>, vector<1x16xf32>,
        %get3A_387 = vector.shape_cast %get3A_386 : vector<1x16xf32> to vector<16xf32>
        %mul3A_388 = vector.broadcast %squeeze3A_383 : f32 to vector<16xf32>
        %mul3A_389 = arith.mulf %get3A_387, %mul3A_388 : vector<16xf32>
        %swap3A_390 = arith.index_cast %add3A_381 : i32 to index
        %swap3A_391 = arith.constant 0 : index
        %swap3A_392 = tpu.vector_load %arg11[%swap3A_390, %swap3A_391] {strides = array<i32>} : memref<80x64xf32, #tpu.memory_space<vmem>>, vector<1x16xf32>,
        %swap3A_393 = vector.shape_cast %swap3A_392 : vector<1x16xf32> to vector<16xf32>
        %swap3A_394 = vector.shape_cast %mul3A_389 : vector<16xf32> to vector<1x16xf32>
        tpu.vector_store %arg11[%swap3A_390, %swap3A_391], %swap3A_394 {strides = array<i32>} : memref<80x64xf32, #tpu.memory_space<vmem>>, vector<1x16xf32>,
        %get3A_395 = arith.index_cast %add3A_381 : i32 to index
        %get3A_396 = arith.constant 16 : index
        %get3A_397 = tpu.vector_load %arg11[%get3A_395, %get3A_396] {strides = array<i32>} : memref<80x64xf32, #tpu.memory_space<vmem>>, vector<1x16xf32>,
        %get3A_398 = vector.shape_cast %get3A_397 : vector<1x16xf32> to vector<16xf32>
        %mul3A_399 = vector.broadcast %squeeze3A_383 : f32 to vector<16xf32>
        %mul3A_400 = arith.mulf %get3A_398, %mul3A_399 : vector<16xf32>
        %swap3A_401 = arith.index_cast %add3A_381 : i32 to index
        %swap3A_402 = arith.constant 16 : index
        %swap3A_403 = tpu.vector_load %arg11[%swap3A_401, %swap3A_402] {strides = array<i32>} : memref<80x64xf32, #tpu.memory_space<vmem>>, vector<1x16xf32>,
        %swap3A_404 = vector.shape_cast %swap3A_403 : vector<1x16xf32> to vector<16xf32>
        %swap3A_405 = vector.shape_cast %mul3A_400 : vector<16xf32> to vector<1x16xf32>
        tpu.vector_store %arg11[%swap3A_401, %swap3A_402], %swap3A_405 {strides = array<i32>} : memref<80x64xf32, #tpu.memory_space<vmem>>, vector<1x16xf32>,
        %get3A_406 = arith.index_cast %add3A_381 : i32 to index
        %get3A_407 = arith.constant 32 : index
        %get3A_408 = tpu.vector_load %arg11[%get3A_406, %get3A_407] {strides = array<i32>} : memref<80x64xf32, #tpu.memory_space<vmem>>, vector<1x16xf32>,
        %get3A_409 = vector.shape_cast %get3A_408 : vector<1x16xf32> to vector<16xf32>
        %mul3A_410 = vector.broadcast %squeeze3A_383 : f32 to vector<16xf32>
        %mul3A_411 = arith.mulf %get3A_409, %mul3A_410 : vector<16xf32>
        %swap3A_412 = arith.index_cast %add3A_381 : i32 to index
        %swap3A_413 = arith.constant 32 : index
        %swap3A_414 = tpu.vector_load %arg11[%swap3A_412, %swap3A_413] {strides = array<i32>} : memref<80x64xf32, #tpu.memory_space<vmem>>, vector<1x16xf32>,
        %swap3A_415 = vector.shape_cast %swap3A_414 : vector<1x16xf32> to vector<16xf32>
        %swap3A_416 = vector.shape_cast %mul3A_411 : vector<16xf32> to vector<1x16xf32>
        tpu.vector_store %arg11[%swap3A_412, %swap3A_413], %swap3A_416 {strides = array<i32>} : memref<80x64xf32, #tpu.memory_space<vmem>>, vector<1x16xf32>,
        %get3A_417 = arith.index_cast %add3A_381 : i32 to index
        %get3A_418 = arith.constant 48 : index
        %get3A_419 = tpu.vector_load %arg11[%get3A_417, %get3A_418] {strides = array<i32>} : memref<80x64xf32, #tpu.memory_space<vmem>>, vector<1x16xf32>,
        %get3A_420 = vector.shape_cast %get3A_419 : vector<1x16xf32> to vector<16xf32>
        %mul3A_421 = vector.broadcast %squeeze3A_383 : f32 to vector<16xf32>
        %mul3A_422 = arith.mulf %get3A_420, %mul3A_421 : vector<16xf32>
        %swap3A_423 = arith.index_cast %add3A_381 : i32 to index
        %swap3A_424 = arith.constant 48 : index
        %swap3A_425 = tpu.vector_load %arg11[%swap3A_423, %swap3A_424] {strides = array<i32>} : memref<80x64xf32, #tpu.memory_space<vmem>>, vector<1x16xf32>,
        %swap3A_426 = vector.shape_cast %swap3A_425 : vector<1x16xf32> to vector<16xf32>
        %swap3A_427 = vector.shape_cast %mul3A_422 : vector<16xf32> to vector<1x16xf32>
        tpu.vector_store %arg11[%swap3A_423, %swap3A_424], %swap3A_427 {strides = array<i32>} : memref<80x64xf32, #tpu.memory_space<vmem>>, vector<1x16xf32>,
        %mul3A_428 = arith.constant 16 : i32
        %mul3A_429 = arith.muli %scan3A_23, %mul3A_428 : i32
        %add3A_430 = arith.constant 8 : i32
        %add3A_431 = arith.addi %mul3A_429, %add3A_430 : i32
        %slice3A_432 = vector.extract_strided_slice %get3A_30 {offsets = [8], sizes = [1], strides = [1]} : vector<16xf32> to vector<1xf32>
        %squeeze3A_433 = vector.extract %slice3A_432[0] : f32 from vector<1xf32>
        %get3A_434 = arith.index_cast %add3A_431 : i32 to index
        %get3A_435 = arith.constant 0 : index
        %get3A_436 = tpu.vector_load %arg11[%get3A_434, %get3A_435] {strides = array<i32>} : memref<80x64xf32, #tpu.memory_space<vmem>>, vector<1x16xf32>,
        %get3A_437 = vector.shape_cast %get3A_436 : vector<1x16xf32> to vector<16xf32>
        %mul3A_438 = vector.broadcast %squeeze3A_433 : f32 to vector<16xf32>
        %mul3A_439 = arith.mulf %get3A_437, %mul3A_438 : vector<16xf32>
        %swap3A_440 = arith.index_cast %add3A_431 : i32 to index
        %swap3A_441 = arith.constant 0 : index
        %swap3A_442 = tpu.vector_load %arg11[%swap3A_440, %swap3A_441] {strides = array<i32>} : memref<80x64xf32, #tpu.memory_space<vmem>>, vector<1x16xf32>,
        %swap3A_443 = vector.shape_cast %swap3A_442 : vector<1x16xf32> to vector<16xf32>
        %swap3A_444 = vector.shape_cast %mul3A_439 : vector<16xf32> to vector<1x16xf32>
        tpu.vector_store %arg11[%swap3A_440, %swap3A_441], %swap3A_444 {strides = array<i32>} : memref<80x64xf32, #tpu.memory_space<vmem>>, vector<1x16xf32>,
        %get3A_445 = arith.index_cast %add3A_431 : i32 to index
        %get3A_446 = arith.constant 16 : index
        %get3A_447 = tpu.vector_load %arg11[%get3A_445, %get3A_446] {strides = array<i32>} : memref<80x64xf32, #tpu.memory_space<vmem>>, vector<1x16xf32>,
        %get3A_448 = vector.shape_cast %get3A_447 : vector<1x16xf32> to vector<16xf32>
        %mul3A_449 = vector.broadcast %squeeze3A_433 : f32 to vector<16xf32>
        %mul3A_450 = arith.mulf %get3A_448, %mul3A_449 : vector<16xf32>
        %swap3A_451 = arith.index_cast %add3A_431 : i32 to index
        %swap3A_452 = arith.constant 16 : index
        %swap3A_453 = tpu.vector_load %arg11[%swap3A_451, %swap3A_452] {strides = array<i32>} : memref<80x64xf32, #tpu.memory_space<vmem>>, vector<1x16xf32>,
        %swap3A_454 = vector.shape_cast %swap3A_453 : vector<1x16xf32> to vector<16xf32>
        %swap3A_455 = vector.shape_cast %mul3A_450 : vector<16xf32> to vector<1x16xf32>
        tpu.vector_store %arg11[%swap3A_451, %swap3A_452], %swap3A_455 {strides = array<i32>} : memref<80x64xf32, #tpu.memory_space<vmem>>, vector<1x16xf32>,
        %get3A_456 = arith.index_cast %add3A_431 : i32 to index
        %get3A_457 = arith.constant 32 : index
        %get3A_458 = tpu.vector_load %arg11[%get3A_456, %get3A_457] {strides = array<i32>} : memref<80x64xf32, #tpu.memory_space<vmem>>, vector<1x16xf32>,
        %get3A_459 = vector.shape_cast %get3A_458 : vector<1x16xf32> to vector<16xf32>
        %mul3A_460 = vector.broadcast %squeeze3A_433 : f32 to vector<16xf32>
        %mul3A_461 = arith.mulf %get3A_459, %mul3A_460 : vector<16xf32>
        %swap3A_462 = arith.index_cast %add3A_431 : i32 to index
        %swap3A_463 = arith.constant 32 : index
        %swap3A_464 = tpu.vector_load %arg11[%swap3A_462, %swap3A_463] {strides = array<i32>} : memref<80x64xf32, #tpu.memory_space<vmem>>, vector<1x16xf32>,
        %swap3A_465 = vector.shape_cast %swap3A_464 : vector<1x16xf32> to vector<16xf32>
        %swap3A_466 = vector.shape_cast %mul3A_461 : vector<16xf32> to vector<1x16xf32>
        tpu.vector_store %arg11[%swap3A_462, %swap3A_463], %swap3A_466 {strides = array<i32>} : memref<80x64xf32, #tpu.memory_space<vmem>>, vector<1x16xf32>,
        %get3A_467 = arith.index_cast %add3A_431 : i32 to index
        %get3A_468 = arith.constant 48 : index
        %get3A_469 = tpu.vector_load %arg11[%get3A_467, %get3A_468] {strides = array<i32>} : memref<80x64xf32, #tpu.memory_space<vmem>>, vector<1x16xf32>,
        %get3A_470 = vector.shape_cast %get3A_469 : vector<1x16xf32> to vector<16xf32>
        %mul3A_471 = vector.broadcast %squeeze3A_433 : f32 to vector<16xf32>
        %mul3A_472 = arith.mulf %get3A_470, %mul3A_471 : vector<16xf32>
        %swap3A_473 = arith.index_cast %add3A_431 : i32 to index
        %swap3A_474 = arith.constant 48 : index
        %swap3A_475 = tpu.vector_load %arg11[%swap3A_473, %swap3A_474] {strides = array<i32>} : memref<80x64xf32, #tpu.memory_space<vmem>>, vector<1x16xf32>,
        %swap3A_476 = vector.shape_cast %swap3A_475 : vector<1x16xf32> to vector<16xf32>
        %swap3A_477 = vector.shape_cast %mul3A_472 : vector<16xf32> to vector<1x16xf32>
        tpu.vector_store %arg11[%swap3A_473, %swap3A_474], %swap3A_477 {strides = array<i32>} : memref<80x64xf32, #tpu.memory_space<vmem>>, vector<1x16xf32>,
        %mul3A_478 = arith.constant 16 : i32
        %mul3A_479 = arith.muli %scan3A_23, %mul3A_478 : i32
        %add3A_480 = arith.constant 9 : i32
        %add3A_481 = arith.addi %mul3A_479, %add3A_480 : i32
        %slice3A_482 = vector.extract_strided_slice %get3A_30 {offsets = [9], sizes = [1], strides = [1]} : vector<16xf32> to vector<1xf32>
        %squeeze3A_483 = vector.extract %slice3A_482[0] : f32 from vector<1xf32>
        %get3A_484 = arith.index_cast %add3A_481 : i32 to index
        %get3A_485 = arith.constant 0 : index
        %get3A_486 = tpu.vector_load %arg11[%get3A_484, %get3A_485] {strides = array<i32>} : memref<80x64xf32, #tpu.memory_space<vmem>>, vector<1x16xf32>,
        %get3A_487 = vector.shape_cast %get3A_486 : vector<1x16xf32> to vector<16xf32>
        %mul3A_488 = vector.broadcast %squeeze3A_483 : f32 to vector<16xf32>
        %mul3A_489 = arith.mulf %get3A_487, %mul3A_488 : vector<16xf32>
        %swap3A_490 = arith.index_cast %add3A_481 : i32 to index
        %swap3A_491 = arith.constant 0 : index
        %swap3A_492 = tpu.vector_load %arg11[%swap3A_490, %swap3A_491] {strides = array<i32>} : memref<80x64xf32, #tpu.memory_space<vmem>>, vector<1x16xf32>,
        %swap3A_493 = vector.shape_cast %swap3A_492 : vector<1x16xf32> to vector<16xf32>
        %swap3A_494 = vector.shape_cast %mul3A_489 : vector<16xf32> to vector<1x16xf32>
        tpu.vector_store %arg11[%swap3A_490, %swap3A_491], %swap3A_494 {strides = array<i32>} : memref<80x64xf32, #tpu.memory_space<vmem>>, vector<1x16xf32>,
        %get3A_495 = arith.index_cast %add3A_481 : i32 to index
        %get3A_496 = arith.constant 16 : index
        %get3A_497 = tpu.vector_load %arg11[%get3A_495, %get3A_496] {strides = array<i32>} : memref<80x64xf32, #tpu.memory_space<vmem>>, vector<1x16xf32>,
        %get3A_498 = vector.shape_cast %get3A_497 : vector<1x16xf32> to vector<16xf32>
        %mul3A_499 = vector.broadcast %squeeze3A_483 : f32 to vector<16xf32>
        %mul3A_500 = arith.mulf %get3A_498, %mul3A_499 : vector<16xf32>
        %swap3A_501 = arith.index_cast %add3A_481 : i32 to index
        %swap3A_502 = arith.constant 16 : index
        %swap3A_503 = tpu.vector_load %arg11[%swap3A_501, %swap3A_502] {strides = array<i32>} : memref<80x64xf32, #tpu.memory_space<vmem>>, vector<1x16xf32>,
        %swap3A_504 = vector.shape_cast %swap3A_503 : vector<1x16xf32> to vector<16xf32>
        %swap3A_505 = vector.shape_cast %mul3A_500 : vector<16xf32> to vector<1x16xf32>
        tpu.vector_store %arg11[%swap3A_501, %swap3A_502], %swap3A_505 {strides = array<i32>} : memref<80x64xf32, #tpu.memory_space<vmem>>, vector<1x16xf32>,
        %get3A_506 = arith.index_cast %add3A_481 : i32 to index
        %get3A_507 = arith.constant 32 : index
        %get3A_508 = tpu.vector_load %arg11[%get3A_506, %get3A_507] {strides = array<i32>} : memref<80x64xf32, #tpu.memory_space<vmem>>, vector<1x16xf32>,
        %get3A_509 = vector.shape_cast %get3A_508 : vector<1x16xf32> to vector<16xf32>
        %mul3A_510 = vector.broadcast %squeeze3A_483 : f32 to vector<16xf32>
        %mul3A_511 = arith.mulf %get3A_509, %mul3A_510 : vector<16xf32>
        %swap3A_512 = arith.index_cast %add3A_481 : i32 to index
        %swap3A_513 = arith.constant 32 : index
        %swap3A_514 = tpu.vector_load %arg11[%swap3A_512, %swap3A_513] {strides = array<i32>} : memref<80x64xf32, #tpu.memory_space<vmem>>, vector<1x16xf32>,
        %swap3A_515 = vector.shape_cast %swap3A_514 : vector<1x16xf32> to vector<16xf32>
        %swap3A_516 = vector.shape_cast %mul3A_511 : vector<16xf32> to vector<1x16xf32>
        tpu.vector_store %arg11[%swap3A_512, %swap3A_513], %swap3A_516 {strides = array<i32>} : memref<80x64xf32, #tpu.memory_space<vmem>>, vector<1x16xf32>,
        %get3A_517 = arith.index_cast %add3A_481 : i32 to index
        %get3A_518 = arith.constant 48 : index
        %get3A_519 = tpu.vector_load %arg11[%get3A_517, %get3A_518] {strides = array<i32>} : memref<80x64xf32, #tpu.memory_space<vmem>>, vector<1x16xf32>,
        %get3A_520 = vector.shape_cast %get3A_519 : vector<1x16xf32> to vector<16xf32>
        %mul3A_521 = vector.broadcast %squeeze3A_483 : f32 to vector<16xf32>
        %mul3A_522 = arith.mulf %get3A_520, %mul3A_521 : vector<16xf32>
        %swap3A_523 = arith.index_cast %add3A_481 : i32 to index
        %swap3A_524 = arith.constant 48 : index
        %swap3A_525 = tpu.vector_load %arg11[%swap3A_523, %swap3A_524] {strides = array<i32>} : memref<80x64xf32, #tpu.memory_space<vmem>>, vector<1x16xf32>,
        %swap3A_526 = vector.shape_cast %swap3A_525 : vector<1x16xf32> to vector<16xf32>
        %swap3A_527 = vector.shape_cast %mul3A_522 : vector<16xf32> to vector<1x16xf32>
        tpu.vector_store %arg11[%swap3A_523, %swap3A_524], %swap3A_527 {strides = array<i32>} : memref<80x64xf32, #tpu.memory_space<vmem>>, vector<1x16xf32>,
        %mul3A_528 = arith.constant 16 : i32
        %mul3A_529 = arith.muli %scan3A_23, %mul3A_528 : i32
        %add3A_530 = arith.constant 10 : i32
        %add3A_531 = arith.addi %mul3A_529, %add3A_530 : i32
        %slice3A_532 = vector.extract_strided_slice %get3A_30 {offsets = [10], sizes = [1], strides = [1]} : vector<16xf32> to vector<1xf32>
        %squeeze3A_533 = vector.extract %slice3A_532[0] : f32 from vector<1xf32>
        %get3A_534 = arith.index_cast %add3A_531 : i32 to index
        %get3A_535 = arith.constant 0 : index
        %get3A_536 = tpu.vector_load %arg11[%get3A_534, %get3A_535] {strides = array<i32>} : memref<80x64xf32, #tpu.memory_space<vmem>>, vector<1x16xf32>,
        %get3A_537 = vector.shape_cast %get3A_536 : vector<1x16xf32> to vector<16xf32>
        %mul3A_538 = vector.broadcast %squeeze3A_533 : f32 to vector<16xf32>
        %mul3A_539 = arith.mulf %get3A_537, %mul3A_538 : vector<16xf32>
        %swap3A_540 = arith.index_cast %add3A_531 : i32 to index
        %swap3A_541 = arith.constant 0 : index
        %swap3A_542 = tpu.vector_load %arg11[%swap3A_540, %swap3A_541] {strides = array<i32>} : memref<80x64xf32, #tpu.memory_space<vmem>>, vector<1x16xf32>,
        %swap3A_543 = vector.shape_cast %swap3A_542 : vector<1x16xf32> to vector<16xf32>
        %swap3A_544 = vector.shape_cast %mul3A_539 : vector<16xf32> to vector<1x16xf32>
        tpu.vector_store %arg11[%swap3A_540, %swap3A_541], %swap3A_544 {strides = array<i32>} : memref<80x64xf32, #tpu.memory_space<vmem>>, vector<1x16xf32>,
        %get3A_545 = arith.index_cast %add3A_531 : i32 to index
        %get3A_546 = arith.constant 16 : index
        %get3A_547 = tpu.vector_load %arg11[%get3A_545, %get3A_546] {strides = array<i32>} : memref<80x64xf32, #tpu.memory_space<vmem>>, vector<1x16xf32>,
        %get3A_548 = vector.shape_cast %get3A_547 : vector<1x16xf32> to vector<16xf32>
        %mul3A_549 = vector.broadcast %squeeze3A_533 : f32 to vector<16xf32>
        %mul3A_550 = arith.mulf %get3A_548, %mul3A_549 : vector<16xf32>
        %swap3A_551 = arith.index_cast %add3A_531 : i32 to index
        %swap3A_552 = arith.constant 16 : index
        %swap3A_553 = tpu.vector_load %arg11[%swap3A_551, %swap3A_552] {strides = array<i32>} : memref<80x64xf32, #tpu.memory_space<vmem>>, vector<1x16xf32>,
        %swap3A_554 = vector.shape_cast %swap3A_553 : vector<1x16xf32> to vector<16xf32>
        %swap3A_555 = vector.shape_cast %mul3A_550 : vector<16xf32> to vector<1x16xf32>
        tpu.vector_store %arg11[%swap3A_551, %swap3A_552], %swap3A_555 {strides = array<i32>} : memref<80x64xf32, #tpu.memory_space<vmem>>, vector<1x16xf32>,
        %get3A_556 = arith.index_cast %add3A_531 : i32 to index
        %get3A_557 = arith.constant 32 : index
        %get3A_558 = tpu.vector_load %arg11[%get3A_556, %get3A_557] {strides = array<i32>} : memref<80x64xf32, #tpu.memory_space<vmem>>, vector<1x16xf32>,
        %get3A_559 = vector.shape_cast %get3A_558 : vector<1x16xf32> to vector<16xf32>
        %mul3A_560 = vector.broadcast %squeeze3A_533 : f32 to vector<16xf32>
        %mul3A_561 = arith.mulf %get3A_559, %mul3A_560 : vector<16xf32>
        %swap3A_562 = arith.index_cast %add3A_531 : i32 to index
        %swap3A_563 = arith.constant 32 : index
        %swap3A_564 = tpu.vector_load %arg11[%swap3A_562, %swap3A_563] {strides = array<i32>} : memref<80x64xf32, #tpu.memory_space<vmem>>, vector<1x16xf32>,
        %swap3A_565 = vector.shape_cast %swap3A_564 : vector<1x16xf32> to vector<16xf32>
        %swap3A_566 = vector.shape_cast %mul3A_561 : vector<16xf32> to vector<1x16xf32>
        tpu.vector_store %arg11[%swap3A_562, %swap3A_563], %swap3A_566 {strides = array<i32>} : memref<80x64xf32, #tpu.memory_space<vmem>>, vector<1x16xf32>,
        %get3A_567 = arith.index_cast %add3A_531 : i32 to index
        %get3A_568 = arith.constant 48 : index
        %get3A_569 = tpu.vector_load %arg11[%get3A_567, %get3A_568] {strides = array<i32>} : memref<80x64xf32, #tpu.memory_space<vmem>>, vector<1x16xf32>,
        %get3A_570 = vector.shape_cast %get3A_569 : vector<1x16xf32> to vector<16xf32>
        %mul3A_571 = vector.broadcast %squeeze3A_533 : f32 to vector<16xf32>
        %mul3A_572 = arith.mulf %get3A_570, %mul3A_571 : vector<16xf32>
        %swap3A_573 = arith.index_cast %add3A_531 : i32 to index
        %swap3A_574 = arith.constant 48 : index
        %swap3A_575 = tpu.vector_load %arg11[%swap3A_573, %swap3A_574] {strides = array<i32>} : memref<80x64xf32, #tpu.memory_space<vmem>>, vector<1x16xf32>,
        %swap3A_576 = vector.shape_cast %swap3A_575 : vector<1x16xf32> to vector<16xf32>
        %swap3A_577 = vector.shape_cast %mul3A_572 : vector<16xf32> to vector<1x16xf32>
        tpu.vector_store %arg11[%swap3A_573, %swap3A_574], %swap3A_577 {strides = array<i32>} : memref<80x64xf32, #tpu.memory_space<vmem>>, vector<1x16xf32>,
        %mul3A_578 = arith.constant 16 : i32
        %mul3A_579 = arith.muli %scan3A_23, %mul3A_578 : i32
        %add3A_580 = arith.constant 11 : i32
        %add3A_581 = arith.addi %mul3A_579, %add3A_580 : i32
        %slice3A_582 = vector.extract_strided_slice %get3A_30 {offsets = [11], sizes = [1], strides = [1]} : vector<16xf32> to vector<1xf32>
        %squeeze3A_583 = vector.extract %slice3A_582[0] : f32 from vector<1xf32>
        %get3A_584 = arith.index_cast %add3A_581 : i32 to index
        %get3A_585 = arith.constant 0 : index
        %get3A_586 = tpu.vector_load %arg11[%get3A_584, %get3A_585] {strides = array<i32>} : memref<80x64xf32, #tpu.memory_space<vmem>>, vector<1x16xf32>,
        %get3A_587 = vector.shape_cast %get3A_586 : vector<1x16xf32> to vector<16xf32>
        %mul3A_588 = vector.broadcast %squeeze3A_583 : f32 to vector<16xf32>
        %mul3A_589 = arith.mulf %get3A_587, %mul3A_588 : vector<16xf32>
        %swap3A_590 = arith.index_cast %add3A_581 : i32 to index
        %swap3A_591 = arith.constant 0 : index
        %swap3A_592 = tpu.vector_load %arg11[%swap3A_590, %swap3A_591] {strides = array<i32>} : memref<80x64xf32, #tpu.memory_space<vmem>>, vector<1x16xf32>,
        %swap3A_593 = vector.shape_cast %swap3A_592 : vector<1x16xf32> to vector<16xf32>
        %swap3A_594 = vector.shape_cast %mul3A_589 : vector<16xf32> to vector<1x16xf32>
        tpu.vector_store %arg11[%swap3A_590, %swap3A_591], %swap3A_594 {strides = array<i32>} : memref<80x64xf32, #tpu.memory_space<vmem>>, vector<1x16xf32>,
        %get3A_595 = arith.index_cast %add3A_581 : i32 to index
        %get3A_596 = arith.constant 16 : index
        %get3A_597 = tpu.vector_load %arg11[%get3A_595, %get3A_596] {strides = array<i32>} : memref<80x64xf32, #tpu.memory_space<vmem>>, vector<1x16xf32>,
        %get3A_598 = vector.shape_cast %get3A_597 : vector<1x16xf32> to vector<16xf32>
        %mul3A_599 = vector.broadcast %squeeze3A_583 : f32 to vector<16xf32>
        %mul3A_600 = arith.mulf %get3A_598, %mul3A_599 : vector<16xf32>
        %swap3A_601 = arith.index_cast %add3A_581 : i32 to index
        %swap3A_602 = arith.constant 16 : index
        %swap3A_603 = tpu.vector_load %arg11[%swap3A_601, %swap3A_602] {strides = array<i32>} : memref<80x64xf32, #tpu.memory_space<vmem>>, vector<1x16xf32>,
        %swap3A_604 = vector.shape_cast %swap3A_603 : vector<1x16xf32> to vector<16xf32>
        %swap3A_605 = vector.shape_cast %mul3A_600 : vector<16xf32> to vector<1x16xf32>
        tpu.vector_store %arg11[%swap3A_601, %swap3A_602], %swap3A_605 {strides = array<i32>} : memref<80x64xf32, #tpu.memory_space<vmem>>, vector<1x16xf32>,
        %get3A_606 = arith.index_cast %add3A_581 : i32 to index
        %get3A_607 = arith.constant 32 : index
        %get3A_608 = tpu.vector_load %arg11[%get3A_606, %get3A_607] {strides = array<i32>} : memref<80x64xf32, #tpu.memory_space<vmem>>, vector<1x16xf32>,
        %get3A_609 = vector.shape_cast %get3A_608 : vector<1x16xf32> to vector<16xf32>
        %mul3A_610 = vector.broadcast %squeeze3A_583 : f32 to vector<16xf32>
        %mul3A_611 = arith.mulf %get3A_609, %mul3A_610 : vector<16xf32>
        %swap3A_612 = arith.index_cast %add3A_581 : i32 to index
        %swap3A_613 = arith.constant 32 : index
        %swap3A_614 = tpu.vector_load %arg11[%swap3A_612, %swap3A_613] {strides = array<i32>} : memref<80x64xf32, #tpu.memory_space<vmem>>, vector<1x16xf32>,
        %swap3A_615 = vector.shape_cast %swap3A_614 : vector<1x16xf32> to vector<16xf32>
        %swap3A_616 = vector.shape_cast %mul3A_611 : vector<16xf32> to vector<1x16xf32>
        tpu.vector_store %arg11[%swap3A_612, %swap3A_613], %swap3A_616 {strides = array<i32>} : memref<80x64xf32, #tpu.memory_space<vmem>>, vector<1x16xf32>,
        %get3A_617 = arith.index_cast %add3A_581 : i32 to index
        %get3A_618 = arith.constant 48 : index
        %get3A_619 = tpu.vector_load %arg11[%get3A_617, %get3A_618] {strides = array<i32>} : memref<80x64xf32, #tpu.memory_space<vmem>>, vector<1x16xf32>,
        %get3A_620 = vector.shape_cast %get3A_619 : vector<1x16xf32> to vector<16xf32>
        %mul3A_621 = vector.broadcast %squeeze3A_583 : f32 to vector<16xf32>
        %mul3A_622 = arith.mulf %get3A_620, %mul3A_621 : vector<16xf32>
        %swap3A_623 = arith.index_cast %add3A_581 : i32 to index
        %swap3A_624 = arith.constant 48 : index
        %swap3A_625 = tpu.vector_load %arg11[%swap3A_623, %swap3A_624] {strides = array<i32>} : memref<80x64xf32, #tpu.memory_space<vmem>>, vector<1x16xf32>,
        %swap3A_626 = vector.shape_cast %swap3A_625 : vector<1x16xf32> to vector<16xf32>
        %swap3A_627 = vector.shape_cast %mul3A_622 : vector<16xf32> to vector<1x16xf32>
        tpu.vector_store %arg11[%swap3A_623, %swap3A_624], %swap3A_627 {strides = array<i32>} : memref<80x64xf32, #tpu.memory_space<vmem>>, vector<1x16xf32>,
        %mul3A_628 = arith.constant 16 : i32
        %mul3A_629 = arith.muli %scan3A_23, %mul3A_628 : i32
        %add3A_630 = arith.constant 12 : i32
        %add3A_631 = arith.addi %mul3A_629, %add3A_630 : i32
        %slice3A_632 = vector.extract_strided_slice %get3A_30 {offsets = [12], sizes = [1], strides = [1]} : vector<16xf32> to vector<1xf32>
        %squeeze3A_633 = vector.extract %slice3A_632[0] : f32 from vector<1xf32>
        %get3A_634 = arith.index_cast %add3A_631 : i32 to index
        %get3A_635 = arith.constant 0 : index
        %get3A_636 = tpu.vector_load %arg11[%get3A_634, %get3A_635] {strides = array<i32>} : memref<80x64xf32, #tpu.memory_space<vmem>>, vector<1x16xf32>,
        %get3A_637 = vector.shape_cast %get3A_636 : vector<1x16xf32> to vector<16xf32>
        %mul3A_638 = vector.broadcast %squeeze3A_633 : f32 to vector<16xf32>
        %mul3A_639 = arith.mulf %get3A_637, %mul3A_638 : vector<16xf32>
        %swap3A_640 = arith.index_cast %add3A_631 : i32 to index
        %swap3A_641 = arith.constant 0 : index
        %swap3A_642 = tpu.vector_load %arg11[%swap3A_640, %swap3A_641] {strides = array<i32>} : memref<80x64xf32, #tpu.memory_space<vmem>>, vector<1x16xf32>,
        %swap3A_643 = vector.shape_cast %swap3A_642 : vector<1x16xf32> to vector<16xf32>
        %swap3A_644 = vector.shape_cast %mul3A_639 : vector<16xf32> to vector<1x16xf32>
        tpu.vector_store %arg11[%swap3A_640, %swap3A_641], %swap3A_644 {strides = array<i32>} : memref<80x64xf32, #tpu.memory_space<vmem>>, vector<1x16xf32>,
        %get3A_645 = arith.index_cast %add3A_631 : i32 to index
        %get3A_646 = arith.constant 16 : index
        %get3A_647 = tpu.vector_load %arg11[%get3A_645, %get3A_646] {strides = array<i32>} : memref<80x64xf32, #tpu.memory_space<vmem>>, vector<1x16xf32>,
        %get3A_648 = vector.shape_cast %get3A_647 : vector<1x16xf32> to vector<16xf32>
        %mul3A_649 = vector.broadcast %squeeze3A_633 : f32 to vector<16xf32>
        %mul3A_650 = arith.mulf %get3A_648, %mul3A_649 : vector<16xf32>
        %swap3A_651 = arith.index_cast %add3A_631 : i32 to index
        %swap3A_652 = arith.constant 16 : index
        %swap3A_653 = tpu.vector_load %arg11[%swap3A_651, %swap3A_652] {strides = array<i32>} : memref<80x64xf32, #tpu.memory_space<vmem>>, vector<1x16xf32>,
        %swap3A_654 = vector.shape_cast %swap3A_653 : vector<1x16xf32> to vector<16xf32>
        %swap3A_655 = vector.shape_cast %mul3A_650 : vector<16xf32> to vector<1x16xf32>
        tpu.vector_store %arg11[%swap3A_651, %swap3A_652], %swap3A_655 {strides = array<i32>} : memref<80x64xf32, #tpu.memory_space<vmem>>, vector<1x16xf32>,
        %get3A_656 = arith.index_cast %add3A_631 : i32 to index
        %get3A_657 = arith.constant 32 : index
        %get3A_658 = tpu.vector_load %arg11[%get3A_656, %get3A_657] {strides = array<i32>} : memref<80x64xf32, #tpu.memory_space<vmem>>, vector<1x16xf32>,
        %get3A_659 = vector.shape_cast %get3A_658 : vector<1x16xf32> to vector<16xf32>
        %mul3A_660 = vector.broadcast %squeeze3A_633 : f32 to vector<16xf32>
        %mul3A_661 = arith.mulf %get3A_659, %mul3A_660 : vector<16xf32>
        %swap3A_662 = arith.index_cast %add3A_631 : i32 to index
        %swap3A_663 = arith.constant 32 : index
        %swap3A_664 = tpu.vector_load %arg11[%swap3A_662, %swap3A_663] {strides = array<i32>} : memref<80x64xf32, #tpu.memory_space<vmem>>, vector<1x16xf32>,
        %swap3A_665 = vector.shape_cast %swap3A_664 : vector<1x16xf32> to vector<16xf32>
        %swap3A_666 = vector.shape_cast %mul3A_661 : vector<16xf32> to vector<1x16xf32>
        tpu.vector_store %arg11[%swap3A_662, %swap3A_663], %swap3A_666 {strides = array<i32>} : memref<80x64xf32, #tpu.memory_space<vmem>>, vector<1x16xf32>,
        %get3A_667 = arith.index_cast %add3A_631 : i32 to index
        %get3A_668 = arith.constant 48 : index
        %get3A_669 = tpu.vector_load %arg11[%get3A_667, %get3A_668] {strides = array<i32>} : memref<80x64xf32, #tpu.memory_space<vmem>>, vector<1x16xf32>,
        %get3A_670 = vector.shape_cast %get3A_669 : vector<1x16xf32> to vector<16xf32>
        %mul3A_671 = vector.broadcast %squeeze3A_633 : f32 to vector<16xf32>
        %mul3A_672 = arith.mulf %get3A_670, %mul3A_671 : vector<16xf32>
        %swap3A_673 = arith.index_cast %add3A_631 : i32 to index
        %swap3A_674 = arith.constant 48 : index
        %swap3A_675 = tpu.vector_load %arg11[%swap3A_673, %swap3A_674] {strides = array<i32>} : memref<80x64xf32, #tpu.memory_space<vmem>>, vector<1x16xf32>,
        %swap3A_676 = vector.shape_cast %swap3A_675 : vector<1x16xf32> to vector<16xf32>
        %swap3A_677 = vector.shape_cast %mul3A_672 : vector<16xf32> to vector<1x16xf32>
        tpu.vector_store %arg11[%swap3A_673, %swap3A_674], %swap3A_677 {strides = array<i32>} : memref<80x64xf32, #tpu.memory_space<vmem>>, vector<1x16xf32>,
        %mul3A_678 = arith.constant 16 : i32
        %mul3A_679 = arith.muli %scan3A_23, %mul3A_678 : i32
        %add3A_680 = arith.constant 13 : i32
        %add3A_681 = arith.addi %mul3A_679, %add3A_680 : i32
        %slice3A_682 = vector.extract_strided_slice %get3A_30 {offsets = [13], sizes = [1], strides = [1]} : vector<16xf32> to vector<1xf32>
        %squeeze3A_683 = vector.extract %slice3A_682[0] : f32 from vector<1xf32>
        %get3A_684 = arith.index_cast %add3A_681 : i32 to index
        %get3A_685 = arith.constant 0 : index
        %get3A_686 = tpu.vector_load %arg11[%get3A_684, %get3A_685] {strides = array<i32>} : memref<80x64xf32, #tpu.memory_space<vmem>>, vector<1x16xf32>,
        %get3A_687 = vector.shape_cast %get3A_686 : vector<1x16xf32> to vector<16xf32>
        %mul3A_688 = vector.broadcast %squeeze3A_683 : f32 to vector<16xf32>
        %mul3A_689 = arith.mulf %get3A_687, %mul3A_688 : vector<16xf32>
        %swap3A_690 = arith.index_cast %add3A_681 : i32 to index
        %swap3A_691 = arith.constant 0 : index
        %swap3A_692 = tpu.vector_load %arg11[%swap3A_690, %swap3A_691] {strides = array<i32>} : memref<80x64xf32, #tpu.memory_space<vmem>>, vector<1x16xf32>,
        %swap3A_693 = vector.shape_cast %swap3A_692 : vector<1x16xf32> to vector<16xf32>
        %swap3A_694 = vector.shape_cast %mul3A_689 : vector<16xf32> to vector<1x16xf32>
        tpu.vector_store %arg11[%swap3A_690, %swap3A_691], %swap3A_694 {strides = array<i32>} : memref<80x64xf32, #tpu.memory_space<vmem>>, vector<1x16xf32>,
        %get3A_695 = arith.index_cast %add3A_681 : i32 to index
        %get3A_696 = arith.constant 16 : index
        %get3A_697 = tpu.vector_load %arg11[%get3A_695, %get3A_696] {strides = array<i32>} : memref<80x64xf32, #tpu.memory_space<vmem>>, vector<1x16xf32>,
        %get3A_698 = vector.shape_cast %get3A_697 : vector<1x16xf32> to vector<16xf32>
        %mul3A_699 = vector.broadcast %squeeze3A_683 : f32 to vector<16xf32>
        %mul3A_700 = arith.mulf %get3A_698, %mul3A_699 : vector<16xf32>
        %swap3A_701 = arith.index_cast %add3A_681 : i32 to index
        %swap3A_702 = arith.constant 16 : index
        %swap3A_703 = tpu.vector_load %arg11[%swap3A_701, %swap3A_702] {strides = array<i32>} : memref<80x64xf32, #tpu.memory_space<vmem>>, vector<1x16xf32>,
        %swap3A_704 = vector.shape_cast %swap3A_703 : vector<1x16xf32> to vector<16xf32>
        %swap3A_705 = vector.shape_cast %mul3A_700 : vector<16xf32> to vector<1x16xf32>
        tpu.vector_store %arg11[%swap3A_701, %swap3A_702], %swap3A_705 {strides = array<i32>} : memref<80x64xf32, #tpu.memory_space<vmem>>, vector<1x16xf32>,
        %get3A_706 = arith.index_cast %add3A_681 : i32 to index
        %get3A_707 = arith.constant 32 : index
        %get3A_708 = tpu.vector_load %arg11[%get3A_706, %get3A_707] {strides = array<i32>} : memref<80x64xf32, #tpu.memory_space<vmem>>, vector<1x16xf32>,
        %get3A_709 = vector.shape_cast %get3A_708 : vector<1x16xf32> to vector<16xf32>
        %mul3A_710 = vector.broadcast %squeeze3A_683 : f32 to vector<16xf32>
        %mul3A_711 = arith.mulf %get3A_709, %mul3A_710 : vector<16xf32>
        %swap3A_712 = arith.index_cast %add3A_681 : i32 to index
        %swap3A_713 = arith.constant 32 : index
        %swap3A_714 = tpu.vector_load %arg11[%swap3A_712, %swap3A_713] {strides = array<i32>} : memref<80x64xf32, #tpu.memory_space<vmem>>, vector<1x16xf32>,
        %swap3A_715 = vector.shape_cast %swap3A_714 : vector<1x16xf32> to vector<16xf32>
        %swap3A_716 = vector.shape_cast %mul3A_711 : vector<16xf32> to vector<1x16xf32>
        tpu.vector_store %arg11[%swap3A_712, %swap3A_713], %swap3A_716 {strides = array<i32>} : memref<80x64xf32, #tpu.memory_space<vmem>>, vector<1x16xf32>,
        %get3A_717 = arith.index_cast %add3A_681 : i32 to index
        %get3A_718 = arith.constant 48 : index
        %get3A_719 = tpu.vector_load %arg11[%get3A_717, %get3A_718] {strides = array<i32>} : memref<80x64xf32, #tpu.memory_space<vmem>>, vector<1x16xf32>,
        %get3A_720 = vector.shape_cast %get3A_719 : vector<1x16xf32> to vector<16xf32>
        %mul3A_721 = vector.broadcast %squeeze3A_683 : f32 to vector<16xf32>
        %mul3A_722 = arith.mulf %get3A_720, %mul3A_721 : vector<16xf32>
        %swap3A_723 = arith.index_cast %add3A_681 : i32 to index
        %swap3A_724 = arith.constant 48 : index
        %swap3A_725 = tpu.vector_load %arg11[%swap3A_723, %swap3A_724] {strides = array<i32>} : memref<80x64xf32, #tpu.memory_space<vmem>>, vector<1x16xf32>,
        %swap3A_726 = vector.shape_cast %swap3A_725 : vector<1x16xf32> to vector<16xf32>
        %swap3A_727 = vector.shape_cast %mul3A_722 : vector<16xf32> to vector<1x16xf32>
        tpu.vector_store %arg11[%swap3A_723, %swap3A_724], %swap3A_727 {strides = array<i32>} : memref<80x64xf32, #tpu.memory_space<vmem>>, vector<1x16xf32>,
        %mul3A_728 = arith.constant 16 : i32
        %mul3A_729 = arith.muli %scan3A_23, %mul3A_728 : i32
        %add3A_730 = arith.constant 14 : i32
        %add3A_731 = arith.addi %mul3A_729, %add3A_730 : i32
        %slice3A_732 = vector.extract_strided_slice %get3A_30 {offsets = [14], sizes = [1], strides = [1]} : vector<16xf32> to vector<1xf32>
        %squeeze3A_733 = vector.extract %slice3A_732[0] : f32 from vector<1xf32>
        %get3A_734 = arith.index_cast %add3A_731 : i32 to index
        %get3A_735 = arith.constant 0 : index
        %get3A_736 = tpu.vector_load %arg11[%get3A_734, %get3A_735] {strides = array<i32>} : memref<80x64xf32, #tpu.memory_space<vmem>>, vector<1x16xf32>,
        %get3A_737 = vector.shape_cast %get3A_736 : vector<1x16xf32> to vector<16xf32>
        %mul3A_738 = vector.broadcast %squeeze3A_733 : f32 to vector<16xf32>
        %mul3A_739 = arith.mulf %get3A_737, %mul3A_738 : vector<16xf32>
        %swap3A_740 = arith.index_cast %add3A_731 : i32 to index
        %swap3A_741 = arith.constant 0 : index
        %swap3A_742 = tpu.vector_load %arg11[%swap3A_740, %swap3A_741] {strides = array<i32>} : memref<80x64xf32, #tpu.memory_space<vmem>>, vector<1x16xf32>,
        %swap3A_743 = vector.shape_cast %swap3A_742 : vector<1x16xf32> to vector<16xf32>
        %swap3A_744 = vector.shape_cast %mul3A_739 : vector<16xf32> to vector<1x16xf32>
        tpu.vector_store %arg11[%swap3A_740, %swap3A_741], %swap3A_744 {strides = array<i32>} : memref<80x64xf32, #tpu.memory_space<vmem>>, vector<1x16xf32>,
        %get3A_745 = arith.index_cast %add3A_731 : i32 to index
        %get3A_746 = arith.constant 16 : index
        %get3A_747 = tpu.vector_load %arg11[%get3A_745, %get3A_746] {strides = array<i32>} : memref<80x64xf32, #tpu.memory_space<vmem>>, vector<1x16xf32>,
        %get3A_748 = vector.shape_cast %get3A_747 : vector<1x16xf32> to vector<16xf32>
        %mul3A_749 = vector.broadcast %squeeze3A_733 : f32 to vector<16xf32>
        %mul3A_750 = arith.mulf %get3A_748, %mul3A_749 : vector<16xf32>
        %swap3A_751 = arith.index_cast %add3A_731 : i32 to index
        %swap3A_752 = arith.constant 16 : index
        %swap3A_753 = tpu.vector_load %arg11[%swap3A_751, %swap3A_752] {strides = array<i32>} : memref<80x64xf32, #tpu.memory_space<vmem>>, vector<1x16xf32>,
        %swap3A_754 = vector.shape_cast %swap3A_753 : vector<1x16xf32> to vector<16xf32>
        %swap3A_755 = vector.shape_cast %mul3A_750 : vector<16xf32> to vector<1x16xf32>
        tpu.vector_store %arg11[%swap3A_751, %swap3A_752], %swap3A_755 {strides = array<i32>} : memref<80x64xf32, #tpu.memory_space<vmem>>, vector<1x16xf32>,
        %get3A_756 = arith.index_cast %add3A_731 : i32 to index
        %get3A_757 = arith.constant 32 : index
        %get3A_758 = tpu.vector_load %arg11[%get3A_756, %get3A_757] {strides = array<i32>} : memref<80x64xf32, #tpu.memory_space<vmem>>, vector<1x16xf32>,
        %get3A_759 = vector.shape_cast %get3A_758 : vector<1x16xf32> to vector<16xf32>
        %mul3A_760 = vector.broadcast %squeeze3A_733 : f32 to vector<16xf32>
        %mul3A_761 = arith.mulf %get3A_759, %mul3A_760 : vector<16xf32>
        %swap3A_762 = arith.index_cast %add3A_731 : i32 to index
        %swap3A_763 = arith.constant 32 : index
        %swap3A_764 = tpu.vector_load %arg11[%swap3A_762, %swap3A_763] {strides = array<i32>} : memref<80x64xf32, #tpu.memory_space<vmem>>, vector<1x16xf32>,
        %swap3A_765 = vector.shape_cast %swap3A_764 : vector<1x16xf32> to vector<16xf32>
        %swap3A_766 = vector.shape_cast %mul3A_761 : vector<16xf32> to vector<1x16xf32>
        tpu.vector_store %arg11[%swap3A_762, %swap3A_763], %swap3A_766 {strides = array<i32>} : memref<80x64xf32, #tpu.memory_space<vmem>>, vector<1x16xf32>,
        %get3A_767 = arith.index_cast %add3A_731 : i32 to index
        %get3A_768 = arith.constant 48 : index
        %get3A_769 = tpu.vector_load %arg11[%get3A_767, %get3A_768] {strides = array<i32>} : memref<80x64xf32, #tpu.memory_space<vmem>>, vector<1x16xf32>,
        %get3A_770 = vector.shape_cast %get3A_769 : vector<1x16xf32> to vector<16xf32>
        %mul3A_771 = vector.broadcast %squeeze3A_733 : f32 to vector<16xf32>
        %mul3A_772 = arith.mulf %get3A_770, %mul3A_771 : vector<16xf32>
        %swap3A_773 = arith.index_cast %add3A_731 : i32 to index
        %swap3A_774 = arith.constant 48 : index
        %swap3A_775 = tpu.vector_load %arg11[%swap3A_773, %swap3A_774] {strides = array<i32>} : memref<80x64xf32, #tpu.memory_space<vmem>>, vector<1x16xf32>,
        %swap3A_776 = vector.shape_cast %swap3A_775 : vector<1x16xf32> to vector<16xf32>
        %swap3A_777 = vector.shape_cast %mul3A_772 : vector<16xf32> to vector<1x16xf32>
        tpu.vector_store %arg11[%swap3A_773, %swap3A_774], %swap3A_777 {strides = array<i32>} : memref<80x64xf32, #tpu.memory_space<vmem>>, vector<1x16xf32>,
        %mul3A_778 = arith.constant 16 : i32
        %mul3A_779 = arith.muli %scan3A_23, %mul3A_778 : i32
        %add3A_780 = arith.constant 15 : i32
        %add3A_781 = arith.addi %mul3A_779, %add3A_780 : i32
        %slice3A_782 = vector.extract_strided_slice %get3A_30 {offsets = [15], sizes = [1], strides = [1]} : vector<16xf32> to vector<1xf32>
        %squeeze3A_783 = vector.extract %slice3A_782[0] : f32 from vector<1xf32>
        %get3A_784 = arith.index_cast %add3A_781 : i32 to index
        %get3A_785 = arith.constant 0 : index
        %get3A_786 = tpu.vector_load %arg11[%get3A_784, %get3A_785] {strides = array<i32>} : memref<80x64xf32, #tpu.memory_space<vmem>>, vector<1x16xf32>,
        %get3A_787 = vector.shape_cast %get3A_786 : vector<1x16xf32> to vector<16xf32>
        %mul3A_788 = vector.broadcast %squeeze3A_783 : f32 to vector<16xf32>
        %mul3A_789 = arith.mulf %get3A_787, %mul3A_788 : vector<16xf32>
        %swap3A_790 = arith.index_cast %add3A_781 : i32 to index
        %swap3A_791 = arith.constant 0 : index
        %swap3A_792 = tpu.vector_load %arg11[%swap3A_790, %swap3A_791] {strides = array<i32>} : memref<80x64xf32, #tpu.memory_space<vmem>>, vector<1x16xf32>,
        %swap3A_793 = vector.shape_cast %swap3A_792 : vector<1x16xf32> to vector<16xf32>
        %swap3A_794 = vector.shape_cast %mul3A_789 : vector<16xf32> to vector<1x16xf32>
        tpu.vector_store %arg11[%swap3A_790, %swap3A_791], %swap3A_794 {strides = array<i32>} : memref<80x64xf32, #tpu.memory_space<vmem>>, vector<1x16xf32>,
        %get3A_795 = arith.index_cast %add3A_781 : i32 to index
        %get3A_796 = arith.constant 16 : index
        %get3A_797 = tpu.vector_load %arg11[%get3A_795, %get3A_796] {strides = array<i32>} : memref<80x64xf32, #tpu.memory_space<vmem>>, vector<1x16xf32>,
        %get3A_798 = vector.shape_cast %get3A_797 : vector<1x16xf32> to vector<16xf32>
        %mul3A_799 = vector.broadcast %squeeze3A_783 : f32 to vector<16xf32>
        %mul3A_800 = arith.mulf %get3A_798, %mul3A_799 : vector<16xf32>
        %swap3A_801 = arith.index_cast %add3A_781 : i32 to index
        %swap3A_802 = arith.constant 16 : index
        %swap3A_803 = tpu.vector_load %arg11[%swap3A_801, %swap3A_802] {strides = array<i32>} : memref<80x64xf32, #tpu.memory_space<vmem>>, vector<1x16xf32>,
        %swap3A_804 = vector.shape_cast %swap3A_803 : vector<1x16xf32> to vector<16xf32>
        %swap3A_805 = vector.shape_cast %mul3A_800 : vector<16xf32> to vector<1x16xf32>
        tpu.vector_store %arg11[%swap3A_801, %swap3A_802], %swap3A_805 {strides = array<i32>} : memref<80x64xf32, #tpu.memory_space<vmem>>, vector<1x16xf32>,
        %get3A_806 = arith.index_cast %add3A_781 : i32 to index
        %get3A_807 = arith.constant 32 : index
        %get3A_808 = tpu.vector_load %arg11[%get3A_806, %get3A_807] {strides = array<i32>} : memref<80x64xf32, #tpu.memory_space<vmem>>, vector<1x16xf32>,
        %get3A_809 = vector.shape_cast %get3A_808 : vector<1x16xf32> to vector<16xf32>
        %mul3A_810 = vector.broadcast %squeeze3A_783 : f32 to vector<16xf32>
        %mul3A_811 = arith.mulf %get3A_809, %mul3A_810 : vector<16xf32>
        %swap3A_812 = arith.index_cast %add3A_781 : i32 to index
        %swap3A_813 = arith.constant 32 : index
        %swap3A_814 = tpu.vector_load %arg11[%swap3A_812, %swap3A_813] {strides = array<i32>} : memref<80x64xf32, #tpu.memory_space<vmem>>, vector<1x16xf32>,
        %swap3A_815 = vector.shape_cast %swap3A_814 : vector<1x16xf32> to vector<16xf32>
        %swap3A_816 = vector.shape_cast %mul3A_811 : vector<16xf32> to vector<1x16xf32>
        tpu.vector_store %arg11[%swap3A_812, %swap3A_813], %swap3A_816 {strides = array<i32>} : memref<80x64xf32, #tpu.memory_space<vmem>>, vector<1x16xf32>,
        %get3A_817 = arith.index_cast %add3A_781 : i32 to index
        %get3A_818 = arith.constant 48 : index
        %get3A_819 = tpu.vector_load %arg11[%get3A_817, %get3A_818] {strides = array<i32>} : memref<80x64xf32, #tpu.memory_space<vmem>>, vector<1x16xf32>,
        %get3A_820 = vector.shape_cast %get3A_819 : vector<1x16xf32> to vector<16xf32>
        %mul3A_821 = vector.broadcast %squeeze3A_783 : f32 to vector<16xf32>
        %mul3A_822 = arith.mulf %get3A_820, %mul3A_821 : vector<16xf32>
        %swap3A_823 = arith.index_cast %add3A_781 : i32 to index
        %swap3A_824 = arith.constant 48 : index
        %swap3A_825 = tpu.vector_load %arg11[%swap3A_823, %swap3A_824] {strides = array<i32>} : memref<80x64xf32, #tpu.memory_space<vmem>>, vector<1x16xf32>,
        %swap3A_826 = vector.shape_cast %swap3A_825 : vector<1x16xf32> to vector<16xf32>
        %swap3A_827 = vector.shape_cast %mul3A_822 : vector<16xf32> to vector<1x16xf32>
        tpu.vector_store %arg11[%swap3A_823, %swap3A_824], %swap3A_827 {strides = array<i32>} : memref<80x64xf32, #tpu.memory_space<vmem>>, vector<1x16xf32>,
      }
      %scan3A_22 = arith.constant 5 : i32
      "tpu.region"() ({
        %run_scoped3A = tpu.sem_alloc : memref<!tpu.dma_semaphore, #tpu.memory_space<semaphore_mem>>
        %dma_start3A = arith.constant 0 : i32
        %dma_start3A_23 = tpu.memref_slice %arg9[%scan3A_16, %dma_start3A] : memref<125x80xi32, #tpu.memory_space<vmem>> -> memref<1x80xi32, #tpu.memory_space<vmem>>
        %dma_start3A_24 = tpu.memref_squeeze %dma_start3A_23 : memref<1x80xi32, #tpu.memory_space<vmem>> -> memref<80xi32, #tpu.memory_space<vmem>>
        %dma_start3A_25 = arith.constant 0 : i32
        %dma_start3A_26 = arith.constant 0 : i32
        %dma_start3A_27 = tpu.memref_slice %arg12[%dma_start3A_25, %dma_start3A_26] : memref<10000x64xf32, #tpu.memory_space<vmem_shared>> -> memref<10000x64xf32, #tpu.memory_space<vmem_shared>>
        tpu.enqueue_indirect_dma source(%arg11 : memref<80x64xf32, #tpu.memory_space<vmem>>) target(%dma_start3A_27 : memref<10000x64xf32, #tpu.memory_space<vmem_shared>>) offsets(%dma_start3A_24 : memref<80xi32, #tpu.memory_space<vmem>>) semaphore(%run_scoped3A : memref<!tpu.dma_semaphore, #tpu.memory_space<semaphore_mem>>) {add = true}
        %dma_wait3A = arith.constant 0 : i32
        %dma_wait3A_28 = tpu.memref_slice %arg9[%scan3A_16, %dma_wait3A] : memref<125x80xi32, #tpu.memory_space<vmem>> -> memref<1x80xi32, #tpu.memory_space<vmem>>
        %dma_wait3A_29 = tpu.memref_squeeze %dma_wait3A_28 : memref<1x80xi32, #tpu.memory_space<vmem>> -> memref<80xi32, #tpu.memory_space<vmem>>
        %dma_wait3A_30 = arith.constant 0 : i32
        %dma_wait3A_31 = arith.constant 0 : i32
        %dma_wait3A_32 = tpu.memref_slice %arg12[%dma_wait3A_30, %dma_wait3A_31] : memref<10000x64xf32, #tpu.memory_space<vmem_shared>> -> memref<10000x64xf32, #tpu.memory_space<vmem_shared>>
        tpu.wait_indirect_dma semaphore(%run_scoped3A : memref<!tpu.dma_semaphore, #tpu.memory_space<semaphore_mem>>) src(%arg11 : memref<80x64xf32, #tpu.memory_space<vmem>>) dst(%dma_wait3A_32 : memref<10000x64xf32, #tpu.memory_space<vmem_shared>>)
        tpu.yield
      }) : () -> ()
    }
    %scan3A_9 = arith.constant 125 : i32
    %barrier3A_10 = arith.constant 0 : index
    tpu.barrier barrier_id(%barrier3A_10)
    %eq3A_11 = arith.constant 0 : i32
    %eq3A_12 = arith.cmpi eq, %arg1, %eq3A_11 : i32
    %convert_element_type3A_13 = arith.extui %eq3A_12 : i1 to i32
    %cond3A_14 = arith.constant 0 : i32
    %cond3A_15 = arith.cmpi ne, %convert_element_type3A_13, %cond3A_14 : i32
    scf.if %cond3A_15 {
      "tpu.region"() ({
        %run_scoped3A = tpu.sem_alloc : memref<!tpu.dma_semaphore, #tpu.memory_space<semaphore_mem>>
        %dma_start3A = arith.constant 0 : i32
        %dma_start3A_16 = arith.constant 0 : i32
        %dma_start3A_17 = tpu.memref_slice %arg7[%arg0, %dma_start3A, %dma_start3A_16] : memref<2x10000x64xf32, #tpu.memory_space<hbm>> -> memref<1x10000x64xf32, #tpu.memory_space<hbm>>
        %dma_start3A_18 = tpu.memref_squeeze %dma_start3A_17 : memref<1x10000x64xf32, #tpu.memory_space<hbm>> -> memref<10000x64xf32, #tpu.memory_space<hbm>>
        tpu.enqueue_dma source(%arg12 : memref<10000x64xf32, #tpu.memory_space<vmem_shared>>) target(%dma_start3A_18 : memref<10000x64xf32, #tpu.memory_space<hbm>>) target_semaphore(%run_scoped3A : memref<!tpu.dma_semaphore, #tpu.memory_space<semaphore_mem>>)
        %dma_wait3A = arith.constant 0 : i32
        %dma_wait3A_19 = arith.constant 0 : i32
        %dma_wait3A_20 = tpu.memref_slice %arg7[%arg0, %dma_wait3A, %dma_wait3A_19] : memref<2x10000x64xf32, #tpu.memory_space<hbm>> -> memref<1x10000x64xf32, #tpu.memory_space<hbm>>
        %dma_wait3A_21 = tpu.memref_squeeze %dma_wait3A_20 : memref<1x10000x64xf32, #tpu.memory_space<hbm>> -> memref<10000x64xf32, #tpu.memory_space<hbm>>
        tpu.wait_dma2 semaphore(%run_scoped3A : memref<!tpu.dma_semaphore, #tpu.memory_space<semaphore_mem>>) src(%arg12 : memref<10000x64xf32, #tpu.memory_space<vmem_shared>>) dst(%dma_wait3A_21 : memref<10000x64xf32, #tpu.memory_space<hbm>>)
        tpu.yield
      }) : () -> ()
    } else {
    }
    return
  }
}

module attributes {stable_mosaic.version = 14 : i64} {
  func.func @_dense1_body(%arg0: memref<10000x128xf32, #tpu.memory_space<vmem>>, %arg1: memref<128x128xf32, #tpu.memory_space<vmem>>, %arg2: memref<128x128xf32, #tpu.memory_space<vmem>>, %arg3: memref<128x128xf32, #tpu.memory_space<vmem>>, %arg4: memref<1x128xf32, #tpu.memory_space<vmem>>, %arg5: memref<1x128xf32, #tpu.memory_space<vmem>>, %arg6: memref<1x128xf32, #tpu.memory_space<vmem>>, %arg7: memref<128x96xf32, #tpu.memory_space<vmem>>, %arg8: memref<10000x96xf32, #tpu.memory_space<vmem>>) attributes {dimension_semantics = [], scalar_prefetch = 0 : i64, scratch_operands = 0 : i64, tpu.core_type = #tpu.core_type<tc>} {
    %get3A = arith.constant 0 : index
    %get3A_0 = arith.constant 0 : index
    %get3A_1 = vector.load %arg0[%get3A, %get3A_0] : memref<10000x128xf32, #tpu.memory_space<vmem>>, vector<10000x128xf32>
    %get3A_2 = arith.constant 0 : index
    %get3A_3 = arith.constant 0 : index
    %get3A_4 = vector.load %arg1[%get3A_2, %get3A_3] : memref<128x128xf32, #tpu.memory_space<vmem>>, vector<128x128xf32>
    %dot_general3A = arith.constant dense<0.000000e+00> : vector<10000x128xf32>
    %dot_general3A_5 = tpu.matmul %get3A_1, %get3A_4, %dot_general3A {dimension_numbers = #tpu.dot_dimension_numbers<[1], [0], [0], [1], [0, 0, 1, 1], [], []>, transpose_lhs_hint = false} : vector<10000x128xf32>, vector<128x128xf32>, vector<10000x128xf32> -> vector<10000x128xf32>
    %get3A_6 = arith.constant 0 : index
    %get3A_7 = arith.constant 0 : index
    %get3A_8 = vector.load %arg2[%get3A_6, %get3A_7] : memref<128x128xf32, #tpu.memory_space<vmem>>, vector<128x128xf32>
    %dot_general3A_9 = arith.constant dense<0.000000e+00> : vector<10000x128xf32>
    %dot_general3A_10 = tpu.matmul %get3A_1, %get3A_8, %dot_general3A_9 {dimension_numbers = #tpu.dot_dimension_numbers<[1], [0], [0], [1], [0, 0, 1, 1], [], []>, transpose_lhs_hint = false} : vector<10000x128xf32>, vector<128x128xf32>, vector<10000x128xf32> -> vector<10000x128xf32>
    %get3A_11 = arith.constant 0 : index
    %get3A_12 = arith.constant 0 : index
    %get3A_13 = vector.load %arg3[%get3A_11, %get3A_12] : memref<128x128xf32, #tpu.memory_space<vmem>>, vector<128x128xf32>
    %dot_general3A_14 = arith.constant dense<0.000000e+00> : vector<10000x128xf32>
    %dot_general3A_15 = tpu.matmul %get3A_1, %get3A_13, %dot_general3A_14 {dimension_numbers = #tpu.dot_dimension_numbers<[1], [0], [0], [1], [0, 0, 1, 1], [], []>, transpose_lhs_hint = false} : vector<10000x128xf32>, vector<128x128xf32>, vector<10000x128xf32> -> vector<10000x128xf32>
    %broadcast_in_dim3A = arith.constant 0.000000e+00 : f32
    %broadcast_in_dim3A_16 = vector.broadcast %broadcast_in_dim3A : f32 to vector<1x128xf32>
    %slice3A = vector.extract_strided_slice %dot_general3A_5 {offsets = [0, 0], sizes = [9999, 128], strides = [1, 1]} : vector<10000x128xf32> to vector<9999x128xf32>
    %concatenate3A = tpu.concatenate %broadcast_in_dim3A_16, %slice3A in 0 : vector<1x128xf32>, vector<9999x128xf32> -> vector<10000x128xf32>
    %add3A = arith.addf %dot_general3A_10, %concatenate3A : vector<10000x128xf32>
    %slice3A_17 = vector.extract_strided_slice %dot_general3A_15 {offsets = [1, 0], sizes = [9999, 128], strides = [1, 1]} : vector<10000x128xf32> to vector<9999x128xf32>
    %concatenate3A_18 = tpu.concatenate %slice3A_17, %broadcast_in_dim3A_16 in 0 : vector<9999x128xf32>, vector<1x128xf32> -> vector<10000x128xf32>
    %add3A_19 = arith.addf %add3A, %concatenate3A_18 : vector<10000x128xf32>
    %get3A_20 = arith.constant 0 : index
    %get3A_21 = arith.constant 0 : index
    %get3A_22 = vector.load %arg4[%get3A_20, %get3A_21] : memref<1x128xf32, #tpu.memory_space<vmem>>, vector<1x128xf32>
    %add3A_23 = vector.broadcast %get3A_22 : vector<1x128xf32> to vector<10000x128xf32>
    %add3A_24 = arith.addf %add3A_19, %add3A_23 : vector<10000x128xf32>
    %reduce_sum3A = arith.constant dense<0.000000e+00> : vector<128xf32>
    %reduce_sum3A_25 = vector.multi_reduction <add>, %add3A_24, %reduce_sum3A [0] : vector<10000x128xf32> to vector<128xf32>
    %broadcast_in_dim3A_26 = vector.shape_cast %reduce_sum3A_25 : vector<128xf32> to vector<1x128xf32>
    %div3A = arith.constant 1.000000e+04 : f32
    %div3A_27 = vector.broadcast %div3A : f32 to vector<1x128xf32>
    %div3A_28 = arith.divf %broadcast_in_dim3A_26, %div3A_27 : vector<1x128xf32>
    %sub3A = vector.broadcast %div3A_28 : vector<1x128xf32> to vector<10000x128xf32>
    %sub3A_29 = arith.subf %add3A_24, %sub3A : vector<10000x128xf32>
    %integer_pow3A = arith.mulf %sub3A_29, %sub3A_29 : vector<10000x128xf32>
    %reduce_sum3A_30 = arith.constant dense<0.000000e+00> : vector<128xf32>
    %reduce_sum3A_31 = vector.multi_reduction <add>, %integer_pow3A, %reduce_sum3A_30 [0] : vector<10000x128xf32> to vector<128xf32>
    %broadcast_in_dim3A_32 = vector.shape_cast %reduce_sum3A_31 : vector<128xf32> to vector<1x128xf32>
    %div3A_33 = arith.constant 1.000000e+04 : f32
    %div3A_34 = vector.broadcast %div3A_33 : f32 to vector<1x128xf32>
    %div3A_35 = arith.divf %broadcast_in_dim3A_32, %div3A_34 : vector<1x128xf32>
    %sub3A_36 = vector.broadcast %div3A_28 : vector<1x128xf32> to vector<10000x128xf32>
    %sub3A_37 = arith.subf %add3A_24, %sub3A_36 : vector<10000x128xf32>
    %add3A_38 = arith.constant 9.99999974E-6 : f32
    %add3A_39 = vector.broadcast %add3A_38 : f32 to vector<1x128xf32>
    %add3A_40 = arith.addf %div3A_35, %add3A_39 : vector<1x128xf32>
    %rsqrt3A = math.rsqrt %add3A_40 : vector<1x128xf32>
    %mul3A = vector.broadcast %rsqrt3A : vector<1x128xf32> to vector<10000x128xf32>
    %mul3A_41 = arith.mulf %sub3A_37, %mul3A : vector<10000x128xf32>
    %get3A_42 = arith.constant 0 : index
    %get3A_43 = arith.constant 0 : index
    %get3A_44 = vector.load %arg5[%get3A_42, %get3A_43] : memref<1x128xf32, #tpu.memory_space<vmem>>, vector<1x128xf32>
    %mul3A_45 = vector.broadcast %get3A_44 : vector<1x128xf32> to vector<10000x128xf32>
    %mul3A_46 = arith.mulf %mul3A_41, %mul3A_45 : vector<10000x128xf32>
    %get3A_47 = arith.constant 0 : index
    %get3A_48 = arith.constant 0 : index
    %get3A_49 = vector.load %arg6[%get3A_47, %get3A_48] : memref<1x128xf32, #tpu.memory_space<vmem>>, vector<1x128xf32>
    %add3A_50 = vector.broadcast %get3A_49 : vector<1x128xf32> to vector<10000x128xf32>
    %add3A_51 = arith.addf %mul3A_46, %add3A_50 : vector<10000x128xf32>
    %max3A = arith.constant 0.000000e+00 : f32
    %max3A_52 = vector.broadcast %max3A : f32 to vector<10000x128xf32>
    %max3A_53 = arith.maximumf %add3A_51, %max3A_52 : vector<10000x128xf32>
    %get3A_54 = arith.constant 0 : index
    %get3A_55 = arith.constant 0 : index
    %get3A_56 = vector.load %arg7[%get3A_54, %get3A_55] : memref<128x96xf32, #tpu.memory_space<vmem>>, vector<128x96xf32>
    %dot_general3A_57 = arith.constant dense<0.000000e+00> : vector<10000x96xf32>
    %dot_general3A_58 = tpu.matmul %max3A_53, %get3A_56, %dot_general3A_57 {dimension_numbers = #tpu.dot_dimension_numbers<[1], [0], [0], [1], [0, 0, 1, 1], [], []>, transpose_lhs_hint = false} : vector<10000x128xf32>, vector<128x96xf32>, vector<10000x96xf32> -> vector<10000x96xf32>
    %swap3A = arith.constant 0 : index
    %swap3A_59 = arith.constant 0 : index
    %swap3A_60 = vector.load %arg8[%swap3A, %swap3A_59] : memref<10000x96xf32, #tpu.memory_space<vmem>>, vector<10000x96xf32>
    tpu.vector_store %arg8[%swap3A, %swap3A_59], %dot_general3A_58 {strides = array<i32>} : memref<10000x96xf32, #tpu.memory_space<vmem>>, vector<10000x96xf32>,
    return
  }
}

module attributes {stable_mosaic.version = 14 : i64} {
  func.func @_dense2_body(%arg0: memref<2x10000x96xf32, #tpu.memory_space<vmem>>, %arg1: memref<1x96xf32, #tpu.memory_space<vmem>>, %arg2: memref<96x64xf32, #tpu.memory_space<vmem>>, %arg3: memref<10000x64xf32, #tpu.memory_space<vmem>>, %arg4: memref<1x96xf32, #tpu.memory_space<vmem>>) attributes {dimension_semantics = [], scalar_prefetch = 0 : i64, scratch_operands = 0 : i64, tpu.core_type = #tpu.core_type<tc>} {
    %get3A = arith.constant 0 : index
    %get3A_0 = arith.constant 0 : index
    %get3A_1 = arith.constant 0 : index
    %get3A_2 = vector.load %arg0[%get3A, %get3A_0, %get3A_1] : memref<2x10000x96xf32, #tpu.memory_space<vmem>>, vector<1x10000x96xf32>
    %get3A_3 = vector.shape_cast %get3A_2 : vector<1x10000x96xf32> to vector<10000x96xf32>
    %get3A_4 = arith.constant 1 : index
    %get3A_5 = arith.constant 0 : index
    %get3A_6 = arith.constant 0 : index
    %get3A_7 = vector.load %arg0[%get3A_4, %get3A_5, %get3A_6] : memref<2x10000x96xf32, #tpu.memory_space<vmem>>, vector<1x10000x96xf32>
    %get3A_8 = vector.shape_cast %get3A_7 : vector<1x10000x96xf32> to vector<10000x96xf32>
    %add3A = arith.addf %get3A_3, %get3A_8 : vector<10000x96xf32>
    %get3A_9 = arith.constant 0 : index
    %get3A_10 = arith.constant 0 : index
    %get3A_11 = vector.load %arg1[%get3A_9, %get3A_10] : memref<1x96xf32, #tpu.memory_space<vmem>>, vector<1x96xf32>
    %add3A_12 = vector.broadcast %get3A_11 : vector<1x96xf32> to vector<10000x96xf32>
    %add3A_13 = arith.addf %add3A, %add3A_12 : vector<10000x96xf32>
    %max3A = arith.constant 0.000000e+00 : f32
    %max3A_14 = vector.broadcast %max3A : f32 to vector<10000x96xf32>
    %max3A_15 = arith.maximumf %add3A_13, %max3A_14 : vector<10000x96xf32>
    %get3A_16 = arith.constant 0 : index
    %get3A_17 = arith.constant 0 : index
    %get3A_18 = vector.load %arg2[%get3A_16, %get3A_17] : memref<96x64xf32, #tpu.memory_space<vmem>>, vector<96x64xf32>
    %dot_general3A = arith.constant dense<0.000000e+00> : vector<10000x64xf32>
    %dot_general3A_19 = tpu.matmul %max3A_15, %get3A_18, %dot_general3A {dimension_numbers = #tpu.dot_dimension_numbers<[1], [0], [0], [1], [0, 0, 1, 1], [], []>, transpose_lhs_hint = false} : vector<10000x96xf32>, vector<96x64xf32>, vector<10000x64xf32> -> vector<10000x64xf32>
    %swap3A = arith.constant 0 : index
    %swap3A_20 = arith.constant 0 : index
    %swap3A_21 = vector.load %arg3[%swap3A, %swap3A_20] : memref<10000x64xf32, #tpu.memory_space<vmem>>, vector<10000x64xf32>
    tpu.vector_store %arg3[%swap3A, %swap3A_20], %dot_general3A_19 {strides = array<i32>} : memref<10000x64xf32, #tpu.memory_space<vmem>>, vector<10000x64xf32>,
    %reduce_sum3A = arith.constant dense<0.000000e+00> : vector<96xf32>
    %reduce_sum3A_22 = vector.multi_reduction <add>, %max3A_15, %reduce_sum3A [0] : vector<10000x96xf32> to vector<96xf32>
    %broadcast_in_dim3A = vector.shape_cast %reduce_sum3A_22 : vector<96xf32> to vector<1x96xf32>
    %swap3A_23 = arith.constant 0 : index
    %swap3A_24 = arith.constant 0 : index
    %swap3A_25 = vector.load %arg4[%swap3A_23, %swap3A_24] : memref<1x96xf32, #tpu.memory_space<vmem>>, vector<1x96xf32>
    tpu.vector_store %arg4[%swap3A_23, %swap3A_24], %broadcast_in_dim3A {strides = array<i32>} : memref<1x96xf32, #tpu.memory_space<vmem>>, vector<1x96xf32>,
    return
  }
}

module attributes {stable_mosaic.version = 14 : i64} {
  func.func @_dense3_body(%arg0: memref<2x10000x64xf32, #tpu.memory_space<vmem>>, %arg1: memref<1x64xf32, #tpu.memory_space<vmem>>, %arg2: memref<1x96xf32, #tpu.memory_space<vmem>>, %arg3: memref<96x5xf32, #tpu.memory_space<vmem>>, %arg4: memref<54x5xf32, #tpu.memory_space<vmem>>, %arg5: memref<5xf32, #tpu.memory_space<vmem>>, %arg6: memref<1x5xf32, #tpu.memory_space<vmem>>) attributes {dimension_semantics = [], scalar_prefetch = 0 : i64, scratch_operands = 0 : i64, tpu.core_type = #tpu.core_type<tc>} {
    %get3A = arith.constant 0 : index
    %get3A_0 = arith.constant 0 : index
    %get3A_1 = arith.constant 0 : index
    %get3A_2 = vector.load %arg0[%get3A, %get3A_0, %get3A_1] : memref<2x10000x64xf32, #tpu.memory_space<vmem>>, vector<1x10000x64xf32>
    %get3A_3 = vector.shape_cast %get3A_2 : vector<1x10000x64xf32> to vector<10000x64xf32>
    %get3A_4 = arith.constant 1 : index
    %get3A_5 = arith.constant 0 : index
    %get3A_6 = arith.constant 0 : index
    %get3A_7 = vector.load %arg0[%get3A_4, %get3A_5, %get3A_6] : memref<2x10000x64xf32, #tpu.memory_space<vmem>>, vector<1x10000x64xf32>
    %get3A_8 = vector.shape_cast %get3A_7 : vector<1x10000x64xf32> to vector<10000x64xf32>
    %add3A = arith.addf %get3A_3, %get3A_8 : vector<10000x64xf32>
    %get3A_9 = arith.constant 0 : index
    %get3A_10 = arith.constant 0 : index
    %get3A_11 = vector.load %arg1[%get3A_9, %get3A_10] : memref<1x64xf32, #tpu.memory_space<vmem>>, vector<1x64xf32>
    %add3A_12 = vector.broadcast %get3A_11 : vector<1x64xf32> to vector<10000x64xf32>
    %add3A_13 = arith.addf %add3A, %add3A_12 : vector<10000x64xf32>
    %max3A = arith.constant 0.000000e+00 : f32
    %max3A_14 = vector.broadcast %max3A : f32 to vector<10000x64xf32>
    %max3A_15 = arith.maximumf %add3A_13, %max3A_14 : vector<10000x64xf32>
    %reduce_sum3A = arith.constant dense<0.000000e+00> : vector<64xf32>
    %reduce_sum3A_16 = vector.multi_reduction <add>, %max3A_15, %reduce_sum3A [0] : vector<10000x64xf32> to vector<64xf32>
    %broadcast_in_dim3A = vector.shape_cast %reduce_sum3A_16 : vector<64xf32> to vector<1x64xf32>
    %get3A_17 = arith.constant 0 : index
    %get3A_18 = arith.constant 0 : index
    %get3A_19 = vector.load %arg2[%get3A_17, %get3A_18] : memref<1x96xf32, #tpu.memory_space<vmem>>, vector<1x96xf32>
    %get3A_20 = arith.constant 0 : index
    %get3A_21 = arith.constant 0 : index
    %get3A_22 = vector.load %arg3[%get3A_20, %get3A_21] : memref<96x5xf32, #tpu.memory_space<vmem>>, vector<96x5xf32>
    %dot_general3A = arith.constant dense<0.000000e+00> : vector<1x5xf32>
    %dot_general3A_23 = tpu.matmul %get3A_19, %get3A_22, %dot_general3A {dimension_numbers = #tpu.dot_dimension_numbers<[1], [0], [0], [1], [0, 0, 1, 1], [], []>, transpose_lhs_hint = false} : vector<1x96xf32>, vector<96x5xf32>, vector<1x5xf32> -> vector<1x5xf32>
    %slice3A = vector.extract_strided_slice %broadcast_in_dim3A {offsets = [0, 0], sizes = [1, 54], strides = [1, 1]} : vector<1x64xf32> to vector<1x54xf32>
    %get3A_24 = arith.constant 0 : index
    %get3A_25 = arith.constant 0 : index
    %get3A_26 = vector.load %arg4[%get3A_24, %get3A_25] : memref<54x5xf32, #tpu.memory_space<vmem>>, vector<54x5xf32>
    %dot_general3A_27 = arith.constant dense<0.000000e+00> : vector<1x5xf32>
    %dot_general3A_28 = tpu.matmul %slice3A, %get3A_26, %dot_general3A_27 {dimension_numbers = #tpu.dot_dimension_numbers<[1], [0], [0], [1], [0, 0, 1, 1], [], []>, transpose_lhs_hint = false} : vector<1x54xf32>, vector<54x5xf32>, vector<1x5xf32> -> vector<1x5xf32>
    %add3A_29 = arith.addf %dot_general3A_23, %dot_general3A_28 : vector<1x5xf32>
    %get3A_30 = arith.constant 0 : index
    %get3A_31 = vector.load %arg5[%get3A_30] : memref<5xf32, #tpu.memory_space<vmem>>, vector<5xf32>
    %broadcast_in_dim3A_32 = vector.shape_cast %get3A_31 : vector<5xf32> to vector<1x5xf32>
    %add3A_33 = arith.addf %add3A_29, %broadcast_in_dim3A_32 : vector<1x5xf32>
    %swap3A = arith.constant 0 : index
    %swap3A_34 = arith.constant 0 : index
    %swap3A_35 = vector.load %arg6[%swap3A, %swap3A_34] : memref<1x5xf32, #tpu.memory_space<vmem>>, vector<1x5xf32>
    tpu.vector_store %arg6[%swap3A, %swap3A_34], %add3A_33 {strides = array<i32>} : memref<1x5xf32, #tpu.memory_space<vmem>>, vector<1x5xf32>,
    return
  }
}

</mosaic_0001>

<sc_bundles>
// kernel: kernel.10.cloned.1.call-start
scs
__scs_entry_jumppad:
0x0: {  	(pc) =	sbr.rel $0x88, $3  }
0x1: {  	(tag) =	ssettag $0x0;
	lr =	simm.s32 $0x1  }
0x2: {  	[smem:$0x3F94] =	sst lr;
	_ =	strace $0xD0000000  }
0x3: {  	_ = 	snop  }
0x4: {  	_ = 	snop  }
0x5: {  	_ = 	snop  }
0x6: {  	_ = 	snop  }
0x7: {  	_ = 	snop  }
__scs_overlays_trampoline_lowered:
0x8: {  	[smem:$0x3FA3] =	sst s0  }
0x9: {  	[smem:$0x3FA4] =	sst s1  }
0xa: {  	[smem:$0x3FA5] =	sst s2  }
0xb: {  	[smem:$0x3FA6] =	sst s3  }
0xc: {  	[smem:$0x3FA7] =	sst s4  }
0xd: {  	[smem:$0x3FA8] =	sst s5  }
0xe: {  	[smem:$0x3FA9] =	sst s6  }
0xf: {  	[smem:$0x3FAA] =	sst s7  }
0x10: {  	[smem:$0x3FAB] =	sst s8  }
0x11: {  	[smem:$0x3FAC] =	sst s9;
	s0 =	simm.s32 @!p0 $0x0  }
0x12: {  	s1 =	sld [smem:$0x3F92];
	s0 =	simm.s32 @p0 $0x1  }
0x13: {  	[smem:$0x3FAD] =	sst s0;
	s0 =	simm.s32 @!p1 $0x0  }
0x14: {  	s2 =	sld [smem:$0x3F91];
	s0 =	simm.s32 @p1 $0x1  }
0x15: {  	[smem:$0x3FAE] =	sst s0;
	s0 =	simm.s32 @!p2 $0x0  }
0x16: {  	s3 =	sld [smem:$0x3FDB];
	s0 =	simm.s32 @p2 $0x1  }
0x17: {  	s4 =	simm.s32 $0x1BF5;
	[smem:$0x3FB0] =	sst s0  }
0x18: {  	s0 =	sld [smem:$0x3F93];
	_ =	swait.ge [sflag:s4], $0x0  }
0x19: {  	s7 =	sld [smem:$0x3F94]  }
0x1a: {  	s8 =	sadd.s32 $0xFFFFE003, lr  }
0x1b: {  	s9 =	sadd.s32 $0xFFFFFEF7, lr;
	s5 =	simm.s32 $0xFFFFFFFF;
	p2 =	slt.u32 s8, $0xFFFFF086  }
0x1c: {  	p1 =	slt.u32 s9, $0xF7A;
	s5 =	simm.s32 @!p2 $0x0  }
0x1d: {  	s5 =	simm.s32 @p1 $0x1;
	p0 =	seq.s32 s7, s2  }
0x1e: {  	s7 =	smul.u32 @!p0 $0xF7A, s2;
	p2 =	seq.s32 @!p0 s5, $0x0  }
0x1f: {  	s9 =	smul.u32 $0xF7A, s1;
	s8 =	simm.s32 @!p0 $0x1BF5;
	p2 =	por !p2, p0  }
0x20: {  	[sflag:s8] =	ssyncset.s32 @!p0 $0xFFFFF086;
	s6 =	sadd.s32 @!p0 s3, s7;
	s7 =	simm.s32 @!p0 $0x108  }
0x21: {  	s3 =	sadd.s32 s3, s9;
	s6 =	sadd.s32 @!p0 $0x88, s6;
	s7 =	simm.s32 @p2 $0x1082  }
0x22: {  	[simem:s7], [sflag:s8] =	dma.local @!p0 [hbm:s6], $0xF7A  }
0x23: {  	s9 =	sor.u32 $0xD0000000, s2;
	s6 =	simm.s32 $0x108;
	_ =	swait.ge @!p0 [sflag:s8], $0x0  }
0x24: {  	s3 =	sadd.s32 $0x88, s3;
	s6 =	simm.s32 @!p1 $0x1082;
	[sflag:s4] =	ssyncset.s32 $0xFFFFF086  }
0x25: {  	[simem:s6], [sflag:s4] =	dma.local [hbm:s3], $0xF7A  }
0x26: {  	[smem:$0x3F94] =	sst s1;
	(tag) =	ssettag s2;
	_ =	strace s9  }
0x27: {  	s1 =	sld [smem:$0x3FA4]  }
0x28: {  	s2 =	sld [smem:$0x3FA5]  }
0x29: {  	s4 =	sld [smem:$0x3FA7]  }
0x2a: {  	p0 =	seq.s32 s5, $0x0;
	s5 =	sld [smem:$0x3FA8]  }
0x2b: {  	s6 =	sld [smem:$0x3FA9]  }
0x2c: {  	s7 =	sld [smem:$0x3FAA]  }
0x2d: {  	s3 =	simm.s32 $0x108;
	s8 =	sld [smem:$0x3FAB]  }
0x2e: {  	s3 =	simm.s32 @!p0 $0x1082;
	s9 =	sld [smem:$0x3FAC]  }
0x2f: {  	lr =	sadd.s32 s0, s3;
	s0 =	sld [smem:$0x3FA3]  }
0x30: {  	s3 =	sld [smem:$0x3FA6]  }
0x31: {  	[smem:$0x3FAF] =	sst s10  }
0x32: {  	s10 =	sld [smem:$0x3FAD];
	_ =	sdelay $0x3  }
0x33: {  	p0 =	seq.s32 s10, $0x1;
	s10 =	sld [smem:$0x3FAF];
	_ =	sdelay $0x3  }
0x34: {  	[smem:$0x3FAF] =	sst s10  }
0x35: {  	s10 =	sld [smem:$0x3FAE];
	_ =	sdelay $0x3  }
0x36: {  	p1 =	seq.s32 s10, $0x1;
	s10 =	sld [smem:$0x3FAF];
	_ =	sdelay $0x3  }
0x37: {  	[smem:$0x3FAF] =	sst s10  }
0x38: {  	s10 =	sld [smem:$0x3FB0]  }
0x39: {  	_ = 	snop;
	(pc) =	sbr.ind lr, $3  }
0x3a: {  	_ = 	snop  }
0x3b: {  	_ = 	snop  }
0x3c: {  	p2 =	seq.s32 s10, $0x1;
	s10 =	sld [smem:$0x3FAF]  }
0x3d: {  	_ =	shalt  }
0x3e: {  	_ =	shalt  }
0x3f: {  	_ =	shalt  }
0x40: {  	_ =	shalt  }
0x41: {  	_ =	shalt  }
0x42: {  	_ =	shalt  }
0x43: {  	_ =	shalt  }
0x44: {  	_ =	shalt  }
0x45: {  	_ =	shalt  }
0x46: {  	_ =	shalt  }
0x47: {  	_ =	shalt  }
0x48: {  	_ =	shalt  }
0x49: {  	_ =	shalt  }
0x4a: {  	_ =	shalt  }
0x4b: {  	_ =	shalt  }
0x4c: {  	_ =	shalt  }
0x4d: {  	_ =	shalt  }
0x4e: {  	_ =	shalt  }
0x4f: {  	_ =	shalt  }
0x50: {  	_ =	shalt  }
0x51: {  	_ =	shalt  }
0x52: {  	_ =	shalt  }
0x53: {  	_ =	shalt  }
0x54: {  	_ =	shalt  }
0x55: {  	_ =	shalt  }
0x56: {  	_ =	shalt  }
0x57: {  	_ =	shalt  }
0x58: {  	_ =	shalt  }
0x59: {  	_ =	shalt  }
0x5a: {  	_ =	shalt  }
0x5b: {  	_ =	shalt  }
0x5c: {  	_ =	shalt  }
0x5d: {  	_ =	shalt  }
0x5e: {  	_ =	shalt  }
0x5f: {  	_ =	shalt  }
0x60: {  	_ =	shalt  }
0x61: {  	_ =	shalt  }
0x62: {  	_ =	shalt  }
0x63: {  	_ =	shalt  }
0x64: {  	_ =	shalt  }
0x65: {  	_ =	shalt  }
0x66: {  	_ =	shalt  }
0x67: {  	_ =	shalt  }
0x68: {  	_ =	shalt  }
0x69: {  	_ =	shalt  }
0x6a: {  	_ =	shalt  }
0x6b: {  	_ =	shalt  }
0x6c: {  	_ =	shalt  }
0x6d: {  	_ =	shalt  }
0x6e: {  	_ =	shalt  }
0x6f: {  	_ =	shalt  }
0x70: {  	_ =	shalt  }
0x71: {  	_ =	shalt  }
0x72: {  	_ =	shalt  }
0x73: {  	_ =	shalt  }
0x74: {  	_ =	shalt  }
0x75: {  	_ =	shalt  }
0x76: {  	_ =	shalt  }
0x77: {  	_ =	shalt  }
0x78: {  	_ =	shalt  }
0x79: {  	_ =	shalt  }
0x7a: {  	_ =	shalt  }
0x7b: {  	_ =	shalt  }
0x7c: {  	_ =	shalt  }
0x7d: {  	_ =	shalt  }
0x7e: {  	_ =	shalt  }
0x7f: {  	_ =	shalt  }
0x80: {  	_ =	shalt  }
0x81: {  	_ =	shalt  }
0x82: {  	_ =	shalt  }
0x83: {  	_ =	shalt  }
0x84: {  	_ =	shalt  }
0x85: {  	_ =	shalt  }
0x86: {  	_ =	shalt  }
0x87: {  	_ =	shalt  }
.Lfunc_end0:
.L_simem_size_0:
called_computation.1_lowered:
.L_overlay_start_0:
0x88: {  	s2 =	sld [smem:$0x3FD9]  }
0x89: {  	s3 =	sld [smem:$0x3FFE];
	_ =	sdelay $0x1  }
0x8a: {  	s1 =	srdreg.scid  }
0x8b: {  	s0 =	sand.u32 $0x1, s1  }
0x8c: {  	s17 =	sshll.u32 s0, $0xA;
	s2 =	sadd.s32 s3, s2  }
0x8d: {  	s2 =	sadd.s32 s2, s17  }
0x8e: {  	[smem:$0x3FBB] =	sst s2  }
0x8f: {  	_ = 	snop  }
0x90: {  	s2 =	sld [smem:$0x3FC7];
	(tm) =	ssettm $0x1  }
0x91: {  	s18 =	sld [smem:$0x3FFB];
	_ =	sdelay $0x3  }
0x92: {  	_ =	strace s18  }
0x93: {  	s3 =	sld [smem:$0x3FFC];
	_ =	sdelay $0x3  }
0x94: {  	_ =	strace s3  }
0x95: {  	s3 =	sld [smem:$0x3FFD];
	_ =	sdelay $0x3  }
0x96: {  	_ =	strace s3  }
0x97: {  	_ =	strace $0x8FFFFFFF  }
0x98: {  	s19 =	sld [smem:$0x3FDB];
	_ =	sdelay $0x1  }
0x99: {  	s4 =	simm.s32 $_scs_section_size  }
0x9a: {  	s5 =	simm.s32 $_size__tile_overlayer_lowered;
	s6 =	simm.s32 $_tile_overlayer_lowered  }
0x9b: {  	s22 =	simm.s32 $0x1BFF;
	s21 =	sshll.u32 s6, $0x1;
	s3 =	sadd.s32 s4, s19  }
0x9c: {  	s7 =	simm.s32 $0x0;
	s20 =	sshll.u32 s5, $0x1;
	s5 =	sadd.s32 s21, s3  }
0x9d: {  	[timem:s7], [sflag:s22] =	dma.local [hbm:s5], s20  }
0x9e: {  	_ =	swait.ge [sflag:s22], s20  }
0x9f: {  	s4 =	ssub.s32 $0x0, s20;
	[sflag:s22] =	ssyncset.done $0x0  }
0xa0: {  	[sflag:s22] =	ssyncadd.s32 s4;
	_ =	sdelay $0x1  }
0xa1: {  	s23 =	simm.s32 $0x1B8B  }
0xa2: {  	_ =	swait.ge [sflag:s23], $0x1  }
0xa3: {  	[sflag:s23] =	ssyncset.done $0x0  }
0xa4: {  	s25 =	simm.s32 $0x1B8E;
	s24 =	sld [smem:$0x3FFE];
	[sflag:s23] =	ssyncadd.s32 $0xFFFFFFFF  }
0xa5: {  	s26 =	simm.s32 $execute0_lowered;
	[smem:$0x3FD2] =	sst s25  }
0xa6: {  	s5 =	sshll.u32 s26, $0x1;
	_ =	strace $0x80000049;
	[dreg:$0x1] =	wrdreg $0xFFFFFFFF  }
0xa7: {  	s28 =	simm.s32 $_size_execute0_lowered;
	s3 =	sadd.s32 s3, s5;
	[dreg:$0x0] =	wrdreg $0x0  }
0xa8: {  	s5 =	sshll.u32 s28, $0x1;
	[dreg:$0x2] =	wrdreg s3  }
0xa9: {  	[dreg:$0x3] =	wrdreg s5  }
0xaa: {  	[dreg:$0x4] =	wrdreg $0xC0  }
0xab: {  	_ =	task [dreg:s7], $0x5FFFF  }
0xac: {  	[dreg:$0x1] =	wrdreg $0xFFFFFFFF  }
0xad: {  	[dreg:$0x0] =	wrdreg $0x60  }
0xae: {  	[dreg:$0x2] =	wrdreg s24  }
0xaf: {  	[dreg:$0x3] =	wrdreg s2  }
0xb0: {  	[dreg:$0x4] =	wrdreg $0x89300  }
0xb1: {  	[dreg:$0x5] =	wrdreg $0x9  }
0xb2: {  	_ =	task.clear_ibuf [dreg:s7], $0x6FFFF;
	_ =	strace $0x90000049  }
0xb3: {  	s29 =	simm.s32 $0x9;
	_ =	strace $0x8000004B  }
0xb4: {  	_ =	swait.ge [sflag:s29], $0x1  }
0xb5: {  	[sflag:s29] =	ssyncadd.s32 $0xFFFFFFFF  }
0xb6: {  	_ =	strace $0x9000004B  }
0xb7: {  	_ =	sfence  }
0xb8: {  	s30 =	sld [smem:$0x0];
	_ =	sdelay $0x2  }
0xb9: {  	s31 =	sshll.u32 s1, $0xD;
	s1 =	sshrl.u32 s1, $0x2  }
0xba: {  	s3 =	sand.u32 $0x4000, s31;
	s1 =	sadd.s32 s1, s30  }
0xbb: {  	s0 =	sor.u32 s3, s0;
	s1 =	sshll.u32 s1, $0x11  }
0xbc: {  	s0 =	sor.u32 s1, s0  }
0xbd: {  	s0 =	sadd.s32 $0x8F2B, s0  }
0xbe: {  	[sflag:s0] =	ssyncadd.remote.s32 $0x1  }
0xbf: {  	_ =	sfence.sel $0xFFFF  }
0xc0: {  	[dreg:$0x0] =	wrdreg $0xFFFFFFFF;
	(pc) =	sbr.abs _section_cstart, $3  }
0xc1: {  	[dreg:$0x1] =	wrdreg $0xFFFFFFFF  }
0xc2: {  	_ =	task.clear_ibuf [dreg:s7], $0x2FFFF;
	_ =	strace $0x9FFFFFFF  }
0xc3: {  	(tm) =	ssettm $0x7FFFFFFF  }
tec
execute0_lowered:
.L_overlay_start_1:
0x0: {  	(tag) =	ssettag $0x1  }
0x1: {  	s5 =	rddreg [dreg:$0x0]  }
0x2: {  	s7 =	rddreg [dreg:$0x1]  }
0x3: {  	s1 =	rddreg [dreg:$0x2]  }
0x4: {  	s0 =	rddreg [dreg:$0x3]  }
0x5: {  	s3 =	srdreg.scid;
	s10 =	stileid.u32;
	s2 =	simm.s32 $0x0  }
0x6: {  	s14 =	simm.s32 $0x50;
	s15 =	simm.s32 $0x7530;
	s16 =	simm.s32 $0x0  }
0x7: {  	s4 =	sand.u32 $0x1, s3;
	s31 =	sshll.u32 s10, $0x1;
	[smem:$0x7FF] =	sst s2  }
0x8: {  	p0 =	sne.s32 s10, $0x0;
	s10 =	simm.s32 $0x1;
	s3 =	sor.u32 s4, s31  }
0x9: {  	_ =	strace $0x8000004A;
	s6 =	smul.u32 $0x13880, s4;
	s9 =	ssub.s32 $0x2, s4  }
0xa: {  	s4 =	sadd.s32 $0x32800, s5;
	s8 =	smul.u32 $0x4E2, s3;
	s12 =	sshrl.u32 s9, $0x1  }
0xb: {  	s3 =	sadd.s32 $0x1600, s5;
	s13 =	sadd.s32 s6, s5;
	s9 =	ssub.s32 s9, s12  }
0xc: {  	s12 =	simm.s32 $0x4E20;
	s11 =	sadd.s32 s8, s5;
	s7 =	sadd.s32 s7, s8  }
0xd: {  	s8 =	sadd.s32 $0x46200, s13;
	s9 =	smax.u32 s9, $0x1;
	s13 =	sshrl.u32 @!p0 s1, $0x3  }
0xe: {  	s5 =	sadd.s32 $0x28A00, s11;
	s6 =	sadd.s32 $0x1EC00, s11;
	s11 =	simm.s32 $0x2710  }
.LBB2_1:
0xf: {  	[tilespmem:s2], [sflag:$0x1] =	stream.linear.gather [hbm4b:s5+s2], $0x2710, $0x38;
	[tilespmem:$0x12570] =	vst v63  }
0x10: {  	_ =	swait.ge [sflag:s10], $0x2710  }
0x11: {  	[sflag:s10] =	ssyncset.done $0x0  }
0x12: {  	[sflag:s10] =	ssyncadd.s32 $0xFFFFD8F0  }
0x13: {  	[tilespmem:s11], [sflag:$0x1] =	stream.linear.gather [hbm4b:s6+s2], $0x2710, $0x38;
	[tilespmem:$0x12570] =	vst v63  }
0x14: {  	_ =	swait.ge [sflag:s10], $0x2710  }
0x15: {  	[sflag:s10] =	ssyncset.done $0x0  }
0x16: {  	[sflag:s10] =	ssyncadd.s32 $0xFFFFD8F0  }
0x17: {  	[tilespmem:s12], [sflag:$0x1] =	stream.linear.gather [hbm4b:s7+s2], $0x2710, $0x38;
	[tilespmem:$0x12570] =	vst v63  }
0x18: {  	_ =	swait.ge [sflag:s10], $0x2710  }
0x19: {  	[sflag:s10] =	ssyncset.done $0x0  }
0x1a: {  	s17 =	simm.s32 @!p0 $0x1C01;
	[sflag:s10] =	ssyncadd.s32 $0xFFFFD8F0  }
0x1b: {  	[spmem:s13], [sflag:s17] =	dma.local @!p0 [hbm:s4], $0x13880  }
0x1c: {  	s17 =	simm.s32 @!p0 $0x1  }
0x1d: {  	_ =	swait.ge @!p0 [sflag:s17], $0x13880  }
0x1e: {  	[sflag:s17] =	ssyncset.done @!p0 $0x0  }
0x1f: {  	[sflag:s17] =	ssyncadd.s32 @!p0 $0xFFFEC780  }
0x20: {  	s18 =	simm.s32 $0x0;
	s17 =	simm.s32 $0x4E20;
	[bflag:$0x0] =	sbarrier.arrive $0xFFFF  }
.LBB2_2:
0x21: {  	s19 =	smul.u32 $0x50, s18;
	_ =	sdelay $0x1  }
0x22: {  	v0 =	vmov s17;
	[tilespmem:s15], [sflag:$0x1] =	stream.indirect.gather [hbm4b:s3+s14], $0x40, s19, s14, $0xb8;
	[tilespmem:$0x12570] =	vst v63  }
0x23: {  	_ =	swait.ge [sflag:s10], $0x1400  }
0x24: {  	[sflag:s10] =	ssyncset.done $0x0  }
0x25: {  	s20 =	simm.s32 $0x0;
	s21 =	simm.s32 $0x7730;
	[sflag:s10] =	ssyncadd.s32 $0xFFFFEC00  }
.LBB2_3:
0x26: {  	s22 =	sshra.s32 s20, $0x2  }
0x27: {  	v1 =	vld.idx.msk [tilespmem:v0+s22+$0x0 ss:$0x1], $0xffff;
	_ =	sdelay $0x1  }
0x28: {  	v2 =	vld [tilespmem:s21+$0xFFFFFE00];
	_ =	sdelay $0x2  }
0x29: {  	v3 =	vbroadcast v1, $0x0;
	_ =	sdelay $0x1  }
0x2a: {  	v2 =	vmul.f32 v3, v2;
	_ =	sdelay $0x1  }
0x2b: {  	[tilespmem:s21+$0xFFFFFE00] =	vst v2;
	v2 =	vld [tilespmem:s21+$0xFFFFFE10];
	_ =	sdelay $0x4  }
0x2c: {  	v2 =	vmul.f32 v2, v3;
	_ =	sdelay $0x1  }
0x2d: {  	[tilespmem:s21+$0xFFFFFE10] =	vst v2;
	v2 =	vld [tilespmem:s21+$0xFFFFFE20];
	_ =	sdelay $0x4  }
0x2e: {  	v2 =	vmul.f32 v2, v3;
	_ =	sdelay $0x1  }
0x2f: {  	[tilespmem:s21+$0xFFFFFE20] =	vst v2;
	v2 =	vld [tilespmem:s21+$0xFFFFFE30];
	_ =	sdelay $0x4  }
0x30: {  	v2 =	vmul.f32 v2, v3;
	_ =	sdelay $0x1  }
0x31: {  	[tilespmem:s21+$0xFFFFFE30] =	vst v2;
	v2 =	vld [tilespmem:s21+$0xFFFFFE40];
	_ =	sdelay $0x2  }
0x32: {  	v3 =	vbroadcast v1, $0x1;
	_ =	sdelay $0x1  }
0x33: {  	v2 =	vmul.f32 v2, v3;
	_ =	sdelay $0x1  }
0x34: {  	[tilespmem:s21+$0xFFFFFE40] =	vst v2;
	v2 =	vld [tilespmem:s21+$0xFFFFFE50];
	_ =	sdelay $0x4  }
0x35: {  	v2 =	vmul.f32 v2, v3;
	_ =	sdelay $0x1  }
0x36: {  	[tilespmem:s21+$0xFFFFFE50] =	vst v2;
	v2 =	vld [tilespmem:s21+$0xFFFFFE60];
	_ =	sdelay $0x4  }
0x37: {  	v2 =	vmul.f32 v2, v3;
	_ =	sdelay $0x1  }
0x38: {  	[tilespmem:s21+$0xFFFFFE60] =	vst v2;
	v2 =	vld [tilespmem:s21+$0xFFFFFE70];
	_ =	sdelay $0x4  }
0x39: {  	v2 =	vmul.f32 v2, v3;
	_ =	sdelay $0x1  }
0x3a: {  	[tilespmem:s21+$0xFFFFFE70] =	vst v2;
	v2 =	vld [tilespmem:s21+$0xFFFFFE80];
	_ =	sdelay $0x2  }
0x3b: {  	v3 =	vbroadcast v1, $0x2;
	_ =	sdelay $0x1  }
0x3c: {  	v2 =	vmul.f32 v2, v3;
	_ =	sdelay $0x1  }
0x3d: {  	[tilespmem:s21+$0xFFFFFE80] =	vst v2;
	v2 =	vld [tilespmem:s21+$0xFFFFFE90];
	_ =	sdelay $0x4  }
0x3e: {  	v2 =	vmul.f32 v2, v3;
	_ =	sdelay $0x1  }
0x3f: {  	[tilespmem:s21+$0xFFFFFE90] =	vst v2;
	v2 =	vld [tilespmem:s21+$0xFFFFFEA0];
	_ =	sdelay $0x4  }
0x40: {  	v2 =	vmul.f32 v2, v3;
	_ =	sdelay $0x1  }
0x41: {  	[tilespmem:s21+$0xFFFFFEA0] =	vst v2;
	v2 =	vld [tilespmem:s21+$0xFFFFFEB0];
	_ =	sdelay $0x4  }
0x42: {  	v2 =	vmul.f32 v2, v3;
	_ =	sdelay $0x1  }
0x43: {  	[tilespmem:s21+$0xFFFFFEB0] =	vst v2;
	v2 =	vld [tilespmem:s21+$0xFFFFFEC0];
	_ =	sdelay $0x2  }
0x44: {  	v3 =	vbroadcast v1, $0x3;
	_ =	sdelay $0x1  }
0x45: {  	v2 =	vmul.f32 v2, v3;
	_ =	sdelay $0x1  }
0x46: {  	[tilespmem:s21+$0xFFFFFEC0] =	vst v2;
	v2 =	vld [tilespmem:s21+$0xFFFFFED0];
	_ =	sdelay $0x4  }
0x47: {  	v2 =	vmul.f32 v2, v3;
	_ =	sdelay $0x1  }
0x48: {  	[tilespmem:s21+$0xFFFFFED0] =	vst v2;
	v2 =	vld [tilespmem:s21+$0xFFFFFEE0];
	_ =	sdelay $0x4  }
0x49: {  	v2 =	vmul.f32 v2, v3;
	_ =	sdelay $0x1  }
0x4a: {  	[tilespmem:s21+$0xFFFFFEE0] =	vst v2;
	v2 =	vld [tilespmem:s21+$0xFFFFFEF0];
	_ =	sdelay $0x4  }
0x4b: {  	v2 =	vmul.f32 v2, v3;
	_ =	sdelay $0x1  }
0x4c: {  	[tilespmem:s21+$0xFFFFFEF0] =	vst v2;
	v2 =	vld [tilespmem:s21+$0xFFFFFF00];
	_ =	sdelay $0x2  }
0x4d: {  	v3 =	vbroadcast v1, $0x4;
	_ =	sdelay $0x1  }
0x4e: {  	v2 =	vmul.f32 v2, v3;
	_ =	sdelay $0x1  }
0x4f: {  	[tilespmem:s21+$0xFFFFFF00] =	vst v2;
	v2 =	vld [tilespmem:s21+$0xFFFFFF10];
	_ =	sdelay $0x4  }
0x50: {  	v2 =	vmul.f32 v2, v3;
	_ =	sdelay $0x1  }
0x51: {  	[tilespmem:s21+$0xFFFFFF10] =	vst v2;
	v2 =	vld [tilespmem:s21+$0xFFFFFF20];
	_ =	sdelay $0x4  }
0x52: {  	v2 =	vmul.f32 v2, v3;
	_ =	sdelay $0x1  }
0x53: {  	[tilespmem:s21+$0xFFFFFF20] =	vst v2;
	v2 =	vld [tilespmem:s21+$0xFFFFFF30];
	_ =	sdelay $0x4  }
0x54: {  	v2 =	vmul.f32 v2, v3;
	_ =	sdelay $0x1  }
0x55: {  	[tilespmem:s21+$0xFFFFFF30] =	vst v2;
	v2 =	vld [tilespmem:s21+$0xFFFFFF40];
	_ =	sdelay $0x2  }
0x56: {  	v3 =	vbroadcast v1, $0x5;
	_ =	sdelay $0x1  }
0x57: {  	v2 =	vmul.f32 v2, v3;
	_ =	sdelay $0x1  }
0x58: {  	[tilespmem:s21+$0xFFFFFF40] =	vst v2;
	v2 =	vld [tilespmem:s21+$0xFFFFFF50];
	_ =	sdelay $0x4  }
0x59: {  	v2 =	vmul.f32 v2, v3;
	_ =	sdelay $0x1  }
0x5a: {  	[tilespmem:s21+$0xFFFFFF50] =	vst v2;
	v2 =	vld [tilespmem:s21+$0xFFFFFF60];
	_ =	sdelay $0x4  }
0x5b: {  	v2 =	vmul.f32 v2, v3;
	_ =	sdelay $0x1  }
0x5c: {  	[tilespmem:s21+$0xFFFFFF60] =	vst v2;
	v2 =	vld [tilespmem:s21+$0xFFFFFF70];
	_ =	sdelay $0x4  }
0x5d: {  	v2 =	vmul.f32 v2, v3;
	_ =	sdelay $0x1  }
0x5e: {  	[tilespmem:s21+$0xFFFFFF70] =	vst v2;
	v2 =	vld [tilespmem:s21+$0xFFFFFF80];
	_ =	sdelay $0x2  }
0x5f: {  	v3 =	vbroadcast v1, $0x6;
	_ =	sdelay $0x1  }
0x60: {  	v2 =	vmul.f32 v2, v3;
	_ =	sdelay $0x1  }
0x61: {  	[tilespmem:s21+$0xFFFFFF80] =	vst v2;
	v2 =	vld [tilespmem:s21+$0xFFFFFF90];
	_ =	sdelay $0x4  }
0x62: {  	v2 =	vmul.f32 v2, v3;
	_ =	sdelay $0x1  }
0x63: {  	[tilespmem:s21+$0xFFFFFF90] =	vst v2;
	v2 =	vld [tilespmem:s21+$0xFFFFFFA0];
	_ =	sdelay $0x4  }
0x64: {  	v2 =	vmul.f32 v2, v3;
	_ =	sdelay $0x1  }
0x65: {  	[tilespmem:s21+$0xFFFFFFA0] =	vst v2;
	v2 =	vld [tilespmem:s21+$0xFFFFFFB0];
	_ =	sdelay $0x4  }
0x66: {  	v2 =	vmul.f32 v2, v3;
	_ =	sdelay $0x1  }
0x67: {  	[tilespmem:s21+$0xFFFFFFB0] =	vst v2;
	v2 =	vld [tilespmem:s21+$0xFFFFFFC0];
	_ =	sdelay $0x2  }
0x68: {  	v3 =	vbroadcast v1, $0x7;
	_ =	sdelay $0x1  }
0x69: {  	v2 =	vmul.f32 v2, v3;
	_ =	sdelay $0x1  }
0x6a: {  	[tilespmem:s21+$0xFFFFFFC0] =	vst v2;
	v2 =	vld [tilespmem:s21+$0xFFFFFFD0];
	_ =	sdelay $0x4  }
0x6b: {  	v2 =	vmul.f32 v2, v3;
	_ =	sdelay $0x1  }
0x6c: {  	[tilespmem:s21+$0xFFFFFFD0] =	vst v2;
	v2 =	vld [tilespmem:s21+$0xFFFFFFE0];
	_ =	sdelay $0x4  }
0x6d: {  	v2 =	vmul.f32 v2, v3;
	_ =	sdelay $0x1  }
0x6e: {  	[tilespmem:s21+$0xFFFFFFE0] =	vst v2;
	v2 =	vld [tilespmem:s21+$0xFFFFFFF0];
	_ =	sdelay $0x4  }
0x6f: {  	v2 =	vmul.f32 v2, v3;
	_ =	sdelay $0x1  }
0x70: {  	[tilespmem:s21+$0xFFFFFFF0] =	vst v2;
	v2 =	vld [tilespmem:s21+$0x0];
	_ =	sdelay $0x2  }
0x71: {  	v3 =	vbroadcast v1, $0x8;
	_ =	sdelay $0x1  }
0x72: {  	v2 =	vmul.f32 v2, v3;
	_ =	sdelay $0x1  }
0x73: {  	[tilespmem:s21+$0x0] =	vst v2;
	v2 =	vld [tilespmem:s21+$0x10];
	_ =	sdelay $0x4  }
0x74: {  	v2 =	vmul.f32 v2, v3;
	_ =	sdelay $0x1  }
0x75: {  	[tilespmem:s21+$0x10] =	vst v2;
	v2 =	vld [tilespmem:s21+$0x20];
	_ =	sdelay $0x4  }
0x76: {  	v2 =	vmul.f32 v2, v3;
	_ =	sdelay $0x1  }
0x77: {  	[tilespmem:s21+$0x20] =	vst v2;
	v2 =	vld [tilespmem:s21+$0x30];
	_ =	sdelay $0x4  }
0x78: {  	v2 =	vmul.f32 v2, v3;
	_ =	sdelay $0x1  }
0x79: {  	[tilespmem:s21+$0x30] =	vst v2;
	v2 =	vld [tilespmem:s21+$0x40];
	_ =	sdelay $0x2  }
0x7a: {  	v3 =	vbroadcast v1, $0x9;
	_ =	sdelay $0x1  }
0x7b: {  	v2 =	vmul.f32 v2, v3;
	_ =	sdelay $0x1  }
0x7c: {  	[tilespmem:s21+$0x40] =	vst v2;
	v2 =	vld [tilespmem:s21+$0x50];
	_ =	sdelay $0x4  }
0x7d: {  	v2 =	vmul.f32 v2, v3;
	_ =	sdelay $0x1  }
0x7e: {  	[tilespmem:s21+$0x50] =	vst v2;
	v2 =	vld [tilespmem:s21+$0x60];
	_ =	sdelay $0x4  }
0x7f: {  	v2 =	vmul.f32 v2, v3;
	_ =	sdelay $0x1  }
0x80: {  	[tilespmem:s21+$0x60] =	vst v2;
	v2 =	vld [tilespmem:s21+$0x70];
	_ =	sdelay $0x4  }
0x81: {  	v2 =	vmul.f32 v2, v3;
	_ =	sdelay $0x1  }
0x82: {  	[tilespmem:s21+$0x70] =	vst v2;
	v2 =	vld [tilespmem:s21+$0x80];
	_ =	sdelay $0x2  }
0x83: {  	v3 =	vbroadcast v1, $0xA;
	_ =	sdelay $0x1  }
0x84: {  	v2 =	vmul.f32 v2, v3;
	_ =	sdelay $0x1  }
0x85: {  	[tilespmem:s21+$0x80] =	vst v2;
	v2 =	vld [tilespmem:s21+$0x90];
	_ =	sdelay $0x4  }
0x86: {  	v2 =	vmul.f32 v2, v3;
	_ =	sdelay $0x1  }
0x87: {  	[tilespmem:s21+$0x90] =	vst v2;
	v2 =	vld [tilespmem:s21+$0xA0];
	_ =	sdelay $0x4  }
0x88: {  	v2 =	vmul.f32 v2, v3;
	_ =	sdelay $0x1  }
0x89: {  	[tilespmem:s21+$0xA0] =	vst v2;
	v2 =	vld [tilespmem:s21+$0xB0];
	_ =	sdelay $0x4  }
0x8a: {  	v2 =	vmul.f32 v2, v3;
	_ =	sdelay $0x1  }
0x8b: {  	[tilespmem:s21+$0xB0] =	vst v2;
	v2 =	vld [tilespmem:s21+$0xC0];
	_ =	sdelay $0x2  }
0x8c: {  	v3 =	vbroadcast v1, $0xB;
	_ =	sdelay $0x1  }
0x8d: {  	v2 =	vmul.f32 v2, v3;
	_ =	sdelay $0x1  }
0x8e: {  	[tilespmem:s21+$0xC0] =	vst v2;
	v2 =	vld [tilespmem:s21+$0xD0];
	_ =	sdelay $0x4  }
0x8f: {  	v2 =	vmul.f32 v2, v3;
	_ =	sdelay $0x1  }
0x90: {  	[tilespmem:s21+$0xD0] =	vst v2;
	v2 =	vld [tilespmem:s21+$0xE0];
	_ =	sdelay $0x4  }
0x91: {  	v2 =	vmul.f32 v2, v3;
	_ =	sdelay $0x1  }
0x92: {  	[tilespmem:s21+$0xE0] =	vst v2;
	v2 =	vld [tilespmem:s21+$0xF0];
	_ =	sdelay $0x4  }
0x93: {  	v2 =	vmul.f32 v2, v3;
	_ =	sdelay $0x1  }
0x94: {  	[tilespmem:s21+$0xF0] =	vst v2;
	v2 =	vld [tilespmem:s21+$0x100];
	_ =	sdelay $0x2  }
0x95: {  	v3 =	vbroadcast v1, $0xC;
	_ =	sdelay $0x1  }
0x96: {  	v2 =	vmul.f32 v2, v3;
	_ =	sdelay $0x1  }
0x97: {  	[tilespmem:s21+$0x100] =	vst v2;
	v2 =	vld [tilespmem:s21+$0x110];
	_ =	sdelay $0x4  }
0x98: {  	v2 =	vmul.f32 v2, v3;
	_ =	sdelay $0x1  }
0x99: {  	[tilespmem:s21+$0x110] =	vst v2;
	v2 =	vld [tilespmem:s21+$0x120];
	_ =	sdelay $0x4  }
0x9a: {  	v2 =	vmul.f32 v2, v3;
	_ =	sdelay $0x1  }
0x9b: {  	[tilespmem:s21+$0x120] =	vst v2;
	v2 =	vld [tilespmem:s21+$0x130];
	_ =	sdelay $0x4  }
0x9c: {  	v2 =	vmul.f32 v2, v3;
	_ =	sdelay $0x1  }
0x9d: {  	[tilespmem:s21+$0x130] =	vst v2;
	v2 =	vld [tilespmem:s21+$0x140];
	_ =	sdelay $0x2  }
0x9e: {  	v3 =	vbroadcast v1, $0xD;
	_ =	sdelay $0x1  }
0x9f: {  	v2 =	vmul.f32 v2, v3;
	_ =	sdelay $0x1  }
0xa0: {  	[tilespmem:s21+$0x140] =	vst v2;
	v2 =	vld [tilespmem:s21+$0x150];
	_ =	sdelay $0x4  }
0xa1: {  	v2 =	vmul.f32 v2, v3;
	_ =	sdelay $0x1  }
0xa2: {  	[tilespmem:s21+$0x150] =	vst v2;
	v2 =	vld [tilespmem:s21+$0x160];
	_ =	sdelay $0x4  }
0xa3: {  	v2 =	vmul.f32 v2, v3;
	_ =	sdelay $0x1  }
0xa4: {  	[tilespmem:s21+$0x160] =	vst v2;
	v2 =	vld [tilespmem:s21+$0x170];
	_ =	sdelay $0x4  }
0xa5: {  	v2 =	vmul.f32 v2, v3;
	_ =	sdelay $0x1  }
0xa6: {  	[tilespmem:s21+$0x170] =	vst v2;
	v2 =	vld [tilespmem:s21+$0x180];
	_ =	sdelay $0x2  }
0xa7: {  	v3 =	vbroadcast v1, $0xE;
	_ =	sdelay $0x1  }
0xa8: {  	v2 =	vmul.f32 v2, v3;
	_ =	sdelay $0x1  }
0xa9: {  	[tilespmem:s21+$0x180] =	vst v2;
	v2 =	vld [tilespmem:s21+$0x190];
	_ =	sdelay $0x4  }
0xaa: {  	v2 =	vmul.f32 v2, v3;
	_ =	sdelay $0x1  }
0xab: {  	[tilespmem:s21+$0x190] =	vst v2;
	v2 =	vld [tilespmem:s21+$0x1A0];
	_ =	sdelay $0x4  }
0xac: {  	v2 =	vmul.f32 v2, v3;
	_ =	sdelay $0x1  }
0xad: {  	[tilespmem:s21+$0x1A0] =	vst v2;
	v2 =	vld [tilespmem:s21+$0x1B0];
	_ =	sdelay $0x4  }
0xae: {  	v2 =	vmul.f32 v2, v3;
	_ =	sdelay $0x1  }
0xaf: {  	[tilespmem:s21+$0x1B0] =	vst v2;
	v2 =	vld [tilespmem:s21+$0x1C0];
	_ =	sdelay $0x2  }
0xb0: {  	v1 =	vbroadcast v1, $0xF;
	_ =	sdelay $0x1  }
0xb1: {  	v2 =	vmul.f32 v2, v1;
	_ =	sdelay $0x1  }
0xb2: {  	[tilespmem:s21+$0x1C0] =	vst v2;
	v2 =	vld [tilespmem:s21+$0x1D0];
	_ =	sdelay $0x4  }
0xb3: {  	v2 =	vmul.f32 v2, v1;
	_ =	sdelay $0x1  }
0xb4: {  	[tilespmem:s21+$0x1D0] =	vst v2;
	v2 =	vld [tilespmem:s21+$0x1E0];
	_ =	sdelay $0x4  }
0xb5: {  	v2 =	vmul.f32 v2, v1;
	_ =	sdelay $0x1  }
0xb6: {  	[tilespmem:s21+$0x1E0] =	vst v2;
	v2 =	vld [tilespmem:s21+$0x1F0];
	_ =	sdelay $0x1  }
0xb7: {  	p1 =	sne.s32 s20, $0x100  }
.Ltmp0:
0xb8: {  	_ = 	snop;
	(pc) =	sbr.rel @p1 .LBB2_3-.Ltmp0, $3  }
0xb9: {  	_ = 	snop  }
0xba: {  	v1 =	vmul.f32 v2, v1;
	_ =	sdelay $0x1  }
0xbb: {  	s20 =	sadd.s32 $0x40, s20;
	[tilespmem:s21+$0x1F0] =	vst v1;
	s21 =	sadd.s32 $0x400, s21  }
0xbc: {  	s18 =	sadd.s32 $0x1, s18  }
0xbd: {  	p1 =	sne.s32 s18, $0x7D  }
.Ltmp1:
0xbe: {  	s19 =	sadd.s32 $0x2710, s19;
	(pc) =	sbr.rel @p1 .LBB2_2-.Ltmp1, $4  }
0xbf: {  	[spmem:s1] =	stream.indirect.scatter.add.f32 [tilespmem:s15], [sflag:$0x1], $0x40, s19, s14, $0xb8;
	[tilespmem:$0x12570] =	vst v63  }
0xc0: {  	_ =	swait.ge [sflag:s10], $0x1400  }
0xc1: {  	[sflag:s10] =	ssyncset.done $0x0  }
0xc2: {  	s17 =	sadd.s32 $0x50, s17;
	[sflag:s10] =	ssyncadd.s32 $0xFFFFEC00  }
0xc3: {  	[bflag:$0x0] =	sbarrier.arrive $0xFFFF;
	s17 =	simm.s32 @!p0 $0x1C01;
	s16 =	sadd.s32 $0x1, s16  }
0xc4: {  	[hbm:s8], [sflag:s17] =	dma.local @!p0 [spmem:s13], $0x13880  }
0xc5: {  	p1 =	sne.s32 s16, s9  }
.Ltmp2:
0xc6: {  	_ = 	snop;
	(pc) =	sbr.rel @p1 .LBB2_1-.Ltmp2, $4  }
0xc7: {  	s17 =	simm.s32 @!p0 $0x1  }
0xc8: {  	_ =	swait.ge @!p0 [sflag:s17], $0x13880  }
0xc9: {  	[sflag:s17] =	ssyncset.done @!p0 $0x0  }
0xca: {  	[sflag:s17] =	ssyncadd.s32 @!p0 $0xFFFEC780  }
0xcb: {  	_ =	sfence.sel $0x180000  }
0xcc: {  	[bflag:$0x0] =	sbarrier.arrive $0xFFFF  }
0xcd: {  	_ =	strace $0x9000004A  }
0xce: {  	s0 =	sadd.s32 @!p0 $0x100000, s0;
	[bflag:$0x2] =	sbarrier.arrive $0xFFFF  }
0xcf: {  	[sflag:s0] =	ssyncadd.tile.s32 @!p0 $0x1;
	_ =	shalt  }
.Lfunc_end2:
_tile_overlayer_lowered:
.L_overlay_start_2:
0xd0: {  	(tag) =	ssettag $0x2  }
0xd1: {  	s0 =	rddreg [dreg:$0x0];
	s2 =	stileid.u32  }
0xd2: {  	s1 =	rddreg [dreg:$0x1];
	p0 =	sne.s32 s2, $0x0  }
0xd3: {  	s3 =	rddreg [dreg:$0x2];
	[bflag:$0x3] =	sbarrier.arrive $0xFFFF;
	s2 =	simm.s32 @!p0 $0x1C01  }
0xd4: {  	[timem:s3], [sflag:s2] =	dma.local @!p0 [hbm:s0], s1  }
0xd5: {  	s0 =	simm.s32 @!p0 $0x1  }
0xd6: {  	_ =	swait.ge @!p0 [sflag:s0], s1  }
0xd7: {  	s1 =	ssub.s32 @!p0 $0x0, s1;
	[sflag:s0] =	ssyncset.done @!p0 $0x0  }
0xd8: {  	[sflag:s0] =	ssyncadd.s32 @!p0 s1  }
0xd9: {  	[bflag:$0x3] =	sbarrier.arrive $0xFFFF  }
0xda: {  	_ =	shalt  }

// kernel: kernel.7.cloned.1.call-start
scs
__scs_entry_jumppad:
0x0: {  	(pc) =	sbr.rel $0x88, $3  }
0x1: {  	(tag) =	ssettag $0x0;
	lr =	simm.s32 $0x1  }
0x2: {  	[smem:$0x3F94] =	sst lr;
	_ =	strace $0xD0000000  }
0x3: {  	_ = 	snop  }
0x4: {  	_ = 	snop  }
0x5: {  	_ = 	snop  }
0x6: {  	_ = 	snop  }
0x7: {  	_ = 	snop  }
__scs_overlays_trampoline_lowered:
0x8: {  	[smem:$0x3FA3] =	sst s0  }
0x9: {  	[smem:$0x3FA4] =	sst s1  }
0xa: {  	[smem:$0x3FA5] =	sst s2  }
0xb: {  	[smem:$0x3FA6] =	sst s3  }
0xc: {  	[smem:$0x3FA7] =	sst s4  }
0xd: {  	[smem:$0x3FA8] =	sst s5  }
0xe: {  	[smem:$0x3FA9] =	sst s6  }
0xf: {  	[smem:$0x3FAA] =	sst s7  }
0x10: {  	[smem:$0x3FAB] =	sst s8  }
0x11: {  	[smem:$0x3FAC] =	sst s9;
	s0 =	simm.s32 @!p0 $0x0  }
0x12: {  	s1 =	sld [smem:$0x3F92];
	s0 =	simm.s32 @p0 $0x1  }
0x13: {  	[smem:$0x3FAD] =	sst s0;
	s0 =	simm.s32 @!p1 $0x0  }
0x14: {  	s2 =	sld [smem:$0x3F91];
	s0 =	simm.s32 @p1 $0x1  }
0x15: {  	[smem:$0x3FAE] =	sst s0;
	s0 =	simm.s32 @!p2 $0x0  }
0x16: {  	s3 =	sld [smem:$0x3FDB];
	s0 =	simm.s32 @p2 $0x1  }
0x17: {  	s4 =	simm.s32 $0x1BF5;
	[smem:$0x3FB0] =	sst s0  }
0x18: {  	s0 =	sld [smem:$0x3F93];
	_ =	swait.ge [sflag:s4], $0x0  }
0x19: {  	s7 =	sld [smem:$0x3F94]  }
0x1a: {  	s8 =	sadd.s32 $0xFFFFE003, lr  }
0x1b: {  	s9 =	sadd.s32 $0xFFFFFEF7, lr;
	s5 =	simm.s32 $0xFFFFFFFF;
	p2 =	slt.u32 s8, $0xFFFFF086  }
0x1c: {  	p1 =	slt.u32 s9, $0xF7A;
	s5 =	simm.s32 @!p2 $0x0  }
0x1d: {  	s5 =	simm.s32 @p1 $0x1;
	p0 =	seq.s32 s7, s2  }
0x1e: {  	s7 =	smul.u32 @!p0 $0xF7A, s2;
	p2 =	seq.s32 @!p0 s5, $0x0  }
0x1f: {  	s9 =	smul.u32 $0xF7A, s1;
	s8 =	simm.s32 @!p0 $0x1BF5;
	p2 =	por !p2, p0  }
0x20: {  	[sflag:s8] =	ssyncset.s32 @!p0 $0xFFFFF086;
	s6 =	sadd.s32 @!p0 s3, s7;
	s7 =	simm.s32 @!p0 $0x108  }
0x21: {  	s3 =	sadd.s32 s3, s9;
	s6 =	sadd.s32 @!p0 $0x88, s6;
	s7 =	simm.s32 @p2 $0x1082  }
0x22: {  	[simem:s7], [sflag:s8] =	dma.local @!p0 [hbm:s6], $0xF7A  }
0x23: {  	s9 =	sor.u32 $0xD0000000, s2;
	s6 =	simm.s32 $0x108;
	_ =	swait.ge @!p0 [sflag:s8], $0x0  }
0x24: {  	s3 =	sadd.s32 $0x88, s3;
	s6 =	simm.s32 @!p1 $0x1082;
	[sflag:s4] =	ssyncset.s32 $0xFFFFF086  }
0x25: {  	[simem:s6], [sflag:s4] =	dma.local [hbm:s3], $0xF7A  }
0x26: {  	[smem:$0x3F94] =	sst s1;
	(tag) =	ssettag s2;
	_ =	strace s9  }
0x27: {  	s1 =	sld [smem:$0x3FA4]  }
0x28: {  	s2 =	sld [smem:$0x3FA5]  }
0x29: {  	s4 =	sld [smem:$0x3FA7]  }
0x2a: {  	p0 =	seq.s32 s5, $0x0;
	s5 =	sld [smem:$0x3FA8]  }
0x2b: {  	s6 =	sld [smem:$0x3FA9]  }
0x2c: {  	s7 =	sld [smem:$0x3FAA]  }
0x2d: {  	s3 =	simm.s32 $0x108;
	s8 =	sld [smem:$0x3FAB]  }
0x2e: {  	s3 =	simm.s32 @!p0 $0x1082;
	s9 =	sld [smem:$0x3FAC]  }
0x2f: {  	lr =	sadd.s32 s0, s3;
	s0 =	sld [smem:$0x3FA3]  }
0x30: {  	s3 =	sld [smem:$0x3FA6]  }
0x31: {  	[smem:$0x3FAF] =	sst s10  }
0x32: {  	s10 =	sld [smem:$0x3FAD];
	_ =	sdelay $0x3  }
0x33: {  	p0 =	seq.s32 s10, $0x1;
	s10 =	sld [smem:$0x3FAF];
	_ =	sdelay $0x3  }
0x34: {  	[smem:$0x3FAF] =	sst s10  }
0x35: {  	s10 =	sld [smem:$0x3FAE];
	_ =	sdelay $0x3  }
0x36: {  	p1 =	seq.s32 s10, $0x1;
	s10 =	sld [smem:$0x3FAF];
	_ =	sdelay $0x3  }
0x37: {  	[smem:$0x3FAF] =	sst s10  }
0x38: {  	s10 =	sld [smem:$0x3FB0]  }
0x39: {  	_ = 	snop;
	(pc) =	sbr.ind lr, $3  }
0x3a: {  	_ = 	snop  }
0x3b: {  	_ = 	snop  }
0x3c: {  	p2 =	seq.s32 s10, $0x1;
	s10 =	sld [smem:$0x3FAF]  }
0x3d: {  	_ =	shalt  }
0x3e: {  	_ =	shalt  }
0x3f: {  	_ =	shalt  }
0x40: {  	_ =	shalt  }
0x41: {  	_ =	shalt  }
0x42: {  	_ =	shalt  }
0x43: {  	_ =	shalt  }
0x44: {  	_ =	shalt  }
0x45: {  	_ =	shalt  }
0x46: {  	_ =	shalt  }
0x47: {  	_ =	shalt  }
0x48: {  	_ =	shalt  }
0x49: {  	_ =	shalt  }
0x4a: {  	_ =	shalt  }
0x4b: {  	_ =	shalt  }
0x4c: {  	_ =	shalt  }
0x4d: {  	_ =	shalt  }
0x4e: {  	_ =	shalt  }
0x4f: {  	_ =	shalt  }
0x50: {  	_ =	shalt  }
0x51: {  	_ =	shalt  }
0x52: {  	_ =	shalt  }
0x53: {  	_ =	shalt  }
0x54: {  	_ =	shalt  }
0x55: {  	_ =	shalt  }
0x56: {  	_ =	shalt  }
0x57: {  	_ =	shalt  }
0x58: {  	_ =	shalt  }
0x59: {  	_ =	shalt  }
0x5a: {  	_ =	shalt  }
0x5b: {  	_ =	shalt  }
0x5c: {  	_ =	shalt  }
0x5d: {  	_ =	shalt  }
0x5e: {  	_ =	shalt  }
0x5f: {  	_ =	shalt  }
0x60: {  	_ =	shalt  }
0x61: {  	_ =	shalt  }
0x62: {  	_ =	shalt  }
0x63: {  	_ =	shalt  }
0x64: {  	_ =	shalt  }
0x65: {  	_ =	shalt  }
0x66: {  	_ =	shalt  }
0x67: {  	_ =	shalt  }
0x68: {  	_ =	shalt  }
0x69: {  	_ =	shalt  }
0x6a: {  	_ =	shalt  }
0x6b: {  	_ =	shalt  }
0x6c: {  	_ =	shalt  }
0x6d: {  	_ =	shalt  }
0x6e: {  	_ =	shalt  }
0x6f: {  	_ =	shalt  }
0x70: {  	_ =	shalt  }
0x71: {  	_ =	shalt  }
0x72: {  	_ =	shalt  }
0x73: {  	_ =	shalt  }
0x74: {  	_ =	shalt  }
0x75: {  	_ =	shalt  }
0x76: {  	_ =	shalt  }
0x77: {  	_ =	shalt  }
0x78: {  	_ =	shalt  }
0x79: {  	_ =	shalt  }
0x7a: {  	_ =	shalt  }
0x7b: {  	_ =	shalt  }
0x7c: {  	_ =	shalt  }
0x7d: {  	_ =	shalt  }
0x7e: {  	_ =	shalt  }
0x7f: {  	_ =	shalt  }
0x80: {  	_ =	shalt  }
0x81: {  	_ =	shalt  }
0x82: {  	_ =	shalt  }
0x83: {  	_ =	shalt  }
0x84: {  	_ =	shalt  }
0x85: {  	_ =	shalt  }
0x86: {  	_ =	shalt  }
0x87: {  	_ =	shalt  }
.Lfunc_end0:
.L_simem_size_0:
called_computation_lowered:
.L_overlay_start_0:
0x88: {  	s2 =	sld [smem:$0x3FD9]  }
0x89: {  	s3 =	sld [smem:$0x3FFE];
	_ =	sdelay $0x1  }
0x8a: {  	s1 =	srdreg.scid  }
0x8b: {  	s0 =	sand.u32 $0x1, s1  }
0x8c: {  	s17 =	sshll.u32 s0, $0xA;
	s2 =	sadd.s32 s3, s2  }
0x8d: {  	s2 =	sadd.s32 s2, s17  }
0x8e: {  	[smem:$0x3FBB] =	sst s2  }
0x8f: {  	_ = 	snop  }
0x90: {  	s2 =	sld [smem:$0x3FC7];
	(tm) =	ssettm $0x1  }
0x91: {  	s18 =	sld [smem:$0x3FFB];
	_ =	sdelay $0x3  }
0x92: {  	_ =	strace s18  }
0x93: {  	s3 =	sld [smem:$0x3FFC];
	_ =	sdelay $0x3  }
0x94: {  	_ =	strace s3  }
0x95: {  	s3 =	sld [smem:$0x3FFD];
	_ =	sdelay $0x3  }
0x96: {  	_ =	strace s3  }
0x97: {  	_ =	strace $0x8FFFFFFF  }
0x98: {  	s19 =	sld [smem:$0x3FDB];
	_ =	sdelay $0x1  }
0x99: {  	s4 =	simm.s32 $_scs_section_size  }
0x9a: {  	s5 =	simm.s32 $_size__tile_overlayer_lowered;
	s6 =	simm.s32 $_tile_overlayer_lowered  }
0x9b: {  	s22 =	simm.s32 $0x1BFF;
	s21 =	sshll.u32 s6, $0x1;
	s3 =	sadd.s32 s4, s19  }
0x9c: {  	s7 =	simm.s32 $0x0;
	s20 =	sshll.u32 s5, $0x1;
	s5 =	sadd.s32 s21, s3  }
0x9d: {  	[timem:s7], [sflag:s22] =	dma.local [hbm:s5], s20  }
0x9e: {  	_ =	swait.ge [sflag:s22], s20  }
0x9f: {  	s4 =	ssub.s32 $0x0, s20;
	[sflag:s22] =	ssyncset.done $0x0  }
0xa0: {  	[sflag:s22] =	ssyncadd.s32 s4;
	_ =	sdelay $0x1  }
0xa1: {  	s23 =	simm.s32 $0x1B8B  }
0xa2: {  	_ =	swait.ge [sflag:s23], $0x1  }
0xa3: {  	[sflag:s23] =	ssyncset.done $0x0  }
0xa4: {  	s25 =	simm.s32 $0x1B8E;
	s24 =	sld [smem:$0x3FFE];
	[sflag:s23] =	ssyncadd.s32 $0xFFFFFFFF  }
0xa5: {  	s26 =	simm.s32 $execute0_lowered;
	[smem:$0x3FD2] =	sst s25  }
0xa6: {  	s5 =	sshll.u32 s26, $0x1;
	_ =	strace $0x80000046;
	[dreg:$0x1] =	wrdreg $0xFFFFFFFF  }
0xa7: {  	s28 =	simm.s32 $_size_execute0_lowered;
	s3 =	sadd.s32 s3, s5;
	[dreg:$0x0] =	wrdreg $0x0  }
0xa8: {  	s5 =	sshll.u32 s28, $0x1;
	[dreg:$0x2] =	wrdreg s3  }
0xa9: {  	[dreg:$0x3] =	wrdreg s5  }
0xaa: {  	[dreg:$0x4] =	wrdreg $0xC0  }
0xab: {  	_ =	task [dreg:s7], $0x5FFFF  }
0xac: {  	[dreg:$0x1] =	wrdreg $0xFFFFFFFF  }
0xad: {  	[dreg:$0x0] =	wrdreg $0x60  }
0xae: {  	[dreg:$0x2] =	wrdreg s24  }
0xaf: {  	[dreg:$0x3] =	wrdreg s2  }
0xb0: {  	[dreg:$0x4] =	wrdreg $0x93300  }
0xb1: {  	[dreg:$0x5] =	wrdreg $0x9  }
0xb2: {  	_ =	task.clear_ibuf [dreg:s7], $0x6FFFF;
	_ =	strace $0x90000046  }
0xb3: {  	s29 =	simm.s32 $0x9;
	_ =	strace $0x80000048  }
0xb4: {  	_ =	swait.ge [sflag:s29], $0x1  }
0xb5: {  	[sflag:s29] =	ssyncadd.s32 $0xFFFFFFFF  }
0xb6: {  	_ =	strace $0x90000048  }
0xb7: {  	_ =	sfence  }
0xb8: {  	s30 =	sld [smem:$0x0];
	_ =	sdelay $0x2  }
0xb9: {  	s31 =	sshll.u32 s1, $0xD;
	s1 =	sshrl.u32 s1, $0x2  }
0xba: {  	s3 =	sand.u32 $0x4000, s31;
	s1 =	sadd.s32 s1, s30  }
0xbb: {  	s0 =	sor.u32 s3, s0;
	s1 =	sshll.u32 s1, $0x11  }
0xbc: {  	s0 =	sor.u32 s1, s0  }
0xbd: {  	s0 =	sadd.s32 $0x8F2B, s0  }
0xbe: {  	[sflag:s0] =	ssyncadd.remote.s32 $0x1  }
0xbf: {  	_ =	sfence.sel $0xFFFF  }
0xc0: {  	[dreg:$0x0] =	wrdreg $0xFFFFFFFF;
	(pc) =	sbr.abs _section_cstart, $3  }
0xc1: {  	[dreg:$0x1] =	wrdreg $0xFFFFFFFF  }
0xc2: {  	_ =	task.clear_ibuf [dreg:s7], $0x2FFFF;
	_ =	strace $0x9FFFFFFF  }
0xc3: {  	(tm) =	ssettm $0x7FFFFFFF  }
tec
execute0_lowered:
.L_overlay_start_1:
0x0: {  	(tag) =	ssettag $0x1  }
0x1: {  	s5 =	rddreg [dreg:$0x0]  }
0x2: {  	s7 =	rddreg [dreg:$0x1]  }
0x3: {  	s1 =	rddreg [dreg:$0x2]  }
0x4: {  	s0 =	rddreg [dreg:$0x3]  }
0x5: {  	s3 =	srdreg.scid;
	s10 =	stileid.u32;
	s2 =	simm.s32 $0x0  }
0x6: {  	s14 =	simm.s32 $0x50;
	s15 =	simm.s32 $0x7530;
	s16 =	simm.s32 $0x0  }
0x7: {  	s4 =	sand.u32 $0x1, s3;
	s31 =	sshll.u32 s10, $0x1;
	[smem:$0x7FF] =	sst s2  }
0x8: {  	p0 =	sne.s32 s10, $0x0;
	s10 =	simm.s32 $0x1;
	s3 =	sor.u32 s4, s31  }
0x9: {  	_ =	strace $0x80000047;
	s6 =	smul.u32 $0x1D4C0, s4;
	s9 =	ssub.s32 $0x2, s4  }
0xa: {  	s4 =	sadd.s32 $0x32800, s5;
	s8 =	smul.u32 $0x4E2, s3;
	s12 =	sshrl.u32 s9, $0x1  }
0xb: {  	s3 =	sadd.s32 $0x1600, s5;
	s13 =	sadd.s32 s6, s5;
	s9 =	ssub.s32 s9, s12  }
0xc: {  	s12 =	simm.s32 $0x4E20;
	s11 =	sadd.s32 s8, s5;
	s7 =	sadd.s32 s7, s8  }
0xd: {  	s8 =	sadd.s32 $0x4FE00, s13;
	s9 =	smax.u32 s9, $0x1;
	s13 =	sshrl.u32 @!p0 s1, $0x3  }
0xe: {  	s5 =	sadd.s32 $0x28A00, s11;
	s6 =	sadd.s32 $0x1EC00, s11;
	s11 =	simm.s32 $0x2710  }
.LBB2_1:
0xf: {  	[tilespmem:s2], [sflag:$0x1] =	stream.linear.gather [hbm4b:s5+s2], $0x2710, $0x38;
	[tilespmem:$0x17D90] =	vst v63  }
0x10: {  	_ =	swait.ge [sflag:s10], $0x2710  }
0x11: {  	[sflag:s10] =	ssyncset.done $0x0  }
0x12: {  	[sflag:s10] =	ssyncadd.s32 $0xFFFFD8F0  }
0x13: {  	[tilespmem:s11], [sflag:$0x1] =	stream.linear.gather [hbm4b:s6+s2], $0x2710, $0x38;
	[tilespmem:$0x17D90] =	vst v63  }
0x14: {  	_ =	swait.ge [sflag:s10], $0x2710  }
0x15: {  	[sflag:s10] =	ssyncset.done $0x0  }
0x16: {  	[sflag:s10] =	ssyncadd.s32 $0xFFFFD8F0  }
0x17: {  	[tilespmem:s12], [sflag:$0x1] =	stream.linear.gather [hbm4b:s7+s2], $0x2710, $0x38;
	[tilespmem:$0x17D90] =	vst v63  }
0x18: {  	_ =	swait.ge [sflag:s10], $0x2710  }
0x19: {  	[sflag:s10] =	ssyncset.done $0x0  }
0x1a: {  	s17 =	simm.s32 @!p0 $0x1C01;
	[sflag:s10] =	ssyncadd.s32 $0xFFFFD8F0  }
0x1b: {  	[spmem:s13], [sflag:s17] =	dma.local @!p0 [hbm:s4], $0x1D4C0  }
0x1c: {  	s17 =	simm.s32 @!p0 $0x1  }
0x1d: {  	_ =	swait.ge @!p0 [sflag:s17], $0x1D4C0  }
0x1e: {  	[sflag:s17] =	ssyncset.done @!p0 $0x0  }
0x1f: {  	[sflag:s17] =	ssyncadd.s32 @!p0 $0xFFFE2B40  }
0x20: {  	s18 =	simm.s32 $0x0;
	s17 =	simm.s32 $0x4E20;
	[bflag:$0x0] =	sbarrier.arrive $0xFFFF  }
.LBB2_2:
0x21: {  	s19 =	smul.u32 $0x50, s18  }
0x22: {  	v0 =	vmov s17  }
0x23: {  	[tilespmem:s15], [sflag:$0x1] =	stream.indirect.gather [hbm4b:s3+s14], $0x60, s19, s14, $0xb8;
	[tilespmem:$0x17D90] =	vst v63  }
0x24: {  	_ =	swait.ge [sflag:s10], $0x1E00  }
0x25: {  	[sflag:s10] =	ssyncset.done $0x0  }
0x26: {  	s20 =	simm.s32 $0x0;
	[sflag:s10] =	ssyncadd.s32 $0xFFFFE200  }
0x27: {  	v1 =	vld.idx.msk [tilespmem:v0+s20+$0x0 ss:$0x1], $0xffff  }
0x28: {  	s20 =	simm.s32 $0x7830  }
0x29: {  	v2 =	vld [tilespmem:s20+$0xFFFFFD00]  }
0x2a: {  	v3 =	vld [tilespmem:s20+$0xFFFFFD10]  }
0x2b: {  	v4 =	vld [tilespmem:s20+$0xFFFFFD20]  }
0x2c: {  	v6 =	vld [tilespmem:s20+$0xFFFFFD30];
	v5 =	vbroadcast v1, $0x0  }
0x2d: {  	v7 =	vld [tilespmem:s20+$0xFFFFFD40]  }
0x2e: {  	v8 =	vld [tilespmem:s20+$0xFFFFFD50];
	v2 =	vmul.f32 v5, v2  }
0x2f: {  	v9 =	vld [tilespmem:s20+$0xFFFFFD60];
	v3 =	vmul.f32 v3, v5  }
0x30: {  	v14 =	vld [tilespmem:s20+$0xFFFFFD70];
	[tilespmem:s20+$0xFFFFFD00] =	vst v2;
	v2 =	vmul.f32 v4, v5  }
0x31: {  	v15 =	vld [tilespmem:s20+$0xFFFFFD80];
	[tilespmem:s20+$0xFFFFFD10] =	vst v3;
	v3 =	vmul.f32 v6, v5  }
0x32: {  	v10 =	vld [tilespmem:s20+$0xFFFFFD90];
	v16 =	vbroadcast v1, $0x1;
	[tilespmem:s20+$0xFFFFFD20] =	vst v2;
	v2 =	vmul.f32 v7, v5  }
0x33: {  	v17 =	vld [tilespmem:s20+$0xFFFFFDA0];
	[tilespmem:s20+$0xFFFFFD30] =	vst v3;
	v3 =	vmul.f32 v8, v5  }
0x34: {  	v18 =	vld [tilespmem:s20+$0xFFFFFDB0];
	[tilespmem:s20+$0xFFFFFD40] =	vst v2;
	v2 =	vmul.f32 v9, v16  }
0x35: {  	v19 =	vld [tilespmem:s20+$0xFFFFFDC0];
	[tilespmem:s20+$0xFFFFFD50] =	vst v3;
	v3 =	vmul.f32 v14, v16  }
0x36: {  	v20 =	vld [tilespmem:s20+$0xFFFFFDD0];
	[tilespmem:s20+$0xFFFFFD60] =	vst v2;
	v2 =	vmul.f32 v15, v16  }
0x37: {  	v21 =	vld [tilespmem:s20+$0xFFFFFDE0];
	[tilespmem:s20+$0xFFFFFD70] =	vst v3;
	v3 =	vmul.f32 v10, v16  }
0x38: {  	v23 =	vld [tilespmem:s20+$0xFFFFFDF0];
	v22 =	vbroadcast v1, $0x2;
	[tilespmem:s20+$0xFFFFFD80] =	vst v2;
	v2 =	vmul.f32 v17, v16  }
0x39: {  	v24 =	vld [tilespmem:s20+$0xFFFFFE00];
	[tilespmem:s20+$0xFFFFFD90] =	vst v3;
	v3 =	vmul.f32 v18, v16  }
0x3a: {  	v25 =	vld [tilespmem:s20+$0xFFFFFE10];
	[tilespmem:s20+$0xFFFFFDA0] =	vst v2;
	v2 =	vmul.f32 v19, v22  }
0x3b: {  	v26 =	vld [tilespmem:s20+$0xFFFFFE20];
	[tilespmem:s20+$0xFFFFFDB0] =	vst v3;
	v3 =	vmul.f32 v20, v22  }
0x3c: {  	v27 =	vld [tilespmem:s20+$0xFFFFFE30];
	[tilespmem:s20+$0xFFFFFDC0] =	vst v2;
	v2 =	vmul.f32 v21, v22  }
0x3d: {  	v28 =	vld [tilespmem:s20+$0xFFFFFE40];
	[tilespmem:s20+$0xFFFFFDD0] =	vst v3;
	v3 =	vmul.f32 v23, v22  }
0x3e: {  	v30 =	vld [tilespmem:s20+$0xFFFFFE50];
	v29 =	vbroadcast v1, $0x3;
	[tilespmem:s20+$0xFFFFFDE0] =	vst v2;
	v2 =	vmul.f32 v24, v22  }
0x3f: {  	v31 =	vld [tilespmem:s20+$0xFFFFFE60];
	[tilespmem:s20+$0xFFFFFDF0] =	vst v3;
	v3 =	vmul.f32 v25, v22  }
0x40: {  	v32 =	vld [tilespmem:s20+$0xFFFFFE70];
	[tilespmem:s20+$0xFFFFFE00] =	vst v2;
	v2 =	vmul.f32 v26, v29  }
0x41: {  	v33 =	vld [tilespmem:s20+$0xFFFFFE80];
	[tilespmem:s20+$0xFFFFFE10] =	vst v3;
	v3 =	vmul.f32 v27, v29  }
0x42: {  	v34 =	vld [tilespmem:s20+$0xFFFFFE90];
	[tilespmem:s20+$0xFFFFFE20] =	vst v2;
	v2 =	vmul.f32 v28, v29  }
0x43: {  	v35 =	vld [tilespmem:s20+$0xFFFFFEA0];
	[tilespmem:s20+$0xFFFFFE30] =	vst v3;
	v3 =	vmul.f32 v30, v29  }
0x44: {  	v37 =	vld [tilespmem:s20+$0xFFFFFEB0];
	v36 =	vbroadcast v1, $0x4;
	[tilespmem:s20+$0xFFFFFE40] =	vst v2;
	v2 =	vmul.f32 v31, v29  }
0x45: {  	v38 =	vld [tilespmem:s20+$0xFFFFFEC0];
	[tilespmem:s20+$0xFFFFFE50] =	vst v3;
	v3 =	vmul.f32 v32, v29  }
0x46: {  	v39 =	vld [tilespmem:s20+$0xFFFFFED0];
	[tilespmem:s20+$0xFFFFFE60] =	vst v2;
	v2 =	vmul.f32 v33, v36  }
0x47: {  	v40 =	vld [tilespmem:s20+$0xFFFFFEE0];
	[tilespmem:s20+$0xFFFFFE70] =	vst v3;
	v3 =	vmul.f32 v34, v36  }
0x48: {  	v41 =	vld [tilespmem:s20+$0xFFFFFEF0];
	[tilespmem:s20+$0xFFFFFE80] =	vst v2;
	v2 =	vmul.f32 v35, v36  }
0x49: {  	v42 =	vld [tilespmem:s20+$0xFFFFFF00];
	[tilespmem:s20+$0xFFFFFE90] =	vst v3;
	v3 =	vmul.f32 v37, v36  }
0x4a: {  	v44 =	vld [tilespmem:s20+$0xFFFFFF10];
	v43 =	vbroadcast v1, $0x5;
	[tilespmem:s20+$0xFFFFFEA0] =	vst v2;
	v2 =	vmul.f32 v38, v36  }
0x4b: {  	v45 =	vld [tilespmem:s20+$0xFFFFFF20];
	[tilespmem:s20+$0xFFFFFEB0] =	vst v3;
	v3 =	vmul.f32 v39, v36  }
0x4c: {  	v46 =	vld [tilespmem:s20+$0xFFFFFF30];
	[tilespmem:s20+$0xFFFFFEC0] =	vst v2;
	v2 =	vmul.f32 v40, v43  }
0x4d: {  	v47 =	vld [tilespmem:s20+$0xFFFFFF40];
	[tilespmem:s20+$0xFFFFFED0] =	vst v3;
	v3 =	vmul.f32 v41, v43  }
0x4e: {  	v48 =	vld [tilespmem:s20+$0xFFFFFF50];
	[tilespmem:s20+$0xFFFFFEE0] =	vst v2;
	v2 =	vmul.f32 v42, v43  }
0x4f: {  	v49 =	vld [tilespmem:s20+$0xFFFFFF60];
	[tilespmem:s20+$0xFFFFFEF0] =	vst v3;
	v3 =	vmul.f32 v44, v43  }
0x50: {  	v51 =	vld [tilespmem:s20+$0xFFFFFF70];
	v50 =	vbroadcast v1, $0x6;
	[tilespmem:s20+$0xFFFFFF00] =	vst v2;
	v2 =	vmul.f32 v45, v43  }
0x51: {  	v52 =	vld [tilespmem:s20+$0xFFFFFF80];
	[tilespmem:s20+$0xFFFFFF10] =	vst v3;
	v3 =	vmul.f32 v46, v43  }
0x52: {  	v53 =	vld [tilespmem:s20+$0xFFFFFF90];
	[tilespmem:s20+$0xFFFFFF20] =	vst v2;
	v2 =	vmul.f32 v47, v50  }
0x53: {  	v54 =	vld [tilespmem:s20+$0xFFFFFFA0];
	[tilespmem:s20+$0xFFFFFF30] =	vst v3;
	v3 =	vmul.f32 v48, v50  }
0x54: {  	v55 =	vld [tilespmem:s20+$0xFFFFFFB0];
	[tilespmem:s20+$0xFFFFFF40] =	vst v2;
	v2 =	vmul.f32 v49, v50  }
0x55: {  	v56 =	vld [tilespmem:s20+$0xFFFFFFC0];
	[tilespmem:s20+$0xFFFFFF50] =	vst v3;
	v3 =	vmul.f32 v51, v50  }
0x56: {  	v58 =	vld [tilespmem:s20+$0xFFFFFFD0];
	v57 =	vbroadcast v1, $0x7;
	[tilespmem:s20+$0xFFFFFF60] =	vst v2;
	v2 =	vmul.f32 v52, v50  }
0x57: {  	v59 =	vld [tilespmem:s20+$0xFFFFFFE0];
	[tilespmem:s20+$0xFFFFFF70] =	vst v3;
	v3 =	vmul.f32 v53, v50  }
0x58: {  	v60 =	vld [tilespmem:s20+$0xFFFFFFF0];
	[tilespmem:s20+$0xFFFFFF80] =	vst v2;
	v2 =	vmul.f32 v54, v57  }
0x59: {  	v61 =	vld [tilespmem:s20+$0x0];
	[tilespmem:s20+$0xFFFFFF90] =	vst v3;
	v3 =	vmul.f32 v55, v57  }
0x5a: {  	v62 =	vld [tilespmem:s20+$0x10];
	[tilespmem:s20+$0xFFFFFFA0] =	vst v2;
	v2 =	vmul.f32 v56, v57  }
0x5b: {  	v63 =	vld [tilespmem:s20+$0x20];
	[tilespmem:s20+$0xFFFFFFB0] =	vst v3;
	v3 =	vmul.f32 v58, v57  }
0x5c: {  	v13 =	vld [tilespmem:s20+$0x30];
	v12 =	vbroadcast v1, $0x8;
	[tilespmem:s20+$0xFFFFFFC0] =	vst v2;
	v2 =	vmul.f32 v59, v57  }
0x5d: {  	v14 =	vld [tilespmem:s20+$0x40];
	[tilespmem:s20+$0xFFFFFFD0] =	vst v3;
	v3 =	vmul.f32 v60, v57  }
0x5e: {  	v15 =	vld [tilespmem:s20+$0x50];
	[tilespmem:s20+$0xFFFFFFE0] =	vst v2;
	v2 =	vmul.f32 v61, v12  }
0x5f: {  	v16 =	vld [tilespmem:s20+$0x60];
	[tilespmem:s20+$0xFFFFFFF0] =	vst v3;
	v3 =	vmul.f32 v62, v12  }
0x60: {  	v17 =	vld [tilespmem:s20+$0x70];
	[tilespmem:s20+$0x0] =	vst v2;
	v2 =	vmul.f32 v63, v12  }
0x61: {  	v18 =	vld [tilespmem:s20+$0x80];
	[tilespmem:s20+$0x10] =	vst v3;
	v3 =	vmul.f32 v13, v12  }
0x62: {  	v19 =	vbroadcast v1, $0x9;
	v20 =	vld [tilespmem:s20+$0x90];
	[tilespmem:s20+$0x20] =	vst v2;
	v2 =	vmul.f32 v14, v12  }
0x63: {  	v21 =	vld [tilespmem:s20+$0xA0];
	[tilespmem:s20+$0x30] =	vst v3;
	v3 =	vmul.f32 v15, v12  }
0x64: {  	v22 =	vld [tilespmem:s20+$0xB0];
	[tilespmem:s20+$0x40] =	vst v2;
	v2 =	vmul.f32 v16, v19  }
0x65: {  	v23 =	vld [tilespmem:s20+$0xC0];
	[tilespmem:s20+$0x50] =	vst v3;
	v3 =	vmul.f32 v17, v19  }
0x66: {  	v24 =	vld [tilespmem:s20+$0xD0];
	[tilespmem:s20+$0x60] =	vst v2;
	v2 =	vmul.f32 v18, v19  }
0x67: {  	v25 =	vld [tilespmem:s20+$0xE0];
	[tilespmem:s20+$0x70] =	vst v3;
	v3 =	vmul.f32 v20, v19  }
0x68: {  	v26 =	vbroadcast v1, $0xA;
	v27 =	vld [tilespmem:s20+$0xF0];
	[tilespmem:s20+$0x80] =	vst v2;
	v2 =	vmul.f32 v21, v19  }
0x69: {  	v28 =	vld [tilespmem:s20+$0x100];
	[tilespmem:s20+$0x90] =	vst v3;
	v3 =	vmul.f32 v22, v19  }
0x6a: {  	v29 =	vld [tilespmem:s20+$0x110];
	[tilespmem:s20+$0xA0] =	vst v2;
	v2 =	vmul.f32 v23, v26  }
0x6b: {  	v30 =	vld [tilespmem:s20+$0x120];
	[tilespmem:s20+$0xB0] =	vst v3;
	v3 =	vmul.f32 v24, v26  }
0x6c: {  	v31 =	vld [tilespmem:s20+$0x130];
	[tilespmem:s20+$0xC0] =	vst v2;
	v2 =	vmul.f32 v25, v26  }
0x6d: {  	v32 =	vld [tilespmem:s20+$0x140];
	[tilespmem:s20+$0xD0] =	vst v3;
	v3 =	vmul.f32 v27, v26  }
0x6e: {  	v33 =	vbroadcast v1, $0xB;
	v34 =	vld [tilespmem:s20+$0x150];
	[tilespmem:s20+$0xE0] =	vst v2;
	v2 =	vmul.f32 v28, v26  }
0x6f: {  	v35 =	vld [tilespmem:s20+$0x160];
	[tilespmem:s20+$0xF0] =	vst v3;
	v3 =	vmul.f32 v29, v26  }
0x70: {  	v36 =	vld [tilespmem:s20+$0x170];
	[tilespmem:s20+$0x100] =	vst v2;
	v2 =	vmul.f32 v30, v33  }
0x71: {  	v37 =	vld [tilespmem:s20+$0x180];
	[tilespmem:s20+$0x110] =	vst v3;
	v3 =	vmul.f32 v31, v33  }
0x72: {  	v38 =	vld [tilespmem:s20+$0x190];
	[tilespmem:s20+$0x120] =	vst v2;
	v2 =	vmul.f32 v32, v33  }
0x73: {  	v39 =	vld [tilespmem:s20+$0x1A0];
	[tilespmem:s20+$0x130] =	vst v3;
	v3 =	vmul.f32 v34, v33  }
0x74: {  	v40 =	vbroadcast v1, $0xC;
	v41 =	vld [tilespmem:s20+$0x1B0];
	[tilespmem:s20+$0x140] =	vst v2;
	v2 =	vmul.f32 v35, v33  }
0x75: {  	v42 =	vld [tilespmem:s20+$0x1C0];
	[tilespmem:s20+$0x150] =	vst v3;
	v3 =	vmul.f32 v36, v33  }
0x76: {  	v43 =	vld [tilespmem:s20+$0x1D0];
	[tilespmem:s20+$0x160] =	vst v2;
	v2 =	vmul.f32 v37, v40  }
0x77: {  	v44 =	vld [tilespmem:s20+$0x1E0];
	[tilespmem:s20+$0x170] =	vst v3;
	v3 =	vmul.f32 v38, v40  }
0x78: {  	v45 =	vld [tilespmem:s20+$0x1F0];
	[tilespmem:s20+$0x180] =	vst v2;
	v2 =	vmul.f32 v39, v40  }
0x79: {  	v46 =	vld [tilespmem:s20+$0x200];
	[tilespmem:s20+$0x190] =	vst v3;
	v3 =	vmul.f32 v41, v40  }
0x7a: {  	v47 =	vbroadcast v1, $0xD;
	v48 =	vld [tilespmem:s20+$0x210];
	[tilespmem:s20+$0x1A0] =	vst v2;
	v2 =	vmul.f32 v42, v40  }
0x7b: {  	v49 =	vld [tilespmem:s20+$0x220];
	[tilespmem:s20+$0x1B0] =	vst v3;
	v3 =	vmul.f32 v43, v40  }
0x7c: {  	v50 =	vld [tilespmem:s20+$0x230];
	[tilespmem:s20+$0x1C0] =	vst v2;
	v2 =	vmul.f32 v44, v47  }
0x7d: {  	v51 =	vld [tilespmem:s20+$0x240];
	[tilespmem:s20+$0x1D0] =	vst v3;
	v3 =	vmul.f32 v45, v47  }
0x7e: {  	v52 =	vld [tilespmem:s20+$0x250];
	[tilespmem:s20+$0x1E0] =	vst v2;
	v2 =	vmul.f32 v46, v47  }
0x7f: {  	v53 =	vld [tilespmem:s20+$0x260];
	[tilespmem:s20+$0x1F0] =	vst v3;
	v3 =	vmul.f32 v48, v47  }
0x80: {  	v54 =	vbroadcast v1, $0xE;
	v55 =	vld [tilespmem:s20+$0x270];
	[tilespmem:s20+$0x200] =	vst v2;
	v2 =	vmul.f32 v49, v47  }
0x81: {  	v56 =	vld [tilespmem:s20+$0x280];
	[tilespmem:s20+$0x210] =	vst v3;
	v3 =	vmul.f32 v50, v47  }
0x82: {  	v57 =	vld [tilespmem:s20+$0x290];
	[tilespmem:s20+$0x220] =	vst v2;
	v2 =	vmul.f32 v51, v54  }
0x83: {  	v58 =	vld [tilespmem:s20+$0x2A0];
	[tilespmem:s20+$0x230] =	vst v3;
	v3 =	vmul.f32 v52, v54  }
0x84: {  	v59 =	vld [tilespmem:s20+$0x2B0];
	[tilespmem:s20+$0x240] =	vst v2;
	v2 =	vmul.f32 v53, v54  }
0x85: {  	v60 =	vld [tilespmem:s20+$0x2C0];
	[tilespmem:s20+$0x250] =	vst v3;
	v3 =	vmul.f32 v55, v54  }
0x86: {  	v1 =	vbroadcast v1, $0xF;
	v61 =	vld [tilespmem:s20+$0x2D0];
	[tilespmem:s20+$0x260] =	vst v2;
	v2 =	vmul.f32 v56, v54  }
0x87: {  	v62 =	vld [tilespmem:s20+$0x2E0];
	[tilespmem:s20+$0x270] =	vst v3;
	v3 =	vmul.f32 v57, v54  }
0x88: {  	[tilespmem:s20+$0x280] =	vst v2;
	v2 =	vmul.f32 v58, v1  }
0x89: {  	v63 =	vld [tilespmem:s20+$0x2F0];
	[tilespmem:s20+$0x290] =	vst v3;
	v3 =	vmul.f32 v59, v1  }
0x8a: {  	[tilespmem:s20+$0x2A0] =	vst v2;
	v2 =	vmul.f32 v60, v1  }
0x8b: {  	[tilespmem:s20+$0x2B0] =	vst v3;
	v3 =	vmul.f32 v61, v1  }
0x8c: {  	[tilespmem:s20+$0x2C0] =	vst v2;
	v2 =	vmul.f32 v62, v1  }
0x8d: {  	[tilespmem:s20+$0x2D0] =	vst v3  }
0x8e: {  	s22 =	simm.s32 $0x40;
	v1 =	vmul.f32 v63, v1;
	[tilespmem:s20+$0x2E0] =	vst v2  }
.LBB2_3:
0x8f: {  	s21 =	smov.u32 s22  }
0x90: {  	s23 =	sshra.s32 s22, $0x2;
	[tilespmem:s20+$0x2F0] =	vst v1;
	s20 =	sadd.s32 $0x600, s20;
	s21 =	sadd.s32 $0x40, s22  }
0x91: {  	p1 =	sne.s32 s22, $0x100;
	v1 =	vld.idx.msk [tilespmem:v0+s23+$0x0 ss:$0x1], $0xffff;
	_ =	sdelay $0x2  }
0x92: {  	v2 =	vld [tilespmem:s20+$0xFFFFFD00]  }
0x93: {  	v3 =	vld [tilespmem:s20+$0xFFFFFD10]  }
0x94: {  	v4 =	vld [tilespmem:s20+$0xFFFFFD20]  }
0x95: {  	v5 =	vbroadcast v1, $0x0;
	v6 =	vld [tilespmem:s20+$0xFFFFFD30]  }
0x96: {  	v7 =	vld [tilespmem:s20+$0xFFFFFD40]  }
0x97: {  	v2 =	vmul.f32 v5, v2;
	v8 =	vld [tilespmem:s20+$0xFFFFFD50]  }
0x98: {  	v3 =	vmul.f32 v3, v5;
	v9 =	vld [tilespmem:s20+$0xFFFFFD60]  }
0x99: {  	[tilespmem:s20+$0xFFFFFD00] =	vst v2;
	v2 =	vmul.f32 v4, v5;
	v4 =	vld [tilespmem:s20+$0xFFFFFD70]  }
0x9a: {  	[tilespmem:s20+$0xFFFFFD10] =	vst v3;
	v3 =	vmul.f32 v6, v5;
	v6 =	vld [tilespmem:s20+$0xFFFFFD80]  }
0x9b: {  	[tilespmem:s20+$0xFFFFFD20] =	vst v2;
	v2 =	vmul.f32 v7, v5;
	v7 =	vbroadcast v1, $0x1;
	v10 =	vld [tilespmem:s20+$0xFFFFFD90]  }
0x9c: {  	[tilespmem:s20+$0xFFFFFD30] =	vst v3;
	v3 =	vmul.f32 v8, v5;
	v5 =	vld [tilespmem:s20+$0xFFFFFDA0]  }
0x9d: {  	[tilespmem:s20+$0xFFFFFD40] =	vst v2;
	v2 =	vmul.f32 v9, v7;
	v8 =	vld [tilespmem:s20+$0xFFFFFDB0]  }
0x9e: {  	[tilespmem:s20+$0xFFFFFD50] =	vst v3;
	v3 =	vmul.f32 v4, v7;
	v4 =	vld [tilespmem:s20+$0xFFFFFDC0]  }
0x9f: {  	[tilespmem:s20+$0xFFFFFD60] =	vst v2;
	v2 =	vmul.f32 v6, v7;
	v6 =	vld [tilespmem:s20+$0xFFFFFDD0]  }
0xa0: {  	[tilespmem:s20+$0xFFFFFD70] =	vst v3;
	v3 =	vmul.f32 v10, v7;
	v9 =	vld [tilespmem:s20+$0xFFFFFDE0]  }
0xa1: {  	[tilespmem:s20+$0xFFFFFD80] =	vst v2;
	v2 =	vmul.f32 v5, v7;
	v5 =	vbroadcast v1, $0x2;
	v10 =	vld [tilespmem:s20+$0xFFFFFDF0]  }
0xa2: {  	[tilespmem:s20+$0xFFFFFD90] =	vst v3;
	v3 =	vmul.f32 v8, v7;
	v7 =	vld [tilespmem:s20+$0xFFFFFE00]  }
0xa3: {  	[tilespmem:s20+$0xFFFFFDA0] =	vst v2;
	v2 =	vmul.f32 v4, v5;
	v4 =	vld [tilespmem:s20+$0xFFFFFE10]  }
0xa4: {  	[tilespmem:s20+$0xFFFFFDB0] =	vst v3;
	v3 =	vmul.f32 v6, v5;
	v6 =	vld [tilespmem:s20+$0xFFFFFE20]  }
0xa5: {  	[tilespmem:s20+$0xFFFFFDC0] =	vst v2;
	v2 =	vmul.f32 v9, v5;
	v8 =	vld [tilespmem:s20+$0xFFFFFE30]  }
0xa6: {  	[tilespmem:s20+$0xFFFFFDD0] =	vst v3;
	v3 =	vmul.f32 v10, v5;
	v9 =	vld [tilespmem:s20+$0xFFFFFE40]  }
0xa7: {  	[tilespmem:s20+$0xFFFFFDE0] =	vst v2;
	v2 =	vmul.f32 v7, v5;
	v7 =	vbroadcast v1, $0x3;
	v10 =	vld [tilespmem:s20+$0xFFFFFE50]  }
0xa8: {  	[tilespmem:s20+$0xFFFFFDF0] =	vst v3;
	v3 =	vmul.f32 v4, v5;
	v4 =	vld [tilespmem:s20+$0xFFFFFE60]  }
0xa9: {  	[tilespmem:s20+$0xFFFFFE00] =	vst v2;
	v2 =	vmul.f32 v6, v7;
	v5 =	vld [tilespmem:s20+$0xFFFFFE70]  }
0xaa: {  	[tilespmem:s20+$0xFFFFFE10] =	vst v3;
	v3 =	vmul.f32 v8, v7;
	v6 =	vld [tilespmem:s20+$0xFFFFFE80]  }
0xab: {  	[tilespmem:s20+$0xFFFFFE20] =	vst v2;
	v2 =	vmul.f32 v9, v7;
	v8 =	vld [tilespmem:s20+$0xFFFFFE90]  }
0xac: {  	[tilespmem:s20+$0xFFFFFE30] =	vst v3;
	v3 =	vmul.f32 v10, v7;
	v9 =	vld [tilespmem:s20+$0xFFFFFEA0]  }
0xad: {  	[tilespmem:s20+$0xFFFFFE40] =	vst v2;
	v2 =	vmul.f32 v4, v7;
	v4 =	vbroadcast v1, $0x4;
	v10 =	vld [tilespmem:s20+$0xFFFFFEB0]  }
0xae: {  	[tilespmem:s20+$0xFFFFFE50] =	vst v3;
	v3 =	vmul.f32 v5, v7;
	v5 =	vld [tilespmem:s20+$0xFFFFFEC0]  }
0xaf: {  	[tilespmem:s20+$0xFFFFFE60] =	vst v2;
	v2 =	vmul.f32 v6, v4;
	v6 =	vld [tilespmem:s20+$0xFFFFFED0]  }
0xb0: {  	[tilespmem:s20+$0xFFFFFE70] =	vst v3;
	v3 =	vmul.f32 v8, v4;
	v7 =	vld [tilespmem:s20+$0xFFFFFEE0]  }
0xb1: {  	[tilespmem:s20+$0xFFFFFE80] =	vst v2;
	v2 =	vmul.f32 v9, v4;
	v8 =	vld [tilespmem:s20+$0xFFFFFEF0]  }
0xb2: {  	[tilespmem:s20+$0xFFFFFE90] =	vst v3;
	v3 =	vmul.f32 v10, v4;
	v9 =	vld [tilespmem:s20+$0xFFFFFF00]  }
0xb3: {  	[tilespmem:s20+$0xFFFFFEA0] =	vst v2;
	v2 =	vmul.f32 v5, v4;
	v5 =	vbroadcast v1, $0x5;
	v10 =	vld [tilespmem:s20+$0xFFFFFF10]  }
0xb4: {  	[tilespmem:s20+$0xFFFFFEB0] =	vst v3;
	v3 =	vmul.f32 v6, v4;
	v4 =	vld [tilespmem:s20+$0xFFFFFF20]  }
0xb5: {  	[tilespmem:s20+$0xFFFFFEC0] =	vst v2;
	v2 =	vmul.f32 v7, v5;
	v6 =	vld [tilespmem:s20+$0xFFFFFF30]  }
0xb6: {  	[tilespmem:s20+$0xFFFFFED0] =	vst v3;
	v3 =	vmul.f32 v8, v5;
	v7 =	vld [tilespmem:s20+$0xFFFFFF40]  }
0xb7: {  	[tilespmem:s20+$0xFFFFFEE0] =	vst v2;
	v2 =	vmul.f32 v9, v5;
	v8 =	vld [tilespmem:s20+$0xFFFFFF50]  }
0xb8: {  	[tilespmem:s20+$0xFFFFFEF0] =	vst v3;
	v3 =	vmul.f32 v10, v5;
	v9 =	vld [tilespmem:s20+$0xFFFFFF60]  }
0xb9: {  	[tilespmem:s20+$0xFFFFFF00] =	vst v2;
	v2 =	vmul.f32 v4, v5;
	v4 =	vbroadcast v1, $0x6;
	v10 =	vld [tilespmem:s20+$0xFFFFFF70]  }
0xba: {  	[tilespmem:s20+$0xFFFFFF10] =	vst v3;
	v3 =	vmul.f32 v6, v5;
	v5 =	vld [tilespmem:s20+$0xFFFFFF80]  }
0xbb: {  	[tilespmem:s20+$0xFFFFFF20] =	vst v2;
	v2 =	vmul.f32 v7, v4;
	v6 =	vld [tilespmem:s20+$0xFFFFFF90]  }
0xbc: {  	[tilespmem:s20+$0xFFFFFF30] =	vst v3;
	v3 =	vmul.f32 v8, v4;
	v7 =	vld [tilespmem:s20+$0xFFFFFFA0]  }
0xbd: {  	[tilespmem:s20+$0xFFFFFF40] =	vst v2;
	v2 =	vmul.f32 v9, v4;
	v8 =	vld [tilespmem:s20+$0xFFFFFFB0]  }
0xbe: {  	[tilespmem:s20+$0xFFFFFF50] =	vst v3;
	v3 =	vmul.f32 v10, v4;
	v9 =	vld [tilespmem:s20+$0xFFFFFFC0]  }
0xbf: {  	[tilespmem:s20+$0xFFFFFF60] =	vst v2;
	v2 =	vmul.f32 v5, v4;
	v5 =	vbroadcast v1, $0x7;
	v10 =	vld [tilespmem:s20+$0xFFFFFFD0]  }
0xc0: {  	[tilespmem:s20+$0xFFFFFF70] =	vst v3;
	v3 =	vmul.f32 v6, v4;
	v4 =	vld [tilespmem:s20+$0xFFFFFFE0]  }
0xc1: {  	[tilespmem:s20+$0xFFFFFF80] =	vst v2;
	v2 =	vmul.f32 v7, v5;
	v6 =	vld [tilespmem:s20+$0xFFFFFFF0]  }
0xc2: {  	[tilespmem:s20+$0xFFFFFF90] =	vst v3;
	v3 =	vmul.f32 v8, v5;
	v7 =	vld [tilespmem:s20+$0x0]  }
0xc3: {  	[tilespmem:s20+$0xFFFFFFA0] =	vst v2;
	v2 =	vmul.f32 v9, v5;
	v8 =	vld [tilespmem:s20+$0x10]  }
0xc4: {  	[tilespmem:s20+$0xFFFFFFB0] =	vst v3;
	v3 =	vmul.f32 v10, v5;
	v9 =	vld [tilespmem:s20+$0x20]  }
0xc5: {  	[tilespmem:s20+$0xFFFFFFC0] =	vst v2;
	v2 =	vmul.f32 v4, v5;
	v4 =	vbroadcast v1, $0x8;
	v10 =	vld [tilespmem:s20+$0x30]  }
0xc6: {  	[tilespmem:s20+$0xFFFFFFD0] =	vst v3;
	v3 =	vmul.f32 v6, v5;
	v5 =	vld [tilespmem:s20+$0x40]  }
0xc7: {  	[tilespmem:s20+$0xFFFFFFE0] =	vst v2;
	v2 =	vmul.f32 v7, v4;
	v6 =	vld [tilespmem:s20+$0x50]  }
0xc8: {  	[tilespmem:s20+$0xFFFFFFF0] =	vst v3;
	v3 =	vmul.f32 v8, v4;
	v7 =	vld [tilespmem:s20+$0x60]  }
0xc9: {  	[tilespmem:s20+$0x0] =	vst v2;
	v2 =	vmul.f32 v9, v4;
	v8 =	vld [tilespmem:s20+$0x70]  }
0xca: {  	[tilespmem:s20+$0x10] =	vst v3;
	v3 =	vmul.f32 v10, v4;
	v9 =	vld [tilespmem:s20+$0x80]  }
0xcb: {  	[tilespmem:s20+$0x20] =	vst v2;
	v2 =	vmul.f32 v5, v4;
	v5 =	vbroadcast v1, $0x9;
	v10 =	vld [tilespmem:s20+$0x90]  }
0xcc: {  	[tilespmem:s20+$0x30] =	vst v3;
	v3 =	vmul.f32 v6, v4;
	v4 =	vld [tilespmem:s20+$0xA0]  }
0xcd: {  	[tilespmem:s20+$0x40] =	vst v2;
	v2 =	vmul.f32 v7, v5;
	v6 =	vld [tilespmem:s20+$0xB0]  }
0xce: {  	[tilespmem:s20+$0x50] =	vst v3;
	v3 =	vmul.f32 v8, v5;
	v7 =	vld [tilespmem:s20+$0xC0]  }
0xcf: {  	[tilespmem:s20+$0x60] =	vst v2;
	v2 =	vmul.f32 v9, v5;
	v8 =	vld [tilespmem:s20+$0xD0]  }
0xd0: {  	[tilespmem:s20+$0x70] =	vst v3;
	v3 =	vmul.f32 v10, v5;
	v9 =	vld [tilespmem:s20+$0xE0]  }
0xd1: {  	[tilespmem:s20+$0x80] =	vst v2;
	v2 =	vmul.f32 v4, v5;
	v4 =	vbroadcast v1, $0xA;
	v10 =	vld [tilespmem:s20+$0xF0]  }
0xd2: {  	[tilespmem:s20+$0x90] =	vst v3;
	v3 =	vmul.f32 v6, v5;
	v5 =	vld [tilespmem:s20+$0x100]  }
0xd3: {  	[tilespmem:s20+$0xA0] =	vst v2;
	v2 =	vmul.f32 v7, v4;
	v6 =	vld [tilespmem:s20+$0x110]  }
0xd4: {  	[tilespmem:s20+$0xB0] =	vst v3;
	v3 =	vmul.f32 v8, v4;
	v7 =	vld [tilespmem:s20+$0x120]  }
0xd5: {  	[tilespmem:s20+$0xC0] =	vst v2;
	v2 =	vmul.f32 v9, v4;
	v8 =	vld [tilespmem:s20+$0x130]  }
0xd6: {  	[tilespmem:s20+$0xD0] =	vst v3;
	v3 =	vmul.f32 v10, v4;
	v9 =	vld [tilespmem:s20+$0x140]  }
0xd7: {  	[tilespmem:s20+$0xE0] =	vst v2;
	v2 =	vmul.f32 v5, v4;
	v5 =	vbroadcast v1, $0xB;
	v10 =	vld [tilespmem:s20+$0x150]  }
0xd8: {  	[tilespmem:s20+$0xF0] =	vst v3;
	v3 =	vmul.f32 v6, v4;
	v4 =	vld [tilespmem:s20+$0x160]  }
0xd9: {  	[tilespmem:s20+$0x100] =	vst v2;
	v2 =	vmul.f32 v7, v5;
	v6 =	vld [tilespmem:s20+$0x170]  }
0xda: {  	[tilespmem:s20+$0x110] =	vst v3;
	v3 =	vmul.f32 v8, v5;
	v7 =	vld [tilespmem:s20+$0x180]  }
0xdb: {  	[tilespmem:s20+$0x120] =	vst v2;
	v2 =	vmul.f32 v9, v5;
	v8 =	vld [tilespmem:s20+$0x190]  }
0xdc: {  	[tilespmem:s20+$0x130] =	vst v3;
	v3 =	vmul.f32 v10, v5;
	v9 =	vld [tilespmem:s20+$0x1A0]  }
0xdd: {  	[tilespmem:s20+$0x140] =	vst v2;
	v2 =	vmul.f32 v4, v5;
	v4 =	vbroadcast v1, $0xC;
	v10 =	vld [tilespmem:s20+$0x1B0]  }
0xde: {  	[tilespmem:s20+$0x150] =	vst v3;
	v3 =	vmul.f32 v6, v5;
	v5 =	vld [tilespmem:s20+$0x1C0]  }
0xdf: {  	[tilespmem:s20+$0x160] =	vst v2;
	v2 =	vmul.f32 v7, v4;
	v6 =	vld [tilespmem:s20+$0x1D0]  }
0xe0: {  	[tilespmem:s20+$0x170] =	vst v3;
	v3 =	vmul.f32 v8, v4;
	v7 =	vld [tilespmem:s20+$0x1E0]  }
0xe1: {  	[tilespmem:s20+$0x180] =	vst v2;
	v2 =	vmul.f32 v9, v4;
	v8 =	vld [tilespmem:s20+$0x1F0]  }
0xe2: {  	[tilespmem:s20+$0x190] =	vst v3;
	v3 =	vmul.f32 v10, v4;
	v9 =	vld [tilespmem:s20+$0x200]  }
0xe3: {  	[tilespmem:s20+$0x1A0] =	vst v2;
	v2 =	vmul.f32 v5, v4;
	v5 =	vbroadcast v1, $0xD;
	v10 =	vld [tilespmem:s20+$0x210]  }
0xe4: {  	[tilespmem:s20+$0x1B0] =	vst v3;
	v3 =	vmul.f32 v6, v4;
	v4 =	vld [tilespmem:s20+$0x220]  }
0xe5: {  	[tilespmem:s20+$0x1C0] =	vst v2;
	v2 =	vmul.f32 v7, v5;
	v6 =	vld [tilespmem:s20+$0x230]  }
0xe6: {  	[tilespmem:s20+$0x1D0] =	vst v3;
	v3 =	vmul.f32 v8, v5;
	v7 =	vld [tilespmem:s20+$0x240]  }
0xe7: {  	[tilespmem:s20+$0x1E0] =	vst v2;
	v2 =	vmul.f32 v9, v5;
	v8 =	vld [tilespmem:s20+$0x250]  }
0xe8: {  	[tilespmem:s20+$0x1F0] =	vst v3;
	v3 =	vmul.f32 v10, v5;
	v9 =	vld [tilespmem:s20+$0x260]  }
0xe9: {  	[tilespmem:s20+$0x200] =	vst v2;
	v2 =	vmul.f32 v4, v5;
	v4 =	vbroadcast v1, $0xE;
	v10 =	vld [tilespmem:s20+$0x270]  }
0xea: {  	[tilespmem:s20+$0x210] =	vst v3;
	v3 =	vmul.f32 v6, v5;
	v5 =	vld [tilespmem:s20+$0x280]  }
0xeb: {  	[tilespmem:s20+$0x220] =	vst v2;
	v2 =	vmul.f32 v7, v4;
	v6 =	vld [tilespmem:s20+$0x290]  }
0xec: {  	[tilespmem:s20+$0x230] =	vst v3;
	v3 =	vmul.f32 v8, v4;
	v7 =	vld [tilespmem:s20+$0x2A0]  }
0xed: {  	[tilespmem:s20+$0x240] =	vst v2;
	v2 =	vmul.f32 v9, v4;
	v8 =	vld [tilespmem:s20+$0x2B0]  }
0xee: {  	[tilespmem:s20+$0x250] =	vst v3;
	v3 =	vmul.f32 v10, v4;
	v9 =	vld [tilespmem:s20+$0x2C0]  }
0xef: {  	v1 =	vbroadcast v1, $0xF;
	[tilespmem:s20+$0x260] =	vst v2;
	v2 =	vmul.f32 v5, v4;
	v5 =	vld [tilespmem:s20+$0x2D0]  }
0xf0: {  	[tilespmem:s20+$0x270] =	vst v3;
	v3 =	vmul.f32 v6, v4;
	v4 =	vld [tilespmem:s20+$0x2E0]  }
0xf1: {  	[tilespmem:s20+$0x280] =	vst v2;
	v2 =	vmul.f32 v7, v1;
	v6 =	vld [tilespmem:s20+$0x2F0]  }
0xf2: {  	[tilespmem:s20+$0x290] =	vst v3;
	v3 =	vmul.f32 v8, v1  }
.Ltmp0:
0xf3: {  	[tilespmem:s20+$0x2A0] =	vst v2;
	v2 =	vmul.f32 v9, v1;
	(pc) =	sbr.rel @p1 .LBB2_3-.Ltmp0, $4  }
0xf4: {  	[tilespmem:s20+$0x2B0] =	vst v3;
	v3 =	vmul.f32 v5, v1  }
0xf5: {  	[tilespmem:s20+$0x2C0] =	vst v2;
	v2 =	vmul.f32 v4, v1  }
0xf6: {  	[tilespmem:s20+$0x2D0] =	vst v3;
	v1 =	vmul.f32 v6, v1  }
0xf7: {  	s22 =	smov.u32 s21;
	[tilespmem:s20+$0x2E0] =	vst v2  }
0xf8: {  	s18 =	sadd.s32 $0x1, s18  }
0xf9: {  	p1 =	sne.s32 s18, $0x7D  }
.Ltmp1:
0xfa: {  	[tilespmem:s20+$0x2F0] =	vst v1;
	s19 =	sadd.s32 $0x2710, s19;
	(pc) =	sbr.rel @p1 .LBB2_2-.Ltmp1, $4  }
0xfb: {  	[spmem:s1] =	stream.indirect.scatter.add.f32 [tilespmem:s15], [sflag:$0x1], $0x60, s19, s14, $0xb8;
	[tilespmem:$0x17D90] =	vst v63  }
0xfc: {  	_ =	swait.ge [sflag:s10], $0x1E00  }
0xfd: {  	[sflag:s10] =	ssyncset.done $0x0  }
0xfe: {  	s17 =	sadd.s32 $0x50, s17;
	[sflag:s10] =	ssyncadd.s32 $0xFFFFE200  }
0xff: {  	[bflag:$0x0] =	sbarrier.arrive $0xFFFF;
	s17 =	simm.s32 @!p0 $0x1C01;
	s16 =	sadd.s32 $0x1, s16  }
0x100: {  	[hbm:s8], [sflag:s17] =	dma.local @!p0 [spmem:s13], $0x1D4C0  }
0x101: {  	p1 =	sne.s32 s16, s9  }
.Ltmp2:
0x102: {  	_ = 	snop;
	(pc) =	sbr.rel @p1 .LBB2_1-.Ltmp2, $4  }
0x103: {  	s17 =	simm.s32 @!p0 $0x1  }
0x104: {  	_ =	swait.ge @!p0 [sflag:s17], $0x1D4C0  }
0x105: {  	[sflag:s17] =	ssyncset.done @!p0 $0x0  }
0x106: {  	[sflag:s17] =	ssyncadd.s32 @!p0 $0xFFFE2B40  }
0x107: {  	_ =	sfence.sel $0x180000  }
0x108: {  	[bflag:$0x0] =	sbarrier.arrive $0xFFFF  }
0x109: {  	_ =	strace $0x90000047  }
0x10a: {  	s0 =	sadd.s32 @!p0 $0x100000, s0;
	[bflag:$0x2] =	sbarrier.arrive $0xFFFF  }
0x10b: {  	[sflag:s0] =	ssyncadd.tile.s32 @!p0 $0x1;
	_ =	shalt  }
.Lfunc_end2:
_tile_overlayer_lowered:
.L_overlay_start_2:
0x10c: {  	(tag) =	ssettag $0x2  }
0x10d: {  	s0 =	rddreg [dreg:$0x0];
	s2 =	stileid.u32  }
0x10e: {  	s1 =	rddreg [dreg:$0x1];
	p0 =	sne.s32 s2, $0x0  }
0x10f: {  	s3 =	rddreg [dreg:$0x2];
	[bflag:$0x3] =	sbarrier.arrive $0xFFFF;
	s2 =	simm.s32 @!p0 $0x1C01  }
0x110: {  	[timem:s3], [sflag:s2] =	dma.local @!p0 [hbm:s0], s1  }
0x111: {  	s0 =	simm.s32 @!p0 $0x1  }
0x112: {  	_ =	swait.ge @!p0 [sflag:s0], s1  }
0x113: {  	s1 =	ssub.s32 @!p0 $0x0, s1;
	[sflag:s0] =	ssyncset.done @!p0 $0x0  }
0x114: {  	[sflag:s0] =	ssyncadd.s32 @!p0 s1  }
0x115: {  	[bflag:$0x3] =	sbarrier.arrive $0xFFFF  }
0x116: {  	_ =	shalt  }

</sc_bundles>
